<compile_context>
chip_gen: v7x
topology: tpu7x:2x2x1
jax: 0.10.2.dev20260603
libtpu: 0.0.44.dev20260713+nightly
codegen_flags: <defaults>
</compile_context>

<pallas_src>
import functools

import jax
import jax.numpy as jnp
from jax import lax
from jax.experimental import pallas as pl
from jax.experimental.pallas import tpu as pltpu
from jax.experimental.pallas import tpu_sc as plsc

N = 10000
NP = 10240
HF = 32
NC, NS = 2, 16
NW = NC * NS
CH = 128
NBUF = 6


def _segsum_kernel(E):
    nrows = E // CH
    cpw = nrows // NW
    ntail = nrows - cpw * NW
    rps = NP // NS

    mesh = plsc.VectorSubcoreMesh(
        core_axis_name="c", subcore_axis_name="s", num_cores=NC, num_subcores=NS
    )

    @functools.partial(
        pl.kernel,
        out_type=jax.ShapeDtypeStruct((NC, NP, HF), jnp.float32),
        mesh=mesh,
        scratch_types=[
            pltpu.VMEM((cpw + 1, CH), jnp.int32),
            pltpu.VMEM((cpw + 1, CH), jnp.int32),
            [pltpu.VMEM((CH, HF), jnp.float32) for _ in range(NBUF)],
            pltpu.VMEM_SHARED((NP, HF), jnp.float32),
            [pltpu.SemaphoreType.DMA for _ in range(NBUF)],
            pltpu.SemaphoreType.DMA,
        ],
        compiler_params=pltpu.CompilerParams(use_tc_tiling_on_sc=False),
    )
    def seg(hw_hbm, src2_hbm, dst2_hbm, zeros_hbm, out_hbm,
            src_v, dst_v, rows_v, acc_sh, gsem, isem):
        c = lax.axis_index("c")
        s = lax.axis_index("s")
        wid = s * NC + c
        cbase = wid * cpw
        has_tail = wid < ntail

        pltpu.async_copy(src2_hbm.at[pl.ds(cbase, cpw)],
                         src_v.at[pl.ds(0, cpw)], isem)
        pltpu.async_copy(dst2_hbm.at[pl.ds(cbase, cpw)],
                         dst_v.at[pl.ds(0, cpw)], isem)

        @pl.when(has_tail)
        def _():
            t = NW * cpw + wid
            pltpu.async_copy(src2_hbm.at[pl.ds(t, 1)],
                             src_v.at[pl.ds(cpw, 1)], isem)
            pltpu.async_copy(dst2_hbm.at[pl.ds(t, 1)],
                             dst_v.at[pl.ds(cpw, 1)], isem)
            pltpu.make_async_copy(src2_hbm.at[pl.ds(t, 1)],
                                  src_v.at[pl.ds(cpw, 1)], isem).wait()
            pltpu.make_async_copy(dst2_hbm.at[pl.ds(t, 1)],
                                  dst_v.at[pl.ds(cpw, 1)], isem).wait()

        pltpu.make_async_copy(src2_hbm.at[pl.ds(cbase, cpw)],
                              src_v.at[pl.ds(0, cpw)], isem).wait()
        pltpu.make_async_copy(dst2_hbm.at[pl.ds(cbase, cpw)],
                              dst_v.at[pl.ds(0, cpw)], isem).wait()

        for b in range(NBUF):
            pltpu.async_copy(hw_hbm.at[src_v.at[b]], rows_v[b], gsem[b])

        pltpu.sync_copy(zeros_hbm.at[pl.ds(s * rps, rps)],
                        acc_sh.at[pl.ds(s * rps, rps)])
        plsc.subcore_barrier()

        def outer(io, carry):
            i0 = io * NBUF
            for b in range(NBUF):
                i = i0 + b
                pltpu.make_async_copy(hw_hbm.at[src_v.at[i]], rows_v[b],
                                      gsem[b]).wait()
                pltpu.sync_copy(rows_v[b], acc_sh.at[dst_v.at[i]], add=True)
                nxt = i + NBUF

                @pl.when(nxt < cpw)
                def _():
                    pltpu.async_copy(hw_hbm.at[src_v.at[nxt]], rows_v[b],
                                     gsem[b])
            return carry

        lax.fori_loop(0, cpw // NBUF, outer, 0)

        @pl.when(has_tail)
        def _():
            pltpu.async_copy(hw_hbm.at[src_v.at[cpw]], rows_v[0], gsem[0])
            pltpu.make_async_copy(hw_hbm.at[src_v.at[cpw]], rows_v[0],
                                  gsem[0]).wait()
            pltpu.sync_copy(rows_v[0], acc_sh.at[dst_v.at[cpw]], add=True)

        plsc.subcore_barrier()

        pltpu.sync_copy(acc_sh.at[pl.ds(s * rps, rps)],
                        out_hbm.at[c, pl.ds(s * rps, rps)])

    return seg


NPK = NP * HF // 128


def _mm1_body(x_ref, w_ref, out_ref):
    out_ref[pl.ds(0, N), :] = jnp.dot(x_ref[...], w_ref[...],
                                      preferred_element_type=jnp.float32)
    out_ref[pl.ds(N, NP - N), :] = jnp.zeros((NP - N, HF), jnp.float32)


def _mm2_body(p_ref, w_ref, out_ref):
    h = jnp.maximum(p_ref[0] + p_ref[1], 0.0)
    out_ref[...] = jnp.dot(h, w_ref[...], preferred_element_type=jnp.float32)


def _z_body(p_ref, eps_ref, out_ref):
    agg = p_ref[0] + p_ref[1]
    z = agg[:N, :16] + eps_ref[...] * jnp.exp(agg[:N, 16:])
    out_ref[pl.ds(0, N), :] = z
    out_ref[pl.ds(N, NP - N), :] = jnp.zeros((NP - N, 16), jnp.float32)


SR = 128


def _dec_body(zi_ref, zj_ref, out_ref):
    res = lax.dot_general(
        zi_ref[...], zj_ref[...], (((1,), (1,)), ((), ())),
        preferred_element_type=jnp.float32)
    for r in range(SR):
        out_ref[pl.ds(r * N, N)] = res[r, :N]


def kernel(x, edge_index, eps, W1, W_mu, W_logstd):
    E = edge_index.shape[1]
    src = edge_index[0].reshape(E // CH, CH)
    dst = edge_index[1].reshape(E // CH, CH)
    Wc = jnp.concatenate([W_mu, W_logstd], axis=1)
    Wbig = jnp.kron(jnp.eye(4, dtype=jnp.float32), Wc)
    zeros = jnp.zeros((NP, HF), jnp.float32)

    hw1 = pl.pallas_call(
        _mm1_body,
        out_shape=jax.ShapeDtypeStruct((NP, HF), jnp.float32),
    )(x, W1)

    segsum = _segsum_kernel(E)
    p1 = segsum(hw1, src, dst, zeros)

    hw2 = pl.pallas_call(
        _mm2_body,
        out_shape=jax.ShapeDtypeStruct((NPK, 128), jnp.float32),
    )(p1.reshape(NC, NPK, 128), Wbig)

    p2 = segsum(hw2.reshape(NP, HF), src, dst, zeros)

    zp = pl.pallas_call(
        _z_body,
        out_shape=jax.ShapeDtypeStruct((NP, 16), jnp.float32),
    )(p2, eps)

    recon = pl.pallas_call(
        _dec_body,
        grid=((N + SR - 1) // SR,),
        in_specs=[
            pl.BlockSpec((SR, 16), lambda i: (i, 0)),
            pl.BlockSpec((NP, 16), lambda i: (0, 0)),
        ],
        out_specs=pl.BlockSpec((SR * N,), lambda i: (i,)),
        out_shape=jax.ShapeDtypeStruct((N * N,), jnp.float32),
    )(zp, zp)

    return recon

# --- scband reference (transcript-rebuilt; emitter-appended) ---
"""Pipeline reference for scband-gcnmodel-vae-76630806495674 (READ-ONLY COPY).

The authoritative reference and input builder live on the scoring server;
editing this copy changes nothing except your own understanding.
"""

import jax, jax.numpy as jnp
import numpy as np

N = 10000
F = 128
H1 = 32
H2 = 16
E = 320000


def setup_inputs(seed: int = 0) -> dict:
    key = jax.random.key(seed)
    ks = jax.random.split(key, 8)
    x = jax.random.normal(ks[0], (N, F), dtype=jnp.float32)
    edge_index = jax.random.randint(ks[1], (2, E), 0, N, dtype=jnp.int32)
    eps = jax.random.normal(ks[2], (N, H2), dtype=jnp.float32)
    # learned parameters (glorot-ish init)
    W1 = jax.random.normal(ks[3], (F, H1), dtype=jnp.float32) * (1.0 / np.sqrt(F))
    W_mu = jax.random.normal(ks[4], (H1, H2), dtype=jnp.float32) * (1.0 / np.sqrt(H1))
    W_logstd = jax.random.normal(ks[5], (H1, H2), dtype=jnp.float32) * (1.0 / np.sqrt(H1))
    return {"x": x, "edge_index": edge_index, "eps": eps, "W1": W1, "W_mu": W_mu, "W_logstd": W_logstd}


def reference(x, edge_index, eps, W1, W_mu, W_logstd):
    # GraphConvolution: act(A @ (X @ W)); adjacency given as edge list (src -> dst)
    src = edge_index[0]
    dst = edge_index[1]

    def gcn(h, W, act):
        hw = h @ W
        msgs = jnp.take(hw, src, axis=0)
        agg = jax.ops.segment_sum(msgs, dst, num_segments=N)
        return act(agg)

    hidden1 = gcn(x, W1, jax.nn.relu)
    z_mean = gcn(hidden1, W_mu, lambda a: a)
    z_log_std = gcn(hidden1, W_logstd, lambda a: a)
    # reparameterization: z = mu + noise * exp(log_std)
    z = z_mean + eps * jnp.exp(z_log_std)
    # InnerProductDecoder: flatten(z @ z^T)
    reconstructions = (z @ z.T).reshape(-1)
    return reconstructions

if __name__ == "__main__":
    import jax
    _d = setup_inputs()
    print(jax.jit(kernel)(*tuple(_d.values())))

</pallas_src>

<mosaic_0001>
#map = affine_map<(d0, d1) -> (0, 0)>
#map1 = affine_map<(d0, d1) -> (0, 0, 0)>
module attributes {stable_mosaic.version = 14 : i64} {
  func.func @seg(%arg0: i32, %arg1: i32, %arg2: memref<10240x32xf32, #tpu.memory_space<hbm>>, %arg3: memref<2500x128xi32, #tpu.memory_space<hbm>>, %arg4: memref<2500x128xi32, #tpu.memory_space<hbm>>, %arg5: memref<10240x32xf32, #tpu.memory_space<hbm>>, %arg6: memref<2x10240x32xf32, #tpu.memory_space<hbm>>, %arg7: memref<79x128xi32, #tpu.memory_space<vmem>>, %arg8: memref<79x128xi32, #tpu.memory_space<vmem>>, %arg9: memref<128x32xf32, #tpu.memory_space<vmem>>, %arg10: memref<128x32xf32, #tpu.memory_space<vmem>>, %arg11: memref<128x32xf32, #tpu.memory_space<vmem>>, %arg12: memref<128x32xf32, #tpu.memory_space<vmem>>, %arg13: memref<128x32xf32, #tpu.memory_space<vmem>>, %arg14: memref<128x32xf32, #tpu.memory_space<vmem>>, %arg15: memref<10240x32xf32, #tpu.memory_space<vmem_shared>>, %arg16: memref<!tpu.dma_semaphore, #tpu.memory_space<semaphore_mem>>, %arg17: memref<!tpu.dma_semaphore, #tpu.memory_space<semaphore_mem>>, %arg18: memref<!tpu.dma_semaphore, #tpu.memory_space<semaphore_mem>>, %arg19: memref<!tpu.dma_semaphore, #tpu.memory_space<semaphore_mem>>, %arg20: memref<!tpu.dma_semaphore, #tpu.memory_space<semaphore_mem>>, %arg21: memref<!tpu.dma_semaphore, #tpu.memory_space<semaphore_mem>>, %arg22: memref<!tpu.dma_semaphore, #tpu.memory_space<semaphore_mem>>) attributes {dimension_semantics = [#tpu.dimension_semantics<core_parallel>, #tpu.dimension_semantics<subcore_parallel>], iteration_bounds = array<i64: 2, 16>, scalar_prefetch = 0 : i64, scratch_operands = 16 : i64, tpu.core_type = #tpu.core_type<sc_vector_subcore>, window_params = [{transform_indices = #map}, {transform_indices = #map}, {transform_indices = #map}, {transform_indices = #map}, {transform_indices = #map1}]} {
    %mul3A = arith.constant 2 : i32
    %mul3A_0 = arith.muli %arg1, %mul3A : i32
    %add3A = arith.addi %mul3A_0, %arg0 : i32
    %mul3A_1 = arith.constant 78 : i32
    %mul3A_2 = arith.muli %add3A, %mul3A_1 : i32
    %lt3A = arith.constant 4 : i32
    %lt3A_3 = arith.cmpi slt, %add3A, %lt3A : i32
    %dma_start3A = arith.constant 0 : i32
    %dma_start3A_4 = arith.constant 0 : i32
    %dma_start3A_5 = tpu.memref_slice %arg7[%dma_start3A, %dma_start3A_4] : memref<79x128xi32, #tpu.memory_space<vmem>> -> memref<78x128xi32, #tpu.memory_space<vmem>>
    %dma_start3A_6 = arith.constant 0 : i32
    %dma_start3A_7 = tpu.memref_slice %arg3[%mul3A_2, %dma_start3A_6] : memref<2500x128xi32, #tpu.memory_space<hbm>> -> memref<78x128xi32, #tpu.memory_space<hbm>>
    %dma_start3A_8 = arith.constant 0 : i32
    %dma_start3A_9 = arith.constant 0 : i32
    %dma_start3A_10 = tpu.memref_slice %arg7[%dma_start3A_8, %dma_start3A_9] : memref<79x128xi32, #tpu.memory_space<vmem>> -> memref<78x128xi32, #tpu.memory_space<vmem>>
    %dma_start3A_11 = arith.constant 0 : i32
    %dma_start3A_12 = tpu.memref_slice %arg3[%mul3A_2, %dma_start3A_11] : memref<2500x128xi32, #tpu.memory_space<hbm>> -> memref<78x128xi32, #tpu.memory_space<hbm>>
    tpu.enqueue_dma source(%dma_start3A_12 : memref<78x128xi32, #tpu.memory_space<hbm>>) target(%dma_start3A_10 : memref<78x128xi32, #tpu.memory_space<vmem>>) target_semaphore(%arg22 : memref<!tpu.dma_semaphore, #tpu.memory_space<semaphore_mem>>)
    %dma_start3A_13 = arith.constant 0 : i32
    %dma_start3A_14 = arith.constant 0 : i32
    %dma_start3A_15 = tpu.memref_slice %arg8[%dma_start3A_13, %dma_start3A_14] : memref<79x128xi32, #tpu.memory_space<vmem>> -> memref<78x128xi32, #tpu.memory_space<vmem>>
    %dma_start3A_16 = arith.constant 0 : i32
    %dma_start3A_17 = tpu.memref_slice %arg4[%mul3A_2, %dma_start3A_16] : memref<2500x128xi32, #tpu.memory_space<hbm>> -> memref<78x128xi32, #tpu.memory_space<hbm>>
    %dma_start3A_18 = arith.constant 0 : i32
    %dma_start3A_19 = arith.constant 0 : i32
    %dma_start3A_20 = tpu.memref_slice %arg8[%dma_start3A_18, %dma_start3A_19] : memref<79x128xi32, #tpu.memory_space<vmem>> -> memref<78x128xi32, #tpu.memory_space<vmem>>
    %dma_start3A_21 = arith.constant 0 : i32
    %dma_start3A_22 = tpu.memref_slice %arg4[%mul3A_2, %dma_start3A_21] : memref<2500x128xi32, #tpu.memory_space<hbm>> -> memref<78x128xi32, #tpu.memory_space<hbm>>
    tpu.enqueue_dma source(%dma_start3A_22 : memref<78x128xi32, #tpu.memory_space<hbm>>) target(%dma_start3A_20 : memref<78x128xi32, #tpu.memory_space<vmem>>) target_semaphore(%arg22 : memref<!tpu.dma_semaphore, #tpu.memory_space<semaphore_mem>>)
    %convert_element_type3A = arith.extui %lt3A_3 : i1 to i32
    %cond3A = arith.constant 0 : i32
    %cond3A_23 = arith.cmpi ne, %convert_element_type3A, %cond3A : i32
    scf.if %cond3A_23 {
      %add3A_102 = arith.constant 2496 : i32
      %add3A_103 = arith.addi %add3A_102, %add3A : i32
      %dma_start3A_104 = arith.constant 78 : i32
      %dma_start3A_105 = arith.constant 0 : i32
      %dma_start3A_106 = tpu.memref_slice %arg7[%dma_start3A_104, %dma_start3A_105] : memref<79x128xi32, #tpu.memory_space<vmem>> -> memref<1x128xi32, #tpu.memory_space<vmem>>
      %dma_start3A_107 = arith.constant 0 : i32
      %dma_start3A_108 = tpu.memref_slice %arg3[%add3A_103, %dma_start3A_107] : memref<2500x128xi32, #tpu.memory_space<hbm>> -> memref<1x128xi32, #tpu.memory_space<hbm>>
      %dma_start3A_109 = arith.constant 78 : i32
      %dma_start3A_110 = arith.constant 0 : i32
      %dma_start3A_111 = tpu.memref_slice %arg7[%dma_start3A_109, %dma_start3A_110] : memref<79x128xi32, #tpu.memory_space<vmem>> -> memref<1x128xi32, #tpu.memory_space<vmem>>
      %dma_start3A_112 = arith.constant 0 : i32
      %dma_start3A_113 = tpu.memref_slice %arg3[%add3A_103, %dma_start3A_112] : memref<2500x128xi32, #tpu.memory_space<hbm>> -> memref<1x128xi32, #tpu.memory_space<hbm>>
      tpu.enqueue_dma source(%dma_start3A_113 : memref<1x128xi32, #tpu.memory_space<hbm>>) target(%dma_start3A_111 : memref<1x128xi32, #tpu.memory_space<vmem>>) target_semaphore(%arg22 : memref<!tpu.dma_semaphore, #tpu.memory_space<semaphore_mem>>)
      %dma_start3A_114 = arith.constant 78 : i32
      %dma_start3A_115 = arith.constant 0 : i32
      %dma_start3A_116 = tpu.memref_slice %arg8[%dma_start3A_114, %dma_start3A_115] : memref<79x128xi32, #tpu.memory_space<vmem>> -> memref<1x128xi32, #tpu.memory_space<vmem>>
      %dma_start3A_117 = arith.constant 0 : i32
      %dma_start3A_118 = tpu.memref_slice %arg4[%add3A_103, %dma_start3A_117] : memref<2500x128xi32, #tpu.memory_space<hbm>> -> memref<1x128xi32, #tpu.memory_space<hbm>>
      %dma_start3A_119 = arith.constant 78 : i32
      %dma_start3A_120 = arith.constant 0 : i32
      %dma_start3A_121 = tpu.memref_slice %arg8[%dma_start3A_119, %dma_start3A_120] : memref<79x128xi32, #tpu.memory_space<vmem>> -> memref<1x128xi32, #tpu.memory_space<vmem>>
      %dma_start3A_122 = arith.constant 0 : i32
      %dma_start3A_123 = tpu.memref_slice %arg4[%add3A_103, %dma_start3A_122] : memref<2500x128xi32, #tpu.memory_space<hbm>> -> memref<1x128xi32, #tpu.memory_space<hbm>>
      tpu.enqueue_dma source(%dma_start3A_123 : memref<1x128xi32, #tpu.memory_space<hbm>>) target(%dma_start3A_121 : memref<1x128xi32, #tpu.memory_space<vmem>>) target_semaphore(%arg22 : memref<!tpu.dma_semaphore, #tpu.memory_space<semaphore_mem>>)
      %dma_wait3A_124 = arith.constant 78 : i32
      %dma_wait3A_125 = arith.constant 0 : i32
      %dma_wait3A_126 = tpu.memref_slice %arg7[%dma_wait3A_124, %dma_wait3A_125] : memref<79x128xi32, #tpu.memory_space<vmem>> -> memref<1x128xi32, #tpu.memory_space<vmem>>
      %dma_wait3A_127 = arith.constant 0 : i32
      %dma_wait3A_128 = tpu.memref_slice %arg3[%add3A_103, %dma_wait3A_127] : memref<2500x128xi32, #tpu.memory_space<hbm>> -> memref<1x128xi32, #tpu.memory_space<hbm>>
      %dma_wait3A_129 = arith.constant 78 : i32
      %dma_wait3A_130 = arith.constant 0 : i32
      %dma_wait3A_131 = tpu.memref_slice %arg7[%dma_wait3A_129, %dma_wait3A_130] : memref<79x128xi32, #tpu.memory_space<vmem>> -> memref<1x128xi32, #tpu.memory_space<vmem>>
      %dma_wait3A_132 = arith.constant 0 : i32
      %dma_wait3A_133 = tpu.memref_slice %arg3[%add3A_103, %dma_wait3A_132] : memref<2500x128xi32, #tpu.memory_space<hbm>> -> memref<1x128xi32, #tpu.memory_space<hbm>>
      tpu.wait_dma2 semaphore(%arg22 : memref<!tpu.dma_semaphore, #tpu.memory_space<semaphore_mem>>) src(%dma_wait3A_133 : memref<1x128xi32, #tpu.memory_space<hbm>>) dst(%dma_wait3A_131 : memref<1x128xi32, #tpu.memory_space<vmem>>)
      %dma_wait3A_134 = arith.constant 78 : i32
      %dma_wait3A_135 = arith.constant 0 : i32
      %dma_wait3A_136 = tpu.memref_slice %arg8[%dma_wait3A_134, %dma_wait3A_135] : memref<79x128xi32, #tpu.memory_space<vmem>> -> memref<1x128xi32, #tpu.memory_space<vmem>>
      %dma_wait3A_137 = arith.constant 0 : i32
      %dma_wait3A_138 = tpu.memref_slice %arg4[%add3A_103, %dma_wait3A_137] : memref<2500x128xi32, #tpu.memory_space<hbm>> -> memref<1x128xi32, #tpu.memory_space<hbm>>
      %dma_wait3A_139 = arith.constant 78 : i32
      %dma_wait3A_140 = arith.constant 0 : i32
      %dma_wait3A_141 = tpu.memref_slice %arg8[%dma_wait3A_139, %dma_wait3A_140] : memref<79x128xi32, #tpu.memory_space<vmem>> -> memref<1x128xi32, #tpu.memory_space<vmem>>
      %dma_wait3A_142 = arith.constant 0 : i32
      %dma_wait3A_143 = tpu.memref_slice %arg4[%add3A_103, %dma_wait3A_142] : memref<2500x128xi32, #tpu.memory_space<hbm>> -> memref<1x128xi32, #tpu.memory_space<hbm>>
      tpu.wait_dma2 semaphore(%arg22 : memref<!tpu.dma_semaphore, #tpu.memory_space<semaphore_mem>>) src(%dma_wait3A_143 : memref<1x128xi32, #tpu.memory_space<hbm>>) dst(%dma_wait3A_141 : memref<1x128xi32, #tpu.memory_space<vmem>>)
    } else {
    }
    %dma_wait3A = arith.constant 0 : i32
    %dma_wait3A_24 = arith.constant 0 : i32
    %dma_wait3A_25 = tpu.memref_slice %arg7[%dma_wait3A, %dma_wait3A_24] : memref<79x128xi32, #tpu.memory_space<vmem>> -> memref<78x128xi32, #tpu.memory_space<vmem>>
    %dma_wait3A_26 = arith.constant 0 : i32
    %dma_wait3A_27 = tpu.memref_slice %arg3[%mul3A_2, %dma_wait3A_26] : memref<2500x128xi32, #tpu.memory_space<hbm>> -> memref<78x128xi32, #tpu.memory_space<hbm>>
    %dma_wait3A_28 = arith.constant 0 : i32
    %dma_wait3A_29 = arith.constant 0 : i32
    %dma_wait3A_30 = tpu.memref_slice %arg7[%dma_wait3A_28, %dma_wait3A_29] : memref<79x128xi32, #tpu.memory_space<vmem>> -> memref<78x128xi32, #tpu.memory_space<vmem>>
    %dma_wait3A_31 = arith.constant 0 : i32
    %dma_wait3A_32 = tpu.memref_slice %arg3[%mul3A_2, %dma_wait3A_31] : memref<2500x128xi32, #tpu.memory_space<hbm>> -> memref<78x128xi32, #tpu.memory_space<hbm>>
    tpu.wait_dma2 semaphore(%arg22 : memref<!tpu.dma_semaphore, #tpu.memory_space<semaphore_mem>>) src(%dma_wait3A_32 : memref<78x128xi32, #tpu.memory_space<hbm>>) dst(%dma_wait3A_30 : memref<78x128xi32, #tpu.memory_space<vmem>>)
    %dma_wait3A_33 = arith.constant 0 : i32
    %dma_wait3A_34 = arith.constant 0 : i32
    %dma_wait3A_35 = tpu.memref_slice %arg8[%dma_wait3A_33, %dma_wait3A_34] : memref<79x128xi32, #tpu.memory_space<vmem>> -> memref<78x128xi32, #tpu.memory_space<vmem>>
    %dma_wait3A_36 = arith.constant 0 : i32
    %dma_wait3A_37 = tpu.memref_slice %arg4[%mul3A_2, %dma_wait3A_36] : memref<2500x128xi32, #tpu.memory_space<hbm>> -> memref<78x128xi32, #tpu.memory_space<hbm>>
    %dma_wait3A_38 = arith.constant 0 : i32
    %dma_wait3A_39 = arith.constant 0 : i32
    %dma_wait3A_40 = tpu.memref_slice %arg8[%dma_wait3A_38, %dma_wait3A_39] : memref<79x128xi32, #tpu.memory_space<vmem>> -> memref<78x128xi32, #tpu.memory_space<vmem>>
    %dma_wait3A_41 = arith.constant 0 : i32
    %dma_wait3A_42 = tpu.memref_slice %arg4[%mul3A_2, %dma_wait3A_41] : memref<2500x128xi32, #tpu.memory_space<hbm>> -> memref<78x128xi32, #tpu.memory_space<hbm>>
    tpu.wait_dma2 semaphore(%arg22 : memref<!tpu.dma_semaphore, #tpu.memory_space<semaphore_mem>>) src(%dma_wait3A_42 : memref<78x128xi32, #tpu.memory_space<hbm>>) dst(%dma_wait3A_40 : memref<78x128xi32, #tpu.memory_space<vmem>>)
    %dma_start3A_43 = arith.constant 0 : i32
    %dma_start3A_44 = arith.constant 0 : i32
    %dma_start3A_45 = tpu.memref_slice %arg7[%dma_start3A_43, %dma_start3A_44] : memref<79x128xi32, #tpu.memory_space<vmem>> -> memref<1x128xi32, #tpu.memory_space<vmem>>
    %dma_start3A_46 = tpu.memref_squeeze %dma_start3A_45 : memref<1x128xi32, #tpu.memory_space<vmem>> -> memref<128xi32, #tpu.memory_space<vmem>>
    %dma_start3A_47 = arith.constant 0 : i32
    %dma_start3A_48 = arith.constant 0 : i32
    %dma_start3A_49 = tpu.memref_slice %arg2[%dma_start3A_47, %dma_start3A_48] : memref<10240x32xf32, #tpu.memory_space<hbm>> -> memref<10240x32xf32, #tpu.memory_space<hbm>>
    tpu.enqueue_indirect_dma source(%dma_start3A_49 : memref<10240x32xf32, #tpu.memory_space<hbm>>) target(%arg9 : memref<128x32xf32, #tpu.memory_space<vmem>>) offsets(%dma_start3A_46 : memref<128xi32, #tpu.memory_space<vmem>>) semaphore(%arg16 : memref<!tpu.dma_semaphore, #tpu.memory_space<semaphore_mem>>)
    %dma_start3A_50 = arith.constant 1 : i32
    %dma_start3A_51 = arith.constant 0 : i32
    %dma_start3A_52 = tpu.memref_slice %arg7[%dma_start3A_50, %dma_start3A_51] : memref<79x128xi32, #tpu.memory_space<vmem>> -> memref<1x128xi32, #tpu.memory_space<vmem>>
    %dma_start3A_53 = tpu.memref_squeeze %dma_start3A_52 : memref<1x128xi32, #tpu.memory_space<vmem>> -> memref<128xi32, #tpu.memory_space<vmem>>
    %dma_start3A_54 = arith.constant 0 : i32
    %dma_start3A_55 = arith.constant 0 : i32
    %dma_start3A_56 = tpu.memref_slice %arg2[%dma_start3A_54, %dma_start3A_55] : memref<10240x32xf32, #tpu.memory_space<hbm>> -> memref<10240x32xf32, #tpu.memory_space<hbm>>
    tpu.enqueue_indirect_dma source(%dma_start3A_56 : memref<10240x32xf32, #tpu.memory_space<hbm>>) target(%arg10 : memref<128x32xf32, #tpu.memory_space<vmem>>) offsets(%dma_start3A_53 : memref<128xi32, #tpu.memory_space<vmem>>) semaphore(%arg17 : memref<!tpu.dma_semaphore, #tpu.memory_space<semaphore_mem>>)
    %dma_start3A_57 = arith.constant 2 : i32
    %dma_start3A_58 = arith.constant 0 : i32
    %dma_start3A_59 = tpu.memref_slice %arg7[%dma_start3A_57, %dma_start3A_58] : memref<79x128xi32, #tpu.memory_space<vmem>> -> memref<1x128xi32, #tpu.memory_space<vmem>>
    %dma_start3A_60 = tpu.memref_squeeze %dma_start3A_59 : memref<1x128xi32, #tpu.memory_space<vmem>> -> memref<128xi32, #tpu.memory_space<vmem>>
    %dma_start3A_61 = arith.constant 0 : i32
    %dma_start3A_62 = arith.constant 0 : i32
    %dma_start3A_63 = tpu.memref_slice %arg2[%dma_start3A_61, %dma_start3A_62] : memref<10240x32xf32, #tpu.memory_space<hbm>> -> memref<10240x32xf32, #tpu.memory_space<hbm>>
    tpu.enqueue_indirect_dma source(%dma_start3A_63 : memref<10240x32xf32, #tpu.memory_space<hbm>>) target(%arg11 : memref<128x32xf32, #tpu.memory_space<vmem>>) offsets(%dma_start3A_60 : memref<128xi32, #tpu.memory_space<vmem>>) semaphore(%arg18 : memref<!tpu.dma_semaphore, #tpu.memory_space<semaphore_mem>>)
    %dma_start3A_64 = arith.constant 3 : i32
    %dma_start3A_65 = arith.constant 0 : i32
    %dma_start3A_66 = tpu.memref_slice %arg7[%dma_start3A_64, %dma_start3A_65] : memref<79x128xi32, #tpu.memory_space<vmem>> -> memref<1x128xi32, #tpu.memory_space<vmem>>
    %dma_start3A_67 = tpu.memref_squeeze %dma_start3A_66 : memref<1x128xi32, #tpu.memory_space<vmem>> -> memref<128xi32, #tpu.memory_space<vmem>>
    %dma_start3A_68 = arith.constant 0 : i32
    %dma_start3A_69 = arith.constant 0 : i32
    %dma_start3A_70 = tpu.memref_slice %arg2[%dma_start3A_68, %dma_start3A_69] : memref<10240x32xf32, #tpu.memory_space<hbm>> -> memref<10240x32xf32, #tpu.memory_space<hbm>>
    tpu.enqueue_indirect_dma source(%dma_start3A_70 : memref<10240x32xf32, #tpu.memory_space<hbm>>) target(%arg12 : memref<128x32xf32, #tpu.memory_space<vmem>>) offsets(%dma_start3A_67 : memref<128xi32, #tpu.memory_space<vmem>>) semaphore(%arg19 : memref<!tpu.dma_semaphore, #tpu.memory_space<semaphore_mem>>)
    %dma_start3A_71 = arith.constant 4 : i32
    %dma_start3A_72 = arith.constant 0 : i32
    %dma_start3A_73 = tpu.memref_slice %arg7[%dma_start3A_71, %dma_start3A_72] : memref<79x128xi32, #tpu.memory_space<vmem>> -> memref<1x128xi32, #tpu.memory_space<vmem>>
    %dma_start3A_74 = tpu.memref_squeeze %dma_start3A_73 : memref<1x128xi32, #tpu.memory_space<vmem>> -> memref<128xi32, #tpu.memory_space<vmem>>
    %dma_start3A_75 = arith.constant 0 : i32
    %dma_start3A_76 = arith.constant 0 : i32
    %dma_start3A_77 = tpu.memref_slice %arg2[%dma_start3A_75, %dma_start3A_76] : memref<10240x32xf32, #tpu.memory_space<hbm>> -> memref<10240x32xf32, #tpu.memory_space<hbm>>
    tpu.enqueue_indirect_dma source(%dma_start3A_77 : memref<10240x32xf32, #tpu.memory_space<hbm>>) target(%arg13 : memref<128x32xf32, #tpu.memory_space<vmem>>) offsets(%dma_start3A_74 : memref<128xi32, #tpu.memory_space<vmem>>) semaphore(%arg20 : memref<!tpu.dma_semaphore, #tpu.memory_space<semaphore_mem>>)
    %dma_start3A_78 = arith.constant 5 : i32
    %dma_start3A_79 = arith.constant 0 : i32
    %dma_start3A_80 = tpu.memref_slice %arg7[%dma_start3A_78, %dma_start3A_79] : memref<79x128xi32, #tpu.memory_space<vmem>> -> memref<1x128xi32, #tpu.memory_space<vmem>>
    %dma_start3A_81 = tpu.memref_squeeze %dma_start3A_80 : memref<1x128xi32, #tpu.memory_space<vmem>> -> memref<128xi32, #tpu.memory_space<vmem>>
    %dma_start3A_82 = arith.constant 0 : i32
    %dma_start3A_83 = arith.constant 0 : i32
    %dma_start3A_84 = tpu.memref_slice %arg2[%dma_start3A_82, %dma_start3A_83] : memref<10240x32xf32, #tpu.memory_space<hbm>> -> memref<10240x32xf32, #tpu.memory_space<hbm>>
    tpu.enqueue_indirect_dma source(%dma_start3A_84 : memref<10240x32xf32, #tpu.memory_space<hbm>>) target(%arg14 : memref<128x32xf32, #tpu.memory_space<vmem>>) offsets(%dma_start3A_81 : memref<128xi32, #tpu.memory_space<vmem>>) semaphore(%arg21 : memref<!tpu.dma_semaphore, #tpu.memory_space<semaphore_mem>>)
    %mul3A_85 = arith.constant 640 : i32
    %mul3A_86 = arith.muli %arg1, %mul3A_85 : i32
    %mul3A_87 = arith.constant 640 : i32
    %mul3A_88 = arith.muli %arg1, %mul3A_87 : i32
    "tpu.region"() ({
      %run_scoped3A = tpu.sem_alloc : memref<!tpu.dma_semaphore, #tpu.memory_space<semaphore_mem>>
      %dma_start3A_102 = arith.constant 0 : i32
      %dma_start3A_103 = tpu.memref_slice %arg15[%mul3A_88, %dma_start3A_102] : memref<10240x32xf32, #tpu.memory_space<vmem_shared>> -> memref<640x32xf32, #tpu.memory_space<vmem_shared>>
      %dma_start3A_104 = arith.constant 0 : i32
      %dma_start3A_105 = tpu.memref_slice %arg5[%mul3A_86, %dma_start3A_104] : memref<10240x32xf32, #tpu.memory_space<hbm>> -> memref<640x32xf32, #tpu.memory_space<hbm>>
      tpu.enqueue_dma source(%dma_start3A_105 : memref<640x32xf32, #tpu.memory_space<hbm>>) target(%dma_start3A_103 : memref<640x32xf32, #tpu.memory_space<vmem_shared>>) target_semaphore(%run_scoped3A : memref<!tpu.dma_semaphore, #tpu.memory_space<semaphore_mem>>)
      %dma_wait3A_106 = arith.constant 0 : i32
      %dma_wait3A_107 = tpu.memref_slice %arg15[%mul3A_88, %dma_wait3A_106] : memref<10240x32xf32, #tpu.memory_space<vmem_shared>> -> memref<640x32xf32, #tpu.memory_space<vmem_shared>>
      %dma_wait3A_108 = arith.constant 0 : i32
      %dma_wait3A_109 = tpu.memref_slice %arg5[%mul3A_86, %dma_wait3A_108] : memref<10240x32xf32, #tpu.memory_space<hbm>> -> memref<640x32xf32, #tpu.memory_space<hbm>>
      tpu.wait_dma2 semaphore(%run_scoped3A : memref<!tpu.dma_semaphore, #tpu.memory_space<semaphore_mem>>) src(%dma_wait3A_109 : memref<640x32xf32, #tpu.memory_space<hbm>>) dst(%dma_wait3A_107 : memref<640x32xf32, #tpu.memory_space<vmem_shared>>)
      tpu.yield
    }) : () -> ()
    %barrier3A = arith.constant 0 : index
    tpu.barrier barrier_id(%barrier3A)
    %scan3A = arith.constant 0 : i32
    %scan3A_89 = arith.constant 0 : i32
    %scan3A_90 = arith.constant 13 : i32
    %scan3A_91 = arith.addi %scan3A_89, %scan3A_90 : i32
    %scan3A_92 = arith.constant 1 : i32
    scf.for %scan3A_102 = %scan3A_89 to %scan3A_91 step %scan3A_92  : i32 {
      %mul3A_103 = arith.constant 6 : i32
      %mul3A_104 = arith.muli %scan3A_102, %mul3A_103 : i32
      %add3A_105 = arith.constant 0 : i32
      %add3A_106 = arith.addi %mul3A_104, %add3A_105 : i32
      %dma_wait3A_107 = arith.constant 0 : i32
      %dma_wait3A_108 = tpu.memref_slice %arg7[%add3A_106, %dma_wait3A_107] : memref<79x128xi32, #tpu.memory_space<vmem>> -> memref<1x128xi32, #tpu.memory_space<vmem>>
      %dma_wait3A_109 = tpu.memref_squeeze %dma_wait3A_108 : memref<1x128xi32, #tpu.memory_space<vmem>> -> memref<128xi32, #tpu.memory_space<vmem>>
      %dma_wait3A_110 = arith.constant 0 : i32
      %dma_wait3A_111 = arith.constant 0 : i32
      %dma_wait3A_112 = tpu.memref_slice %arg2[%dma_wait3A_110, %dma_wait3A_111] : memref<10240x32xf32, #tpu.memory_space<hbm>> -> memref<10240x32xf32, #tpu.memory_space<hbm>>
      tpu.wait_indirect_dma semaphore(%arg16 : memref<!tpu.dma_semaphore, #tpu.memory_space<semaphore_mem>>) src(%dma_wait3A_112 : memref<10240x32xf32, #tpu.memory_space<hbm>>) dst(%arg9 : memref<128x32xf32, #tpu.memory_space<vmem>>)
      "tpu.region"() ({
        %run_scoped3A = tpu.sem_alloc : memref<!tpu.dma_semaphore, #tpu.memory_space<semaphore_mem>>
        %dma_start3A_195 = arith.constant 0 : i32
        %dma_start3A_196 = tpu.memref_slice %arg8[%add3A_106, %dma_start3A_195] : memref<79x128xi32, #tpu.memory_space<vmem>> -> memref<1x128xi32, #tpu.memory_space<vmem>>
        %dma_start3A_197 = tpu.memref_squeeze %dma_start3A_196 : memref<1x128xi32, #tpu.memory_space<vmem>> -> memref<128xi32, #tpu.memory_space<vmem>>
        %dma_start3A_198 = arith.constant 0 : i32
        %dma_start3A_199 = arith.constant 0 : i32
        %dma_start3A_200 = tpu.memref_slice %arg15[%dma_start3A_198, %dma_start3A_199] : memref<10240x32xf32, #tpu.memory_space<vmem_shared>> -> memref<10240x32xf32, #tpu.memory_space<vmem_shared>>
        tpu.enqueue_indirect_dma source(%arg9 : memref<128x32xf32, #tpu.memory_space<vmem>>) target(%dma_start3A_200 : memref<10240x32xf32, #tpu.memory_space<vmem_shared>>) offsets(%dma_start3A_197 : memref<128xi32, #tpu.memory_space<vmem>>) semaphore(%run_scoped3A : memref<!tpu.dma_semaphore, #tpu.memory_space<semaphore_mem>>) {add = true}
        %dma_wait3A_201 = arith.constant 0 : i32
        %dma_wait3A_202 = tpu.memref_slice %arg8[%add3A_106, %dma_wait3A_201] : memref<79x128xi32, #tpu.memory_space<vmem>> -> memref<1x128xi32, #tpu.memory_space<vmem>>
        %dma_wait3A_203 = tpu.memref_squeeze %dma_wait3A_202 : memref<1x128xi32, #tpu.memory_space<vmem>> -> memref<128xi32, #tpu.memory_space<vmem>>
        %dma_wait3A_204 = arith.constant 0 : i32
        %dma_wait3A_205 = arith.constant 0 : i32
        %dma_wait3A_206 = tpu.memref_slice %arg15[%dma_wait3A_204, %dma_wait3A_205] : memref<10240x32xf32, #tpu.memory_space<vmem_shared>> -> memref<10240x32xf32, #tpu.memory_space<vmem_shared>>
        tpu.wait_indirect_dma semaphore(%run_scoped3A : memref<!tpu.dma_semaphore, #tpu.memory_space<semaphore_mem>>) src(%arg9 : memref<128x32xf32, #tpu.memory_space<vmem>>) dst(%dma_wait3A_206 : memref<10240x32xf32, #tpu.memory_space<vmem_shared>>)
        tpu.yield
      }) : () -> ()
      %add3A_113 = arith.constant 6 : i32
      %add3A_114 = arith.addi %add3A_106, %add3A_113 : i32
      %lt3A_115 = arith.constant 78 : i32
      %lt3A_116 = arith.cmpi slt, %add3A_114, %lt3A_115 : i32
      %convert_element_type3A_117 = arith.extui %lt3A_116 : i1 to i32
      %cond3A_118 = arith.constant 0 : i32
      %cond3A_119 = arith.cmpi ne, %convert_element_type3A_117, %cond3A_118 : i32
      scf.if %cond3A_119 {
        %dma_start3A_195 = arith.constant 0 : i32
        %dma_start3A_196 = tpu.memref_slice %arg7[%add3A_114, %dma_start3A_195] : memref<79x128xi32, #tpu.memory_space<vmem>> -> memref<1x128xi32, #tpu.memory_space<vmem>>
        %dma_start3A_197 = tpu.memref_squeeze %dma_start3A_196 : memref<1x128xi32, #tpu.memory_space<vmem>> -> memref<128xi32, #tpu.memory_space<vmem>>
        %dma_start3A_198 = arith.constant 0 : i32
        %dma_start3A_199 = arith.constant 0 : i32
        %dma_start3A_200 = tpu.memref_slice %arg2[%dma_start3A_198, %dma_start3A_199] : memref<10240x32xf32, #tpu.memory_space<hbm>> -> memref<10240x32xf32, #tpu.memory_space<hbm>>
        tpu.enqueue_indirect_dma source(%dma_start3A_200 : memref<10240x32xf32, #tpu.memory_space<hbm>>) target(%arg9 : memref<128x32xf32, #tpu.memory_space<vmem>>) offsets(%dma_start3A_197 : memref<128xi32, #tpu.memory_space<vmem>>) semaphore(%arg16 : memref<!tpu.dma_semaphore, #tpu.memory_space<semaphore_mem>>)
      } else {
      }
      %add3A_120 = arith.constant 1 : i32
      %add3A_121 = arith.addi %mul3A_104, %add3A_120 : i32
      %dma_wait3A_122 = arith.constant 0 : i32
      %dma_wait3A_123 = tpu.memref_slice %arg7[%add3A_121, %dma_wait3A_122] : memref<79x128xi32, #tpu.memory_space<vmem>> -> memref<1x128xi32, #tpu.memory_space<vmem>>
      %dma_wait3A_124 = tpu.memref_squeeze %dma_wait3A_123 : memref<1x128xi32, #tpu.memory_space<vmem>> -> memref<128xi32, #tpu.memory_space<vmem>>
      %dma_wait3A_125 = arith.constant 0 : i32
      %dma_wait3A_126 = arith.constant 0 : i32
      %dma_wait3A_127 = tpu.memref_slice %arg2[%dma_wait3A_125, %dma_wait3A_126] : memref<10240x32xf32, #tpu.memory_space<hbm>> -> memref<10240x32xf32, #tpu.memory_space<hbm>>
      tpu.wait_indirect_dma semaphore(%arg17 : memref<!tpu.dma_semaphore, #tpu.memory_space<semaphore_mem>>) src(%dma_wait3A_127 : memref<10240x32xf32, #tpu.memory_space<hbm>>) dst(%arg10 : memref<128x32xf32, #tpu.memory_space<vmem>>)
      "tpu.region"() ({
        %run_scoped3A = tpu.sem_alloc : memref<!tpu.dma_semaphore, #tpu.memory_space<semaphore_mem>>
        %dma_start3A_195 = arith.constant 0 : i32
        %dma_start3A_196 = tpu.memref_slice %arg8[%add3A_121, %dma_start3A_195] : memref<79x128xi32, #tpu.memory_space<vmem>> -> memref<1x128xi32, #tpu.memory_space<vmem>>
        %dma_start3A_197 = tpu.memref_squeeze %dma_start3A_196 : memref<1x128xi32, #tpu.memory_space<vmem>> -> memref<128xi32, #tpu.memory_space<vmem>>
        %dma_start3A_198 = arith.constant 0 : i32
        %dma_start3A_199 = arith.constant 0 : i32
        %dma_start3A_200 = tpu.memref_slice %arg15[%dma_start3A_198, %dma_start3A_199] : memref<10240x32xf32, #tpu.memory_space<vmem_shared>> -> memref<10240x32xf32, #tpu.memory_space<vmem_shared>>
        tpu.enqueue_indirect_dma source(%arg10 : memref<128x32xf32, #tpu.memory_space<vmem>>) target(%dma_start3A_200 : memref<10240x32xf32, #tpu.memory_space<vmem_shared>>) offsets(%dma_start3A_197 : memref<128xi32, #tpu.memory_space<vmem>>) semaphore(%run_scoped3A : memref<!tpu.dma_semaphore, #tpu.memory_space<semaphore_mem>>) {add = true}
        %dma_wait3A_201 = arith.constant 0 : i32
        %dma_wait3A_202 = tpu.memref_slice %arg8[%add3A_121, %dma_wait3A_201] : memref<79x128xi32, #tpu.memory_space<vmem>> -> memref<1x128xi32, #tpu.memory_space<vmem>>
        %dma_wait3A_203 = tpu.memref_squeeze %dma_wait3A_202 : memref<1x128xi32, #tpu.memory_space<vmem>> -> memref<128xi32, #tpu.memory_space<vmem>>
        %dma_wait3A_204 = arith.constant 0 : i32
        %dma_wait3A_205 = arith.constant 0 : i32
        %dma_wait3A_206 = tpu.memref_slice %arg15[%dma_wait3A_204, %dma_wait3A_205] : memref<10240x32xf32, #tpu.memory_space<vmem_shared>> -> memref<10240x32xf32, #tpu.memory_space<vmem_shared>>
        tpu.wait_indirect_dma semaphore(%run_scoped3A : memref<!tpu.dma_semaphore, #tpu.memory_space<semaphore_mem>>) src(%arg10 : memref<128x32xf32, #tpu.memory_space<vmem>>) dst(%dma_wait3A_206 : memref<10240x32xf32, #tpu.memory_space<vmem_shared>>)
        tpu.yield
      }) : () -> ()
      %add3A_128 = arith.constant 6 : i32
      %add3A_129 = arith.addi %add3A_121, %add3A_128 : i32
      %lt3A_130 = arith.constant 78 : i32
      %lt3A_131 = arith.cmpi slt, %add3A_129, %lt3A_130 : i32
      %convert_element_type3A_132 = arith.extui %lt3A_131 : i1 to i32
      %cond3A_133 = arith.constant 0 : i32
      %cond3A_134 = arith.cmpi ne, %convert_element_type3A_132, %cond3A_133 : i32
      scf.if %cond3A_134 {
        %dma_start3A_195 = arith.constant 0 : i32
        %dma_start3A_196 = tpu.memref_slice %arg7[%add3A_129, %dma_start3A_195] : memref<79x128xi32, #tpu.memory_space<vmem>> -> memref<1x128xi32, #tpu.memory_space<vmem>>
        %dma_start3A_197 = tpu.memref_squeeze %dma_start3A_196 : memref<1x128xi32, #tpu.memory_space<vmem>> -> memref<128xi32, #tpu.memory_space<vmem>>
        %dma_start3A_198 = arith.constant 0 : i32
        %dma_start3A_199 = arith.constant 0 : i32
        %dma_start3A_200 = tpu.memref_slice %arg2[%dma_start3A_198, %dma_start3A_199] : memref<10240x32xf32, #tpu.memory_space<hbm>> -> memref<10240x32xf32, #tpu.memory_space<hbm>>
        tpu.enqueue_indirect_dma source(%dma_start3A_200 : memref<10240x32xf32, #tpu.memory_space<hbm>>) target(%arg10 : memref<128x32xf32, #tpu.memory_space<vmem>>) offsets(%dma_start3A_197 : memref<128xi32, #tpu.memory_space<vmem>>) semaphore(%arg17 : memref<!tpu.dma_semaphore, #tpu.memory_space<semaphore_mem>>)
      } else {
      }
      %add3A_135 = arith.constant 2 : i32
      %add3A_136 = arith.addi %mul3A_104, %add3A_135 : i32
      %dma_wait3A_137 = arith.constant 0 : i32
      %dma_wait3A_138 = tpu.memref_slice %arg7[%add3A_136, %dma_wait3A_137] : memref<79x128xi32, #tpu.memory_space<vmem>> -> memref<1x128xi32, #tpu.memory_space<vmem>>
      %dma_wait3A_139 = tpu.memref_squeeze %dma_wait3A_138 : memref<1x128xi32, #tpu.memory_space<vmem>> -> memref<128xi32, #tpu.memory_space<vmem>>
      %dma_wait3A_140 = arith.constant 0 : i32
      %dma_wait3A_141 = arith.constant 0 : i32
      %dma_wait3A_142 = tpu.memref_slice %arg2[%dma_wait3A_140, %dma_wait3A_141] : memref<10240x32xf32, #tpu.memory_space<hbm>> -> memref<10240x32xf32, #tpu.memory_space<hbm>>
      tpu.wait_indirect_dma semaphore(%arg18 : memref<!tpu.dma_semaphore, #tpu.memory_space<semaphore_mem>>) src(%dma_wait3A_142 : memref<10240x32xf32, #tpu.memory_space<hbm>>) dst(%arg11 : memref<128x32xf32, #tpu.memory_space<vmem>>)
      "tpu.region"() ({
        %run_scoped3A = tpu.sem_alloc : memref<!tpu.dma_semaphore, #tpu.memory_space<semaphore_mem>>
        %dma_start3A_195 = arith.constant 0 : i32
        %dma_start3A_196 = tpu.memref_slice %arg8[%add3A_136, %dma_start3A_195] : memref<79x128xi32, #tpu.memory_space<vmem>> -> memref<1x128xi32, #tpu.memory_space<vmem>>
        %dma_start3A_197 = tpu.memref_squeeze %dma_start3A_196 : memref<1x128xi32, #tpu.memory_space<vmem>> -> memref<128xi32, #tpu.memory_space<vmem>>
        %dma_start3A_198 = arith.constant 0 : i32
        %dma_start3A_199 = arith.constant 0 : i32
        %dma_start3A_200 = tpu.memref_slice %arg15[%dma_start3A_198, %dma_start3A_199] : memref<10240x32xf32, #tpu.memory_space<vmem_shared>> -> memref<10240x32xf32, #tpu.memory_space<vmem_shared>>
        tpu.enqueue_indirect_dma source(%arg11 : memref<128x32xf32, #tpu.memory_space<vmem>>) target(%dma_start3A_200 : memref<10240x32xf32, #tpu.memory_space<vmem_shared>>) offsets(%dma_start3A_197 : memref<128xi32, #tpu.memory_space<vmem>>) semaphore(%run_scoped3A : memref<!tpu.dma_semaphore, #tpu.memory_space<semaphore_mem>>) {add = true}
        %dma_wait3A_201 = arith.constant 0 : i32
        %dma_wait3A_202 = tpu.memref_slice %arg8[%add3A_136, %dma_wait3A_201] : memref<79x128xi32, #tpu.memory_space<vmem>> -> memref<1x128xi32, #tpu.memory_space<vmem>>
        %dma_wait3A_203 = tpu.memref_squeeze %dma_wait3A_202 : memref<1x128xi32, #tpu.memory_space<vmem>> -> memref<128xi32, #tpu.memory_space<vmem>>
        %dma_wait3A_204 = arith.constant 0 : i32
        %dma_wait3A_205 = arith.constant 0 : i32
        %dma_wait3A_206 = tpu.memref_slice %arg15[%dma_wait3A_204, %dma_wait3A_205] : memref<10240x32xf32, #tpu.memory_space<vmem_shared>> -> memref<10240x32xf32, #tpu.memory_space<vmem_shared>>
        tpu.wait_indirect_dma semaphore(%run_scoped3A : memref<!tpu.dma_semaphore, #tpu.memory_space<semaphore_mem>>) src(%arg11 : memref<128x32xf32, #tpu.memory_space<vmem>>) dst(%dma_wait3A_206 : memref<10240x32xf32, #tpu.memory_space<vmem_shared>>)
        tpu.yield
      }) : () -> ()
      %add3A_143 = arith.constant 6 : i32
      %add3A_144 = arith.addi %add3A_136, %add3A_143 : i32
      %lt3A_145 = arith.constant 78 : i32
      %lt3A_146 = arith.cmpi slt, %add3A_144, %lt3A_145 : i32
      %convert_element_type3A_147 = arith.extui %lt3A_146 : i1 to i32
      %cond3A_148 = arith.constant 0 : i32
      %cond3A_149 = arith.cmpi ne, %convert_element_type3A_147, %cond3A_148 : i32
      scf.if %cond3A_149 {
        %dma_start3A_195 = arith.constant 0 : i32
        %dma_start3A_196 = tpu.memref_slice %arg7[%add3A_144, %dma_start3A_195] : memref<79x128xi32, #tpu.memory_space<vmem>> -> memref<1x128xi32, #tpu.memory_space<vmem>>
        %dma_start3A_197 = tpu.memref_squeeze %dma_start3A_196 : memref<1x128xi32, #tpu.memory_space<vmem>> -> memref<128xi32, #tpu.memory_space<vmem>>
        %dma_start3A_198 = arith.constant 0 : i32
        %dma_start3A_199 = arith.constant 0 : i32
        %dma_start3A_200 = tpu.memref_slice %arg2[%dma_start3A_198, %dma_start3A_199] : memref<10240x32xf32, #tpu.memory_space<hbm>> -> memref<10240x32xf32, #tpu.memory_space<hbm>>
        tpu.enqueue_indirect_dma source(%dma_start3A_200 : memref<10240x32xf32, #tpu.memory_space<hbm>>) target(%arg11 : memref<128x32xf32, #tpu.memory_space<vmem>>) offsets(%dma_start3A_197 : memref<128xi32, #tpu.memory_space<vmem>>) semaphore(%arg18 : memref<!tpu.dma_semaphore, #tpu.memory_space<semaphore_mem>>)
      } else {
      }
      %add3A_150 = arith.constant 3 : i32
      %add3A_151 = arith.addi %mul3A_104, %add3A_150 : i32
      %dma_wait3A_152 = arith.constant 0 : i32
      %dma_wait3A_153 = tpu.memref_slice %arg7[%add3A_151, %dma_wait3A_152] : memref<79x128xi32, #tpu.memory_space<vmem>> -> memref<1x128xi32, #tpu.memory_space<vmem>>
      %dma_wait3A_154 = tpu.memref_squeeze %dma_wait3A_153 : memref<1x128xi32, #tpu.memory_space<vmem>> -> memref<128xi32, #tpu.memory_space<vmem>>
      %dma_wait3A_155 = arith.constant 0 : i32
      %dma_wait3A_156 = arith.constant 0 : i32
      %dma_wait3A_157 = tpu.memref_slice %arg2[%dma_wait3A_155, %dma_wait3A_156] : memref<10240x32xf32, #tpu.memory_space<hbm>> -> memref<10240x32xf32, #tpu.memory_space<hbm>>
      tpu.wait_indirect_dma semaphore(%arg19 : memref<!tpu.dma_semaphore, #tpu.memory_space<semaphore_mem>>) src(%dma_wait3A_157 : memref<10240x32xf32, #tpu.memory_space<hbm>>) dst(%arg12 : memref<128x32xf32, #tpu.memory_space<vmem>>)
      "tpu.region"() ({
        %run_scoped3A = tpu.sem_alloc : memref<!tpu.dma_semaphore, #tpu.memory_space<semaphore_mem>>
        %dma_start3A_195 = arith.constant 0 : i32
        %dma_start3A_196 = tpu.memref_slice %arg8[%add3A_151, %dma_start3A_195] : memref<79x128xi32, #tpu.memory_space<vmem>> -> memref<1x128xi32, #tpu.memory_space<vmem>>
        %dma_start3A_197 = tpu.memref_squeeze %dma_start3A_196 : memref<1x128xi32, #tpu.memory_space<vmem>> -> memref<128xi32, #tpu.memory_space<vmem>>
        %dma_start3A_198 = arith.constant 0 : i32
        %dma_start3A_199 = arith.constant 0 : i32
        %dma_start3A_200 = tpu.memref_slice %arg15[%dma_start3A_198, %dma_start3A_199] : memref<10240x32xf32, #tpu.memory_space<vmem_shared>> -> memref<10240x32xf32, #tpu.memory_space<vmem_shared>>
        tpu.enqueue_indirect_dma source(%arg12 : memref<128x32xf32, #tpu.memory_space<vmem>>) target(%dma_start3A_200 : memref<10240x32xf32, #tpu.memory_space<vmem_shared>>) offsets(%dma_start3A_197 : memref<128xi32, #tpu.memory_space<vmem>>) semaphore(%run_scoped3A : memref<!tpu.dma_semaphore, #tpu.memory_space<semaphore_mem>>) {add = true}
        %dma_wait3A_201 = arith.constant 0 : i32
        %dma_wait3A_202 = tpu.memref_slice %arg8[%add3A_151, %dma_wait3A_201] : memref<79x128xi32, #tpu.memory_space<vmem>> -> memref<1x128xi32, #tpu.memory_space<vmem>>
        %dma_wait3A_203 = tpu.memref_squeeze %dma_wait3A_202 : memref<1x128xi32, #tpu.memory_space<vmem>> -> memref<128xi32, #tpu.memory_space<vmem>>
        %dma_wait3A_204 = arith.constant 0 : i32
        %dma_wait3A_205 = arith.constant 0 : i32
        %dma_wait3A_206 = tpu.memref_slice %arg15[%dma_wait3A_204, %dma_wait3A_205] : memref<10240x32xf32, #tpu.memory_space<vmem_shared>> -> memref<10240x32xf32, #tpu.memory_space<vmem_shared>>
        tpu.wait_indirect_dma semaphore(%run_scoped3A : memref<!tpu.dma_semaphore, #tpu.memory_space<semaphore_mem>>) src(%arg12 : memref<128x32xf32, #tpu.memory_space<vmem>>) dst(%dma_wait3A_206 : memref<10240x32xf32, #tpu.memory_space<vmem_shared>>)
        tpu.yield
      }) : () -> ()
      %add3A_158 = arith.constant 6 : i32
      %add3A_159 = arith.addi %add3A_151, %add3A_158 : i32
      %lt3A_160 = arith.constant 78 : i32
      %lt3A_161 = arith.cmpi slt, %add3A_159, %lt3A_160 : i32
      %convert_element_type3A_162 = arith.extui %lt3A_161 : i1 to i32
      %cond3A_163 = arith.constant 0 : i32
      %cond3A_164 = arith.cmpi ne, %convert_element_type3A_162, %cond3A_163 : i32
      scf.if %cond3A_164 {
        %dma_start3A_195 = arith.constant 0 : i32
        %dma_start3A_196 = tpu.memref_slice %arg7[%add3A_159, %dma_start3A_195] : memref<79x128xi32, #tpu.memory_space<vmem>> -> memref<1x128xi32, #tpu.memory_space<vmem>>
        %dma_start3A_197 = tpu.memref_squeeze %dma_start3A_196 : memref<1x128xi32, #tpu.memory_space<vmem>> -> memref<128xi32, #tpu.memory_space<vmem>>
        %dma_start3A_198 = arith.constant 0 : i32
        %dma_start3A_199 = arith.constant 0 : i32
        %dma_start3A_200 = tpu.memref_slice %arg2[%dma_start3A_198, %dma_start3A_199] : memref<10240x32xf32, #tpu.memory_space<hbm>> -> memref<10240x32xf32, #tpu.memory_space<hbm>>
        tpu.enqueue_indirect_dma source(%dma_start3A_200 : memref<10240x32xf32, #tpu.memory_space<hbm>>) target(%arg12 : memref<128x32xf32, #tpu.memory_space<vmem>>) offsets(%dma_start3A_197 : memref<128xi32, #tpu.memory_space<vmem>>) semaphore(%arg19 : memref<!tpu.dma_semaphore, #tpu.memory_space<semaphore_mem>>)
      } else {
      }
      %add3A_165 = arith.constant 4 : i32
      %add3A_166 = arith.addi %mul3A_104, %add3A_165 : i32
      %dma_wait3A_167 = arith.constant 0 : i32
      %dma_wait3A_168 = tpu.memref_slice %arg7[%add3A_166, %dma_wait3A_167] : memref<79x128xi32, #tpu.memory_space<vmem>> -> memref<1x128xi32, #tpu.memory_space<vmem>>
      %dma_wait3A_169 = tpu.memref_squeeze %dma_wait3A_168 : memref<1x128xi32, #tpu.memory_space<vmem>> -> memref<128xi32, #tpu.memory_space<vmem>>
      %dma_wait3A_170 = arith.constant 0 : i32
      %dma_wait3A_171 = arith.constant 0 : i32
      %dma_wait3A_172 = tpu.memref_slice %arg2[%dma_wait3A_170, %dma_wait3A_171] : memref<10240x32xf32, #tpu.memory_space<hbm>> -> memref<10240x32xf32, #tpu.memory_space<hbm>>
      tpu.wait_indirect_dma semaphore(%arg20 : memref<!tpu.dma_semaphore, #tpu.memory_space<semaphore_mem>>) src(%dma_wait3A_172 : memref<10240x32xf32, #tpu.memory_space<hbm>>) dst(%arg13 : memref<128x32xf32, #tpu.memory_space<vmem>>)
      "tpu.region"() ({
        %run_scoped3A = tpu.sem_alloc : memref<!tpu.dma_semaphore, #tpu.memory_space<semaphore_mem>>
        %dma_start3A_195 = arith.constant 0 : i32
        %dma_start3A_196 = tpu.memref_slice %arg8[%add3A_166, %dma_start3A_195] : memref<79x128xi32, #tpu.memory_space<vmem>> -> memref<1x128xi32, #tpu.memory_space<vmem>>
        %dma_start3A_197 = tpu.memref_squeeze %dma_start3A_196 : memref<1x128xi32, #tpu.memory_space<vmem>> -> memref<128xi32, #tpu.memory_space<vmem>>
        %dma_start3A_198 = arith.constant 0 : i32
        %dma_start3A_199 = arith.constant 0 : i32
        %dma_start3A_200 = tpu.memref_slice %arg15[%dma_start3A_198, %dma_start3A_199] : memref<10240x32xf32, #tpu.memory_space<vmem_shared>> -> memref<10240x32xf32, #tpu.memory_space<vmem_shared>>
        tpu.enqueue_indirect_dma source(%arg13 : memref<128x32xf32, #tpu.memory_space<vmem>>) target(%dma_start3A_200 : memref<10240x32xf32, #tpu.memory_space<vmem_shared>>) offsets(%dma_start3A_197 : memref<128xi32, #tpu.memory_space<vmem>>) semaphore(%run_scoped3A : memref<!tpu.dma_semaphore, #tpu.memory_space<semaphore_mem>>) {add = true}
        %dma_wait3A_201 = arith.constant 0 : i32
        %dma_wait3A_202 = tpu.memref_slice %arg8[%add3A_166, %dma_wait3A_201] : memref<79x128xi32, #tpu.memory_space<vmem>> -> memref<1x128xi32, #tpu.memory_space<vmem>>
        %dma_wait3A_203 = tpu.memref_squeeze %dma_wait3A_202 : memref<1x128xi32, #tpu.memory_space<vmem>> -> memref<128xi32, #tpu.memory_space<vmem>>
        %dma_wait3A_204 = arith.constant 0 : i32
        %dma_wait3A_205 = arith.constant 0 : i32
        %dma_wait3A_206 = tpu.memref_slice %arg15[%dma_wait3A_204, %dma_wait3A_205] : memref<10240x32xf32, #tpu.memory_space<vmem_shared>> -> memref<10240x32xf32, #tpu.memory_space<vmem_shared>>
        tpu.wait_indirect_dma semaphore(%run_scoped3A : memref<!tpu.dma_semaphore, #tpu.memory_space<semaphore_mem>>) src(%arg13 : memref<128x32xf32, #tpu.memory_space<vmem>>) dst(%dma_wait3A_206 : memref<10240x32xf32, #tpu.memory_space<vmem_shared>>)
        tpu.yield
      }) : () -> ()
      %add3A_173 = arith.constant 6 : i32
      %add3A_174 = arith.addi %add3A_166, %add3A_173 : i32
      %lt3A_175 = arith.constant 78 : i32
      %lt3A_176 = arith.cmpi slt, %add3A_174, %lt3A_175 : i32
      %convert_element_type3A_177 = arith.extui %lt3A_176 : i1 to i32
      %cond3A_178 = arith.constant 0 : i32
      %cond3A_179 = arith.cmpi ne, %convert_element_type3A_177, %cond3A_178 : i32
      scf.if %cond3A_179 {
        %dma_start3A_195 = arith.constant 0 : i32
        %dma_start3A_196 = tpu.memref_slice %arg7[%add3A_174, %dma_start3A_195] : memref<79x128xi32, #tpu.memory_space<vmem>> -> memref<1x128xi32, #tpu.memory_space<vmem>>
        %dma_start3A_197 = tpu.memref_squeeze %dma_start3A_196 : memref<1x128xi32, #tpu.memory_space<vmem>> -> memref<128xi32, #tpu.memory_space<vmem>>
        %dma_start3A_198 = arith.constant 0 : i32
        %dma_start3A_199 = arith.constant 0 : i32
        %dma_start3A_200 = tpu.memref_slice %arg2[%dma_start3A_198, %dma_start3A_199] : memref<10240x32xf32, #tpu.memory_space<hbm>> -> memref<10240x32xf32, #tpu.memory_space<hbm>>
        tpu.enqueue_indirect_dma source(%dma_start3A_200 : memref<10240x32xf32, #tpu.memory_space<hbm>>) target(%arg13 : memref<128x32xf32, #tpu.memory_space<vmem>>) offsets(%dma_start3A_197 : memref<128xi32, #tpu.memory_space<vmem>>) semaphore(%arg20 : memref<!tpu.dma_semaphore, #tpu.memory_space<semaphore_mem>>)
      } else {
      }
      %add3A_180 = arith.constant 5 : i32
      %add3A_181 = arith.addi %mul3A_104, %add3A_180 : i32
      %dma_wait3A_182 = arith.constant 0 : i32
      %dma_wait3A_183 = tpu.memref_slice %arg7[%add3A_181, %dma_wait3A_182] : memref<79x128xi32, #tpu.memory_space<vmem>> -> memref<1x128xi32, #tpu.memory_space<vmem>>
      %dma_wait3A_184 = tpu.memref_squeeze %dma_wait3A_183 : memref<1x128xi32, #tpu.memory_space<vmem>> -> memref<128xi32, #tpu.memory_space<vmem>>
      %dma_wait3A_185 = arith.constant 0 : i32
      %dma_wait3A_186 = arith.constant 0 : i32
      %dma_wait3A_187 = tpu.memref_slice %arg2[%dma_wait3A_185, %dma_wait3A_186] : memref<10240x32xf32, #tpu.memory_space<hbm>> -> memref<10240x32xf32, #tpu.memory_space<hbm>>
      tpu.wait_indirect_dma semaphore(%arg21 : memref<!tpu.dma_semaphore, #tpu.memory_space<semaphore_mem>>) src(%dma_wait3A_187 : memref<10240x32xf32, #tpu.memory_space<hbm>>) dst(%arg14 : memref<128x32xf32, #tpu.memory_space<vmem>>)
      "tpu.region"() ({
        %run_scoped3A = tpu.sem_alloc : memref<!tpu.dma_semaphore, #tpu.memory_space<semaphore_mem>>
        %dma_start3A_195 = arith.constant 0 : i32
        %dma_start3A_196 = tpu.memref_slice %arg8[%add3A_181, %dma_start3A_195] : memref<79x128xi32, #tpu.memory_space<vmem>> -> memref<1x128xi32, #tpu.memory_space<vmem>>
        %dma_start3A_197 = tpu.memref_squeeze %dma_start3A_196 : memref<1x128xi32, #tpu.memory_space<vmem>> -> memref<128xi32, #tpu.memory_space<vmem>>
        %dma_start3A_198 = arith.constant 0 : i32
        %dma_start3A_199 = arith.constant 0 : i32
        %dma_start3A_200 = tpu.memref_slice %arg15[%dma_start3A_198, %dma_start3A_199] : memref<10240x32xf32, #tpu.memory_space<vmem_shared>> -> memref<10240x32xf32, #tpu.memory_space<vmem_shared>>
        tpu.enqueue_indirect_dma source(%arg14 : memref<128x32xf32, #tpu.memory_space<vmem>>) target(%dma_start3A_200 : memref<10240x32xf32, #tpu.memory_space<vmem_shared>>) offsets(%dma_start3A_197 : memref<128xi32, #tpu.memory_space<vmem>>) semaphore(%run_scoped3A : memref<!tpu.dma_semaphore, #tpu.memory_space<semaphore_mem>>) {add = true}
        %dma_wait3A_201 = arith.constant 0 : i32
        %dma_wait3A_202 = tpu.memref_slice %arg8[%add3A_181, %dma_wait3A_201] : memref<79x128xi32, #tpu.memory_space<vmem>> -> memref<1x128xi32, #tpu.memory_space<vmem>>
        %dma_wait3A_203 = tpu.memref_squeeze %dma_wait3A_202 : memref<1x128xi32, #tpu.memory_space<vmem>> -> memref<128xi32, #tpu.memory_space<vmem>>
        %dma_wait3A_204 = arith.constant 0 : i32
        %dma_wait3A_205 = arith.constant 0 : i32
        %dma_wait3A_206 = tpu.memref_slice %arg15[%dma_wait3A_204, %dma_wait3A_205] : memref<10240x32xf32, #tpu.memory_space<vmem_shared>> -> memref<10240x32xf32, #tpu.memory_space<vmem_shared>>
        tpu.wait_indirect_dma semaphore(%run_scoped3A : memref<!tpu.dma_semaphore, #tpu.memory_space<semaphore_mem>>) src(%arg14 : memref<128x32xf32, #tpu.memory_space<vmem>>) dst(%dma_wait3A_206 : memref<10240x32xf32, #tpu.memory_space<vmem_shared>>)
        tpu.yield
      }) : () -> ()
      %add3A_188 = arith.constant 6 : i32
      %add3A_189 = arith.addi %add3A_181, %add3A_188 : i32
      %lt3A_190 = arith.constant 78 : i32
      %lt3A_191 = arith.cmpi slt, %add3A_189, %lt3A_190 : i32
      %convert_element_type3A_192 = arith.extui %lt3A_191 : i1 to i32
      %cond3A_193 = arith.constant 0 : i32
      %cond3A_194 = arith.cmpi ne, %convert_element_type3A_192, %cond3A_193 : i32
      scf.if %cond3A_194 {
        %dma_start3A_195 = arith.constant 0 : i32
        %dma_start3A_196 = tpu.memref_slice %arg7[%add3A_189, %dma_start3A_195] : memref<79x128xi32, #tpu.memory_space<vmem>> -> memref<1x128xi32, #tpu.memory_space<vmem>>
        %dma_start3A_197 = tpu.memref_squeeze %dma_start3A_196 : memref<1x128xi32, #tpu.memory_space<vmem>> -> memref<128xi32, #tpu.memory_space<vmem>>
        %dma_start3A_198 = arith.constant 0 : i32
        %dma_start3A_199 = arith.constant 0 : i32
        %dma_start3A_200 = tpu.memref_slice %arg2[%dma_start3A_198, %dma_start3A_199] : memref<10240x32xf32, #tpu.memory_space<hbm>> -> memref<10240x32xf32, #tpu.memory_space<hbm>>
        tpu.enqueue_indirect_dma source(%dma_start3A_200 : memref<10240x32xf32, #tpu.memory_space<hbm>>) target(%arg14 : memref<128x32xf32, #tpu.memory_space<vmem>>) offsets(%dma_start3A_197 : memref<128xi32, #tpu.memory_space<vmem>>) semaphore(%arg21 : memref<!tpu.dma_semaphore, #tpu.memory_space<semaphore_mem>>)
      } else {
      }
    }
    %scan3A_93 = arith.constant 13 : i32
    %convert_element_type3A_94 = arith.extui %lt3A_3 : i1 to i32
    %cond3A_95 = arith.constant 0 : i32
    %cond3A_96 = arith.cmpi ne, %convert_element_type3A_94, %cond3A_95 : i32
    scf.if %cond3A_96 {
      %dma_start3A_102 = arith.constant 78 : i32
      %dma_start3A_103 = arith.constant 0 : i32
      %dma_start3A_104 = tpu.memref_slice %arg7[%dma_start3A_102, %dma_start3A_103] : memref<79x128xi32, #tpu.memory_space<vmem>> -> memref<1x128xi32, #tpu.memory_space<vmem>>
      %dma_start3A_105 = tpu.memref_squeeze %dma_start3A_104 : memref<1x128xi32, #tpu.memory_space<vmem>> -> memref<128xi32, #tpu.memory_space<vmem>>
      %dma_start3A_106 = arith.constant 0 : i32
      %dma_start3A_107 = arith.constant 0 : i32
      %dma_start3A_108 = tpu.memref_slice %arg2[%dma_start3A_106, %dma_start3A_107] : memref<10240x32xf32, #tpu.memory_space<hbm>> -> memref<10240x32xf32, #tpu.memory_space<hbm>>
      tpu.enqueue_indirect_dma source(%dma_start3A_108 : memref<10240x32xf32, #tpu.memory_space<hbm>>) target(%arg9 : memref<128x32xf32, #tpu.memory_space<vmem>>) offsets(%dma_start3A_105 : memref<128xi32, #tpu.memory_space<vmem>>) semaphore(%arg16 : memref<!tpu.dma_semaphore, #tpu.memory_space<semaphore_mem>>)
      %dma_wait3A_109 = arith.constant 78 : i32
      %dma_wait3A_110 = arith.constant 0 : i32
      %dma_wait3A_111 = tpu.memref_slice %arg7[%dma_wait3A_109, %dma_wait3A_110] : memref<79x128xi32, #tpu.memory_space<vmem>> -> memref<1x128xi32, #tpu.memory_space<vmem>>
      %dma_wait3A_112 = tpu.memref_squeeze %dma_wait3A_111 : memref<1x128xi32, #tpu.memory_space<vmem>> -> memref<128xi32, #tpu.memory_space<vmem>>
      %dma_wait3A_113 = arith.constant 0 : i32
      %dma_wait3A_114 = arith.constant 0 : i32
      %dma_wait3A_115 = tpu.memref_slice %arg2[%dma_wait3A_113, %dma_wait3A_114] : memref<10240x32xf32, #tpu.memory_space<hbm>> -> memref<10240x32xf32, #tpu.memory_space<hbm>>
      tpu.wait_indirect_dma semaphore(%arg16 : memref<!tpu.dma_semaphore, #tpu.memory_space<semaphore_mem>>) src(%dma_wait3A_115 : memref<10240x32xf32, #tpu.memory_space<hbm>>) dst(%arg9 : memref<128x32xf32, #tpu.memory_space<vmem>>)
      %run_scoped3A = arith.constant 78 : i32
      "tpu.region"() ({
        %run_scoped3A_116 = tpu.sem_alloc : memref<!tpu.dma_semaphore, #tpu.memory_space<semaphore_mem>>
        %dma_start3A_117 = arith.constant 0 : i32
        %dma_start3A_118 = tpu.memref_slice %arg8[%run_scoped3A, %dma_start3A_117] : memref<79x128xi32, #tpu.memory_space<vmem>> -> memref<1x128xi32, #tpu.memory_space<vmem>>
        %dma_start3A_119 = tpu.memref_squeeze %dma_start3A_118 : memref<1x128xi32, #tpu.memory_space<vmem>> -> memref<128xi32, #tpu.memory_space<vmem>>
        %dma_start3A_120 = arith.constant 0 : i32
        %dma_start3A_121 = arith.constant 0 : i32
        %dma_start3A_122 = tpu.memref_slice %arg15[%dma_start3A_120, %dma_start3A_121] : memref<10240x32xf32, #tpu.memory_space<vmem_shared>> -> memref<10240x32xf32, #tpu.memory_space<vmem_shared>>
        tpu.enqueue_indirect_dma source(%arg9 : memref<128x32xf32, #tpu.memory_space<vmem>>) target(%dma_start3A_122 : memref<10240x32xf32, #tpu.memory_space<vmem_shared>>) offsets(%dma_start3A_119 : memref<128xi32, #tpu.memory_space<vmem>>) semaphore(%run_scoped3A_116 : memref<!tpu.dma_semaphore, #tpu.memory_space<semaphore_mem>>) {add = true}
        %dma_wait3A_123 = arith.constant 0 : i32
        %dma_wait3A_124 = tpu.memref_slice %arg8[%run_scoped3A, %dma_wait3A_123] : memref<79x128xi32, #tpu.memory_space<vmem>> -> memref<1x128xi32, #tpu.memory_space<vmem>>
        %dma_wait3A_125 = tpu.memref_squeeze %dma_wait3A_124 : memref<1x128xi32, #tpu.memory_space<vmem>> -> memref<128xi32, #tpu.memory_space<vmem>>
        %dma_wait3A_126 = arith.constant 0 : i32
        %dma_wait3A_127 = arith.constant 0 : i32
        %dma_wait3A_128 = tpu.memref_slice %arg15[%dma_wait3A_126, %dma_wait3A_127] : memref<10240x32xf32, #tpu.memory_space<vmem_shared>> -> memref<10240x32xf32, #tpu.memory_space<vmem_shared>>
        tpu.wait_indirect_dma semaphore(%run_scoped3A_116 : memref<!tpu.dma_semaphore, #tpu.memory_space<semaphore_mem>>) src(%arg9 : memref<128x32xf32, #tpu.memory_space<vmem>>) dst(%dma_wait3A_128 : memref<10240x32xf32, #tpu.memory_space<vmem_shared>>)
        tpu.yield
      }) : () -> ()
    } else {
    }
    %barrier3A_97 = arith.constant 0 : index
    tpu.barrier barrier_id(%barrier3A_97)
    %mul3A_98 = arith.constant 640 : i32
    %mul3A_99 = arith.muli %arg1, %mul3A_98 : i32
    %mul3A_100 = arith.constant 640 : i32
    %mul3A_101 = arith.muli %arg1, %mul3A_100 : i32
    "tpu.region"() ({
      %run_scoped3A = tpu.sem_alloc : memref<!tpu.dma_semaphore, #tpu.memory_space<semaphore_mem>>
      %dma_start3A_102 = arith.constant 0 : i32
      %dma_start3A_103 = tpu.memref_slice %arg6[%arg0, %mul3A_101, %dma_start3A_102] : memref<2x10240x32xf32, #tpu.memory_space<hbm>> -> memref<1x640x32xf32, #tpu.memory_space<hbm>>
      %dma_start3A_104 = tpu.memref_squeeze %dma_start3A_103 : memref<1x640x32xf32, #tpu.memory_space<hbm>> -> memref<640x32xf32, #tpu.memory_space<hbm>>
      %dma_start3A_105 = arith.constant 0 : i32
      %dma_start3A_106 = tpu.memref_slice %arg15[%mul3A_99, %dma_start3A_105] : memref<10240x32xf32, #tpu.memory_space<vmem_shared>> -> memref<640x32xf32, #tpu.memory_space<vmem_shared>>
      tpu.enqueue_dma source(%dma_start3A_106 : memref<640x32xf32, #tpu.memory_space<vmem_shared>>) target(%dma_start3A_104 : memref<640x32xf32, #tpu.memory_space<hbm>>) target_semaphore(%run_scoped3A : memref<!tpu.dma_semaphore, #tpu.memory_space<semaphore_mem>>)
      %dma_wait3A_107 = arith.constant 0 : i32
      %dma_wait3A_108 = tpu.memref_slice %arg6[%arg0, %mul3A_101, %dma_wait3A_107] : memref<2x10240x32xf32, #tpu.memory_space<hbm>> -> memref<1x640x32xf32, #tpu.memory_space<hbm>>
      %dma_wait3A_109 = tpu.memref_squeeze %dma_wait3A_108 : memref<1x640x32xf32, #tpu.memory_space<hbm>> -> memref<640x32xf32, #tpu.memory_space<hbm>>
      %dma_wait3A_110 = arith.constant 0 : i32
      %dma_wait3A_111 = tpu.memref_slice %arg15[%mul3A_99, %dma_wait3A_110] : memref<10240x32xf32, #tpu.memory_space<vmem_shared>> -> memref<640x32xf32, #tpu.memory_space<vmem_shared>>
      tpu.wait_dma2 semaphore(%run_scoped3A : memref<!tpu.dma_semaphore, #tpu.memory_space<semaphore_mem>>) src(%dma_wait3A_111 : memref<640x32xf32, #tpu.memory_space<vmem_shared>>) dst(%dma_wait3A_109 : memref<640x32xf32, #tpu.memory_space<hbm>>)
      tpu.yield
    }) : () -> ()
    return
  }
}

#map = affine_map<(d0, d1) -> (0, 0)>
#map1 = affine_map<(d0, d1) -> (0, 0, 0)>
module attributes {stable_mosaic.version = 14 : i64} {
  func.func @seg(%arg0: i32, %arg1: i32, %arg2: memref<10240x32xf32, #tpu.memory_space<hbm>>, %arg3: memref<2500x128xi32, #tpu.memory_space<hbm>>, %arg4: memref<2500x128xi32, #tpu.memory_space<hbm>>, %arg5: memref<10240x32xf32, #tpu.memory_space<hbm>>, %arg6: memref<2x10240x32xf32, #tpu.memory_space<hbm>>, %arg7: memref<79x128xi32, #tpu.memory_space<vmem>>, %arg8: memref<79x128xi32, #tpu.memory_space<vmem>>, %arg9: memref<128x32xf32, #tpu.memory_space<vmem>>, %arg10: memref<128x32xf32, #tpu.memory_space<vmem>>, %arg11: memref<128x32xf32, #tpu.memory_space<vmem>>, %arg12: memref<128x32xf32, #tpu.memory_space<vmem>>, %arg13: memref<128x32xf32, #tpu.memory_space<vmem>>, %arg14: memref<128x32xf32, #tpu.memory_space<vmem>>, %arg15: memref<10240x32xf32, #tpu.memory_space<vmem_shared>>, %arg16: memref<!tpu.dma_semaphore, #tpu.memory_space<semaphore_mem>>, %arg17: memref<!tpu.dma_semaphore, #tpu.memory_space<semaphore_mem>>, %arg18: memref<!tpu.dma_semaphore, #tpu.memory_space<semaphore_mem>>, %arg19: memref<!tpu.dma_semaphore, #tpu.memory_space<semaphore_mem>>, %arg20: memref<!tpu.dma_semaphore, #tpu.memory_space<semaphore_mem>>, %arg21: memref<!tpu.dma_semaphore, #tpu.memory_space<semaphore_mem>>, %arg22: memref<!tpu.dma_semaphore, #tpu.memory_space<semaphore_mem>>) attributes {dimension_semantics = [#tpu.dimension_semantics<core_parallel>, #tpu.dimension_semantics<subcore_parallel>], iteration_bounds = array<i64: 2, 16>, scalar_prefetch = 0 : i64, scratch_operands = 16 : i64, tpu.core_type = #tpu.core_type<sc_vector_subcore>, window_params = [{transform_indices = #map}, {transform_indices = #map}, {transform_indices = #map}, {transform_indices = #map}, {transform_indices = #map1}]} {
    %mul3A = arith.constant 2 : i32
    %mul3A_0 = arith.muli %arg1, %mul3A : i32
    %add3A = arith.addi %mul3A_0, %arg0 : i32
    %mul3A_1 = arith.constant 78 : i32
    %mul3A_2 = arith.muli %add3A, %mul3A_1 : i32
    %lt3A = arith.constant 4 : i32
    %lt3A_3 = arith.cmpi slt, %add3A, %lt3A : i32
    %dma_start3A = arith.constant 0 : i32
    %dma_start3A_4 = arith.constant 0 : i32
    %dma_start3A_5 = tpu.memref_slice %arg7[%dma_start3A, %dma_start3A_4] : memref<79x128xi32, #tpu.memory_space<vmem>> -> memref<78x128xi32, #tpu.memory_space<vmem>>
    %dma_start3A_6 = arith.constant 0 : i32
    %dma_start3A_7 = tpu.memref_slice %arg3[%mul3A_2, %dma_start3A_6] : memref<2500x128xi32, #tpu.memory_space<hbm>> -> memref<78x128xi32, #tpu.memory_space<hbm>>
    %dma_start3A_8 = arith.constant 0 : i32
    %dma_start3A_9 = arith.constant 0 : i32
    %dma_start3A_10 = tpu.memref_slice %arg7[%dma_start3A_8, %dma_start3A_9] : memref<79x128xi32, #tpu.memory_space<vmem>> -> memref<78x128xi32, #tpu.memory_space<vmem>>
    %dma_start3A_11 = arith.constant 0 : i32
    %dma_start3A_12 = tpu.memref_slice %arg3[%mul3A_2, %dma_start3A_11] : memref<2500x128xi32, #tpu.memory_space<hbm>> -> memref<78x128xi32, #tpu.memory_space<hbm>>
    tpu.enqueue_dma source(%dma_start3A_12 : memref<78x128xi32, #tpu.memory_space<hbm>>) target(%dma_start3A_10 : memref<78x128xi32, #tpu.memory_space<vmem>>) target_semaphore(%arg22 : memref<!tpu.dma_semaphore, #tpu.memory_space<semaphore_mem>>)
    %dma_start3A_13 = arith.constant 0 : i32
    %dma_start3A_14 = arith.constant 0 : i32
    %dma_start3A_15 = tpu.memref_slice %arg8[%dma_start3A_13, %dma_start3A_14] : memref<79x128xi32, #tpu.memory_space<vmem>> -> memref<78x128xi32, #tpu.memory_space<vmem>>
    %dma_start3A_16 = arith.constant 0 : i32
    %dma_start3A_17 = tpu.memref_slice %arg4[%mul3A_2, %dma_start3A_16] : memref<2500x128xi32, #tpu.memory_space<hbm>> -> memref<78x128xi32, #tpu.memory_space<hbm>>
    %dma_start3A_18 = arith.constant 0 : i32
    %dma_start3A_19 = arith.constant 0 : i32
    %dma_start3A_20 = tpu.memref_slice %arg8[%dma_start3A_18, %dma_start3A_19] : memref<79x128xi32, #tpu.memory_space<vmem>> -> memref<78x128xi32, #tpu.memory_space<vmem>>
    %dma_start3A_21 = arith.constant 0 : i32
    %dma_start3A_22 = tpu.memref_slice %arg4[%mul3A_2, %dma_start3A_21] : memref<2500x128xi32, #tpu.memory_space<hbm>> -> memref<78x128xi32, #tpu.memory_space<hbm>>
    tpu.enqueue_dma source(%dma_start3A_22 : memref<78x128xi32, #tpu.memory_space<hbm>>) target(%dma_start3A_20 : memref<78x128xi32, #tpu.memory_space<vmem>>) target_semaphore(%arg22 : memref<!tpu.dma_semaphore, #tpu.memory_space<semaphore_mem>>)
    %convert_element_type3A = arith.extui %lt3A_3 : i1 to i32
    %cond3A = arith.constant 0 : i32
    %cond3A_23 = arith.cmpi ne, %convert_element_type3A, %cond3A : i32
    scf.if %cond3A_23 {
      %add3A_102 = arith.constant 2496 : i32
      %add3A_103 = arith.addi %add3A_102, %add3A : i32
      %dma_start3A_104 = arith.constant 78 : i32
      %dma_start3A_105 = arith.constant 0 : i32
      %dma_start3A_106 = tpu.memref_slice %arg7[%dma_start3A_104, %dma_start3A_105] : memref<79x128xi32, #tpu.memory_space<vmem>> -> memref<1x128xi32, #tpu.memory_space<vmem>>
      %dma_start3A_107 = arith.constant 0 : i32
      %dma_start3A_108 = tpu.memref_slice %arg3[%add3A_103, %dma_start3A_107] : memref<2500x128xi32, #tpu.memory_space<hbm>> -> memref<1x128xi32, #tpu.memory_space<hbm>>
      %dma_start3A_109 = arith.constant 78 : i32
      %dma_start3A_110 = arith.constant 0 : i32
      %dma_start3A_111 = tpu.memref_slice %arg7[%dma_start3A_109, %dma_start3A_110] : memref<79x128xi32, #tpu.memory_space<vmem>> -> memref<1x128xi32, #tpu.memory_space<vmem>>
      %dma_start3A_112 = arith.constant 0 : i32
      %dma_start3A_113 = tpu.memref_slice %arg3[%add3A_103, %dma_start3A_112] : memref<2500x128xi32, #tpu.memory_space<hbm>> -> memref<1x128xi32, #tpu.memory_space<hbm>>
      tpu.enqueue_dma source(%dma_start3A_113 : memref<1x128xi32, #tpu.memory_space<hbm>>) target(%dma_start3A_111 : memref<1x128xi32, #tpu.memory_space<vmem>>) target_semaphore(%arg22 : memref<!tpu.dma_semaphore, #tpu.memory_space<semaphore_mem>>)
      %dma_start3A_114 = arith.constant 78 : i32
      %dma_start3A_115 = arith.constant 0 : i32
      %dma_start3A_116 = tpu.memref_slice %arg8[%dma_start3A_114, %dma_start3A_115] : memref<79x128xi32, #tpu.memory_space<vmem>> -> memref<1x128xi32, #tpu.memory_space<vmem>>
      %dma_start3A_117 = arith.constant 0 : i32
      %dma_start3A_118 = tpu.memref_slice %arg4[%add3A_103, %dma_start3A_117] : memref<2500x128xi32, #tpu.memory_space<hbm>> -> memref<1x128xi32, #tpu.memory_space<hbm>>
      %dma_start3A_119 = arith.constant 78 : i32
      %dma_start3A_120 = arith.constant 0 : i32
      %dma_start3A_121 = tpu.memref_slice %arg8[%dma_start3A_119, %dma_start3A_120] : memref<79x128xi32, #tpu.memory_space<vmem>> -> memref<1x128xi32, #tpu.memory_space<vmem>>
      %dma_start3A_122 = arith.constant 0 : i32
      %dma_start3A_123 = tpu.memref_slice %arg4[%add3A_103, %dma_start3A_122] : memref<2500x128xi32, #tpu.memory_space<hbm>> -> memref<1x128xi32, #tpu.memory_space<hbm>>
      tpu.enqueue_dma source(%dma_start3A_123 : memref<1x128xi32, #tpu.memory_space<hbm>>) target(%dma_start3A_121 : memref<1x128xi32, #tpu.memory_space<vmem>>) target_semaphore(%arg22 : memref<!tpu.dma_semaphore, #tpu.memory_space<semaphore_mem>>)
      %dma_wait3A_124 = arith.constant 78 : i32
      %dma_wait3A_125 = arith.constant 0 : i32
      %dma_wait3A_126 = tpu.memref_slice %arg7[%dma_wait3A_124, %dma_wait3A_125] : memref<79x128xi32, #tpu.memory_space<vmem>> -> memref<1x128xi32, #tpu.memory_space<vmem>>
      %dma_wait3A_127 = arith.constant 0 : i32
      %dma_wait3A_128 = tpu.memref_slice %arg3[%add3A_103, %dma_wait3A_127] : memref<2500x128xi32, #tpu.memory_space<hbm>> -> memref<1x128xi32, #tpu.memory_space<hbm>>
      %dma_wait3A_129 = arith.constant 78 : i32
      %dma_wait3A_130 = arith.constant 0 : i32
      %dma_wait3A_131 = tpu.memref_slice %arg7[%dma_wait3A_129, %dma_wait3A_130] : memref<79x128xi32, #tpu.memory_space<vmem>> -> memref<1x128xi32, #tpu.memory_space<vmem>>
      %dma_wait3A_132 = arith.constant 0 : i32
      %dma_wait3A_133 = tpu.memref_slice %arg3[%add3A_103, %dma_wait3A_132] : memref<2500x128xi32, #tpu.memory_space<hbm>> -> memref<1x128xi32, #tpu.memory_space<hbm>>
      tpu.wait_dma2 semaphore(%arg22 : memref<!tpu.dma_semaphore, #tpu.memory_space<semaphore_mem>>) src(%dma_wait3A_133 : memref<1x128xi32, #tpu.memory_space<hbm>>) dst(%dma_wait3A_131 : memref<1x128xi32, #tpu.memory_space<vmem>>)
      %dma_wait3A_134 = arith.constant 78 : i32
      %dma_wait3A_135 = arith.constant 0 : i32
      %dma_wait3A_136 = tpu.memref_slice %arg8[%dma_wait3A_134, %dma_wait3A_135] : memref<79x128xi32, #tpu.memory_space<vmem>> -> memref<1x128xi32, #tpu.memory_space<vmem>>
      %dma_wait3A_137 = arith.constant 0 : i32
      %dma_wait3A_138 = tpu.memref_slice %arg4[%add3A_103, %dma_wait3A_137] : memref<2500x128xi32, #tpu.memory_space<hbm>> -> memref<1x128xi32, #tpu.memory_space<hbm>>
      %dma_wait3A_139 = arith.constant 78 : i32
      %dma_wait3A_140 = arith.constant 0 : i32
      %dma_wait3A_141 = tpu.memref_slice %arg8[%dma_wait3A_139, %dma_wait3A_140] : memref<79x128xi32, #tpu.memory_space<vmem>> -> memref<1x128xi32, #tpu.memory_space<vmem>>
      %dma_wait3A_142 = arith.constant 0 : i32
      %dma_wait3A_143 = tpu.memref_slice %arg4[%add3A_103, %dma_wait3A_142] : memref<2500x128xi32, #tpu.memory_space<hbm>> -> memref<1x128xi32, #tpu.memory_space<hbm>>
      tpu.wait_dma2 semaphore(%arg22 : memref<!tpu.dma_semaphore, #tpu.memory_space<semaphore_mem>>) src(%dma_wait3A_143 : memref<1x128xi32, #tpu.memory_space<hbm>>) dst(%dma_wait3A_141 : memref<1x128xi32, #tpu.memory_space<vmem>>)
    } else {
    }
    %dma_wait3A = arith.constant 0 : i32
    %dma_wait3A_24 = arith.constant 0 : i32
    %dma_wait3A_25 = tpu.memref_slice %arg7[%dma_wait3A, %dma_wait3A_24] : memref<79x128xi32, #tpu.memory_space<vmem>> -> memref<78x128xi32, #tpu.memory_space<vmem>>
    %dma_wait3A_26 = arith.constant 0 : i32
    %dma_wait3A_27 = tpu.memref_slice %arg3[%mul3A_2, %dma_wait3A_26] : memref<2500x128xi32, #tpu.memory_space<hbm>> -> memref<78x128xi32, #tpu.memory_space<hbm>>
    %dma_wait3A_28 = arith.constant 0 : i32
    %dma_wait3A_29 = arith.constant 0 : i32
    %dma_wait3A_30 = tpu.memref_slice %arg7[%dma_wait3A_28, %dma_wait3A_29] : memref<79x128xi32, #tpu.memory_space<vmem>> -> memref<78x128xi32, #tpu.memory_space<vmem>>
    %dma_wait3A_31 = arith.constant 0 : i32
    %dma_wait3A_32 = tpu.memref_slice %arg3[%mul3A_2, %dma_wait3A_31] : memref<2500x128xi32, #tpu.memory_space<hbm>> -> memref<78x128xi32, #tpu.memory_space<hbm>>
    tpu.wait_dma2 semaphore(%arg22 : memref<!tpu.dma_semaphore, #tpu.memory_space<semaphore_mem>>) src(%dma_wait3A_32 : memref<78x128xi32, #tpu.memory_space<hbm>>) dst(%dma_wait3A_30 : memref<78x128xi32, #tpu.memory_space<vmem>>)
    %dma_wait3A_33 = arith.constant 0 : i32
    %dma_wait3A_34 = arith.constant 0 : i32
    %dma_wait3A_35 = tpu.memref_slice %arg8[%dma_wait3A_33, %dma_wait3A_34] : memref<79x128xi32, #tpu.memory_space<vmem>> -> memref<78x128xi32, #tpu.memory_space<vmem>>
    %dma_wait3A_36 = arith.constant 0 : i32
    %dma_wait3A_37 = tpu.memref_slice %arg4[%mul3A_2, %dma_wait3A_36] : memref<2500x128xi32, #tpu.memory_space<hbm>> -> memref<78x128xi32, #tpu.memory_space<hbm>>
    %dma_wait3A_38 = arith.constant 0 : i32
    %dma_wait3A_39 = arith.constant 0 : i32
    %dma_wait3A_40 = tpu.memref_slice %arg8[%dma_wait3A_38, %dma_wait3A_39] : memref<79x128xi32, #tpu.memory_space<vmem>> -> memref<78x128xi32, #tpu.memory_space<vmem>>
    %dma_wait3A_41 = arith.constant 0 : i32
    %dma_wait3A_42 = tpu.memref_slice %arg4[%mul3A_2, %dma_wait3A_41] : memref<2500x128xi32, #tpu.memory_space<hbm>> -> memref<78x128xi32, #tpu.memory_space<hbm>>
    tpu.wait_dma2 semaphore(%arg22 : memref<!tpu.dma_semaphore, #tpu.memory_space<semaphore_mem>>) src(%dma_wait3A_42 : memref<78x128xi32, #tpu.memory_space<hbm>>) dst(%dma_wait3A_40 : memref<78x128xi32, #tpu.memory_space<vmem>>)
    %dma_start3A_43 = arith.constant 0 : i32
    %dma_start3A_44 = arith.constant 0 : i32
    %dma_start3A_45 = tpu.memref_slice %arg7[%dma_start3A_43, %dma_start3A_44] : memref<79x128xi32, #tpu.memory_space<vmem>> -> memref<1x128xi32, #tpu.memory_space<vmem>>
    %dma_start3A_46 = tpu.memref_squeeze %dma_start3A_45 : memref<1x128xi32, #tpu.memory_space<vmem>> -> memref<128xi32, #tpu.memory_space<vmem>>
    %dma_start3A_47 = arith.constant 0 : i32
    %dma_start3A_48 = arith.constant 0 : i32
    %dma_start3A_49 = tpu.memref_slice %arg2[%dma_start3A_47, %dma_start3A_48] : memref<10240x32xf32, #tpu.memory_space<hbm>> -> memref<10240x32xf32, #tpu.memory_space<hbm>>
    tpu.enqueue_indirect_dma source(%dma_start3A_49 : memref<10240x32xf32, #tpu.memory_space<hbm>>) target(%arg9 : memref<128x32xf32, #tpu.memory_space<vmem>>) offsets(%dma_start3A_46 : memref<128xi32, #tpu.memory_space<vmem>>) semaphore(%arg16 : memref<!tpu.dma_semaphore, #tpu.memory_space<semaphore_mem>>)
    %dma_start3A_50 = arith.constant 1 : i32
    %dma_start3A_51 = arith.constant 0 : i32
    %dma_start3A_52 = tpu.memref_slice %arg7[%dma_start3A_50, %dma_start3A_51] : memref<79x128xi32, #tpu.memory_space<vmem>> -> memref<1x128xi32, #tpu.memory_space<vmem>>
    %dma_start3A_53 = tpu.memref_squeeze %dma_start3A_52 : memref<1x128xi32, #tpu.memory_space<vmem>> -> memref<128xi32, #tpu.memory_space<vmem>>
    %dma_start3A_54 = arith.constant 0 : i32
    %dma_start3A_55 = arith.constant 0 : i32
    %dma_start3A_56 = tpu.memref_slice %arg2[%dma_start3A_54, %dma_start3A_55] : memref<10240x32xf32, #tpu.memory_space<hbm>> -> memref<10240x32xf32, #tpu.memory_space<hbm>>
    tpu.enqueue_indirect_dma source(%dma_start3A_56 : memref<10240x32xf32, #tpu.memory_space<hbm>>) target(%arg10 : memref<128x32xf32, #tpu.memory_space<vmem>>) offsets(%dma_start3A_53 : memref<128xi32, #tpu.memory_space<vmem>>) semaphore(%arg17 : memref<!tpu.dma_semaphore, #tpu.memory_space<semaphore_mem>>)
    %dma_start3A_57 = arith.constant 2 : i32
    %dma_start3A_58 = arith.constant 0 : i32
    %dma_start3A_59 = tpu.memref_slice %arg7[%dma_start3A_57, %dma_start3A_58] : memref<79x128xi32, #tpu.memory_space<vmem>> -> memref<1x128xi32, #tpu.memory_space<vmem>>
    %dma_start3A_60 = tpu.memref_squeeze %dma_start3A_59 : memref<1x128xi32, #tpu.memory_space<vmem>> -> memref<128xi32, #tpu.memory_space<vmem>>
    %dma_start3A_61 = arith.constant 0 : i32
    %dma_start3A_62 = arith.constant 0 : i32
    %dma_start3A_63 = tpu.memref_slice %arg2[%dma_start3A_61, %dma_start3A_62] : memref<10240x32xf32, #tpu.memory_space<hbm>> -> memref<10240x32xf32, #tpu.memory_space<hbm>>
    tpu.enqueue_indirect_dma source(%dma_start3A_63 : memref<10240x32xf32, #tpu.memory_space<hbm>>) target(%arg11 : memref<128x32xf32, #tpu.memory_space<vmem>>) offsets(%dma_start3A_60 : memref<128xi32, #tpu.memory_space<vmem>>) semaphore(%arg18 : memref<!tpu.dma_semaphore, #tpu.memory_space<semaphore_mem>>)
    %dma_start3A_64 = arith.constant 3 : i32
    %dma_start3A_65 = arith.constant 0 : i32
    %dma_start3A_66 = tpu.memref_slice %arg7[%dma_start3A_64, %dma_start3A_65] : memref<79x128xi32, #tpu.memory_space<vmem>> -> memref<1x128xi32, #tpu.memory_space<vmem>>
    %dma_start3A_67 = tpu.memref_squeeze %dma_start3A_66 : memref<1x128xi32, #tpu.memory_space<vmem>> -> memref<128xi32, #tpu.memory_space<vmem>>
    %dma_start3A_68 = arith.constant 0 : i32
    %dma_start3A_69 = arith.constant 0 : i32
    %dma_start3A_70 = tpu.memref_slice %arg2[%dma_start3A_68, %dma_start3A_69] : memref<10240x32xf32, #tpu.memory_space<hbm>> -> memref<10240x32xf32, #tpu.memory_space<hbm>>
    tpu.enqueue_indirect_dma source(%dma_start3A_70 : memref<10240x32xf32, #tpu.memory_space<hbm>>) target(%arg12 : memref<128x32xf32, #tpu.memory_space<vmem>>) offsets(%dma_start3A_67 : memref<128xi32, #tpu.memory_space<vmem>>) semaphore(%arg19 : memref<!tpu.dma_semaphore, #tpu.memory_space<semaphore_mem>>)
    %dma_start3A_71 = arith.constant 4 : i32
    %dma_start3A_72 = arith.constant 0 : i32
    %dma_start3A_73 = tpu.memref_slice %arg7[%dma_start3A_71, %dma_start3A_72] : memref<79x128xi32, #tpu.memory_space<vmem>> -> memref<1x128xi32, #tpu.memory_space<vmem>>
    %dma_start3A_74 = tpu.memref_squeeze %dma_start3A_73 : memref<1x128xi32, #tpu.memory_space<vmem>> -> memref<128xi32, #tpu.memory_space<vmem>>
    %dma_start3A_75 = arith.constant 0 : i32
    %dma_start3A_76 = arith.constant 0 : i32
    %dma_start3A_77 = tpu.memref_slice %arg2[%dma_start3A_75, %dma_start3A_76] : memref<10240x32xf32, #tpu.memory_space<hbm>> -> memref<10240x32xf32, #tpu.memory_space<hbm>>
    tpu.enqueue_indirect_dma source(%dma_start3A_77 : memref<10240x32xf32, #tpu.memory_space<hbm>>) target(%arg13 : memref<128x32xf32, #tpu.memory_space<vmem>>) offsets(%dma_start3A_74 : memref<128xi32, #tpu.memory_space<vmem>>) semaphore(%arg20 : memref<!tpu.dma_semaphore, #tpu.memory_space<semaphore_mem>>)
    %dma_start3A_78 = arith.constant 5 : i32
    %dma_start3A_79 = arith.constant 0 : i32
    %dma_start3A_80 = tpu.memref_slice %arg7[%dma_start3A_78, %dma_start3A_79] : memref<79x128xi32, #tpu.memory_space<vmem>> -> memref<1x128xi32, #tpu.memory_space<vmem>>
    %dma_start3A_81 = tpu.memref_squeeze %dma_start3A_80 : memref<1x128xi32, #tpu.memory_space<vmem>> -> memref<128xi32, #tpu.memory_space<vmem>>
    %dma_start3A_82 = arith.constant 0 : i32
    %dma_start3A_83 = arith.constant 0 : i32
    %dma_start3A_84 = tpu.memref_slice %arg2[%dma_start3A_82, %dma_start3A_83] : memref<10240x32xf32, #tpu.memory_space<hbm>> -> memref<10240x32xf32, #tpu.memory_space<hbm>>
    tpu.enqueue_indirect_dma source(%dma_start3A_84 : memref<10240x32xf32, #tpu.memory_space<hbm>>) target(%arg14 : memref<128x32xf32, #tpu.memory_space<vmem>>) offsets(%dma_start3A_81 : memref<128xi32, #tpu.memory_space<vmem>>) semaphore(%arg21 : memref<!tpu.dma_semaphore, #tpu.memory_space<semaphore_mem>>)
    %mul3A_85 = arith.constant 640 : i32
    %mul3A_86 = arith.muli %arg1, %mul3A_85 : i32
    %mul3A_87 = arith.constant 640 : i32
    %mul3A_88 = arith.muli %arg1, %mul3A_87 : i32
    "tpu.region"() ({
      %run_scoped3A = tpu.sem_alloc : memref<!tpu.dma_semaphore, #tpu.memory_space<semaphore_mem>>
      %dma_start3A_102 = arith.constant 0 : i32
      %dma_start3A_103 = tpu.memref_slice %arg15[%mul3A_88, %dma_start3A_102] : memref<10240x32xf32, #tpu.memory_space<vmem_shared>> -> memref<640x32xf32, #tpu.memory_space<vmem_shared>>
      %dma_start3A_104 = arith.constant 0 : i32
      %dma_start3A_105 = tpu.memref_slice %arg5[%mul3A_86, %dma_start3A_104] : memref<10240x32xf32, #tpu.memory_space<hbm>> -> memref<640x32xf32, #tpu.memory_space<hbm>>
      tpu.enqueue_dma source(%dma_start3A_105 : memref<640x32xf32, #tpu.memory_space<hbm>>) target(%dma_start3A_103 : memref<640x32xf32, #tpu.memory_space<vmem_shared>>) target_semaphore(%run_scoped3A : memref<!tpu.dma_semaphore, #tpu.memory_space<semaphore_mem>>)
      %dma_wait3A_106 = arith.constant 0 : i32
      %dma_wait3A_107 = tpu.memref_slice %arg15[%mul3A_88, %dma_wait3A_106] : memref<10240x32xf32, #tpu.memory_space<vmem_shared>> -> memref<640x32xf32, #tpu.memory_space<vmem_shared>>
      %dma_wait3A_108 = arith.constant 0 : i32
      %dma_wait3A_109 = tpu.memref_slice %arg5[%mul3A_86, %dma_wait3A_108] : memref<10240x32xf32, #tpu.memory_space<hbm>> -> memref<640x32xf32, #tpu.memory_space<hbm>>
      tpu.wait_dma2 semaphore(%run_scoped3A : memref<!tpu.dma_semaphore, #tpu.memory_space<semaphore_mem>>) src(%dma_wait3A_109 : memref<640x32xf32, #tpu.memory_space<hbm>>) dst(%dma_wait3A_107 : memref<640x32xf32, #tpu.memory_space<vmem_shared>>)
      tpu.yield
    }) : () -> ()
    %barrier3A = arith.constant 0 : index
    tpu.barrier barrier_id(%barrier3A)
    %scan3A = arith.constant 0 : i32
    %scan3A_89 = arith.constant 0 : i32
    %scan3A_90 = arith.constant 13 : i32
    %scan3A_91 = arith.addi %scan3A_89, %scan3A_90 : i32
    %scan3A_92 = arith.constant 1 : i32
    scf.for %scan3A_102 = %scan3A_89 to %scan3A_91 step %scan3A_92  : i32 {
      %mul3A_103 = arith.constant 6 : i32
      %mul3A_104 = arith.muli %scan3A_102, %mul3A_103 : i32
      %add3A_105 = arith.constant 0 : i32
      %add3A_106 = arith.addi %mul3A_104, %add3A_105 : i32
      %dma_wait3A_107 = arith.constant 0 : i32
      %dma_wait3A_108 = tpu.memref_slice %arg7[%add3A_106, %dma_wait3A_107] : memref<79x128xi32, #tpu.memory_space<vmem>> -> memref<1x128xi32, #tpu.memory_space<vmem>>
      %dma_wait3A_109 = tpu.memref_squeeze %dma_wait3A_108 : memref<1x128xi32, #tpu.memory_space<vmem>> -> memref<128xi32, #tpu.memory_space<vmem>>
      %dma_wait3A_110 = arith.constant 0 : i32
      %dma_wait3A_111 = arith.constant 0 : i32
      %dma_wait3A_112 = tpu.memref_slice %arg2[%dma_wait3A_110, %dma_wait3A_111] : memref<10240x32xf32, #tpu.memory_space<hbm>> -> memref<10240x32xf32, #tpu.memory_space<hbm>>
      tpu.wait_indirect_dma semaphore(%arg16 : memref<!tpu.dma_semaphore, #tpu.memory_space<semaphore_mem>>) src(%dma_wait3A_112 : memref<10240x32xf32, #tpu.memory_space<hbm>>) dst(%arg9 : memref<128x32xf32, #tpu.memory_space<vmem>>)
      "tpu.region"() ({
        %run_scoped3A = tpu.sem_alloc : memref<!tpu.dma_semaphore, #tpu.memory_space<semaphore_mem>>
        %dma_start3A_195 = arith.constant 0 : i32
        %dma_start3A_196 = tpu.memref_slice %arg8[%add3A_106, %dma_start3A_195] : memref<79x128xi32, #tpu.memory_space<vmem>> -> memref<1x128xi32, #tpu.memory_space<vmem>>
        %dma_start3A_197 = tpu.memref_squeeze %dma_start3A_196 : memref<1x128xi32, #tpu.memory_space<vmem>> -> memref<128xi32, #tpu.memory_space<vmem>>
        %dma_start3A_198 = arith.constant 0 : i32
        %dma_start3A_199 = arith.constant 0 : i32
        %dma_start3A_200 = tpu.memref_slice %arg15[%dma_start3A_198, %dma_start3A_199] : memref<10240x32xf32, #tpu.memory_space<vmem_shared>> -> memref<10240x32xf32, #tpu.memory_space<vmem_shared>>
        tpu.enqueue_indirect_dma source(%arg9 : memref<128x32xf32, #tpu.memory_space<vmem>>) target(%dma_start3A_200 : memref<10240x32xf32, #tpu.memory_space<vmem_shared>>) offsets(%dma_start3A_197 : memref<128xi32, #tpu.memory_space<vmem>>) semaphore(%run_scoped3A : memref<!tpu.dma_semaphore, #tpu.memory_space<semaphore_mem>>) {add = true}
        %dma_wait3A_201 = arith.constant 0 : i32
        %dma_wait3A_202 = tpu.memref_slice %arg8[%add3A_106, %dma_wait3A_201] : memref<79x128xi32, #tpu.memory_space<vmem>> -> memref<1x128xi32, #tpu.memory_space<vmem>>
        %dma_wait3A_203 = tpu.memref_squeeze %dma_wait3A_202 : memref<1x128xi32, #tpu.memory_space<vmem>> -> memref<128xi32, #tpu.memory_space<vmem>>
        %dma_wait3A_204 = arith.constant 0 : i32
        %dma_wait3A_205 = arith.constant 0 : i32
        %dma_wait3A_206 = tpu.memref_slice %arg15[%dma_wait3A_204, %dma_wait3A_205] : memref<10240x32xf32, #tpu.memory_space<vmem_shared>> -> memref<10240x32xf32, #tpu.memory_space<vmem_shared>>
        tpu.wait_indirect_dma semaphore(%run_scoped3A : memref<!tpu.dma_semaphore, #tpu.memory_space<semaphore_mem>>) src(%arg9 : memref<128x32xf32, #tpu.memory_space<vmem>>) dst(%dma_wait3A_206 : memref<10240x32xf32, #tpu.memory_space<vmem_shared>>)
        tpu.yield
      }) : () -> ()
      %add3A_113 = arith.constant 6 : i32
      %add3A_114 = arith.addi %add3A_106, %add3A_113 : i32
      %lt3A_115 = arith.constant 78 : i32
      %lt3A_116 = arith.cmpi slt, %add3A_114, %lt3A_115 : i32
      %convert_element_type3A_117 = arith.extui %lt3A_116 : i1 to i32
      %cond3A_118 = arith.constant 0 : i32
      %cond3A_119 = arith.cmpi ne, %convert_element_type3A_117, %cond3A_118 : i32
      scf.if %cond3A_119 {
        %dma_start3A_195 = arith.constant 0 : i32
        %dma_start3A_196 = tpu.memref_slice %arg7[%add3A_114, %dma_start3A_195] : memref<79x128xi32, #tpu.memory_space<vmem>> -> memref<1x128xi32, #tpu.memory_space<vmem>>
        %dma_start3A_197 = tpu.memref_squeeze %dma_start3A_196 : memref<1x128xi32, #tpu.memory_space<vmem>> -> memref<128xi32, #tpu.memory_space<vmem>>
        %dma_start3A_198 = arith.constant 0 : i32
        %dma_start3A_199 = arith.constant 0 : i32
        %dma_start3A_200 = tpu.memref_slice %arg2[%dma_start3A_198, %dma_start3A_199] : memref<10240x32xf32, #tpu.memory_space<hbm>> -> memref<10240x32xf32, #tpu.memory_space<hbm>>
        tpu.enqueue_indirect_dma source(%dma_start3A_200 : memref<10240x32xf32, #tpu.memory_space<hbm>>) target(%arg9 : memref<128x32xf32, #tpu.memory_space<vmem>>) offsets(%dma_start3A_197 : memref<128xi32, #tpu.memory_space<vmem>>) semaphore(%arg16 : memref<!tpu.dma_semaphore, #tpu.memory_space<semaphore_mem>>)
      } else {
      }
      %add3A_120 = arith.constant 1 : i32
      %add3A_121 = arith.addi %mul3A_104, %add3A_120 : i32
      %dma_wait3A_122 = arith.constant 0 : i32
      %dma_wait3A_123 = tpu.memref_slice %arg7[%add3A_121, %dma_wait3A_122] : memref<79x128xi32, #tpu.memory_space<vmem>> -> memref<1x128xi32, #tpu.memory_space<vmem>>
      %dma_wait3A_124 = tpu.memref_squeeze %dma_wait3A_123 : memref<1x128xi32, #tpu.memory_space<vmem>> -> memref<128xi32, #tpu.memory_space<vmem>>
      %dma_wait3A_125 = arith.constant 0 : i32
      %dma_wait3A_126 = arith.constant 0 : i32
      %dma_wait3A_127 = tpu.memref_slice %arg2[%dma_wait3A_125, %dma_wait3A_126] : memref<10240x32xf32, #tpu.memory_space<hbm>> -> memref<10240x32xf32, #tpu.memory_space<hbm>>
      tpu.wait_indirect_dma semaphore(%arg17 : memref<!tpu.dma_semaphore, #tpu.memory_space<semaphore_mem>>) src(%dma_wait3A_127 : memref<10240x32xf32, #tpu.memory_space<hbm>>) dst(%arg10 : memref<128x32xf32, #tpu.memory_space<vmem>>)
      "tpu.region"() ({
        %run_scoped3A = tpu.sem_alloc : memref<!tpu.dma_semaphore, #tpu.memory_space<semaphore_mem>>
        %dma_start3A_195 = arith.constant 0 : i32
        %dma_start3A_196 = tpu.memref_slice %arg8[%add3A_121, %dma_start3A_195] : memref<79x128xi32, #tpu.memory_space<vmem>> -> memref<1x128xi32, #tpu.memory_space<vmem>>
        %dma_start3A_197 = tpu.memref_squeeze %dma_start3A_196 : memref<1x128xi32, #tpu.memory_space<vmem>> -> memref<128xi32, #tpu.memory_space<vmem>>
        %dma_start3A_198 = arith.constant 0 : i32
        %dma_start3A_199 = arith.constant 0 : i32
        %dma_start3A_200 = tpu.memref_slice %arg15[%dma_start3A_198, %dma_start3A_199] : memref<10240x32xf32, #tpu.memory_space<vmem_shared>> -> memref<10240x32xf32, #tpu.memory_space<vmem_shared>>
        tpu.enqueue_indirect_dma source(%arg10 : memref<128x32xf32, #tpu.memory_space<vmem>>) target(%dma_start3A_200 : memref<10240x32xf32, #tpu.memory_space<vmem_shared>>) offsets(%dma_start3A_197 : memref<128xi32, #tpu.memory_space<vmem>>) semaphore(%run_scoped3A : memref<!tpu.dma_semaphore, #tpu.memory_space<semaphore_mem>>) {add = true}
        %dma_wait3A_201 = arith.constant 0 : i32
        %dma_wait3A_202 = tpu.memref_slice %arg8[%add3A_121, %dma_wait3A_201] : memref<79x128xi32, #tpu.memory_space<vmem>> -> memref<1x128xi32, #tpu.memory_space<vmem>>
        %dma_wait3A_203 = tpu.memref_squeeze %dma_wait3A_202 : memref<1x128xi32, #tpu.memory_space<vmem>> -> memref<128xi32, #tpu.memory_space<vmem>>
        %dma_wait3A_204 = arith.constant 0 : i32
        %dma_wait3A_205 = arith.constant 0 : i32
        %dma_wait3A_206 = tpu.memref_slice %arg15[%dma_wait3A_204, %dma_wait3A_205] : memref<10240x32xf32, #tpu.memory_space<vmem_shared>> -> memref<10240x32xf32, #tpu.memory_space<vmem_shared>>
        tpu.wait_indirect_dma semaphore(%run_scoped3A : memref<!tpu.dma_semaphore, #tpu.memory_space<semaphore_mem>>) src(%arg10 : memref<128x32xf32, #tpu.memory_space<vmem>>) dst(%dma_wait3A_206 : memref<10240x32xf32, #tpu.memory_space<vmem_shared>>)
        tpu.yield
      }) : () -> ()
      %add3A_128 = arith.constant 6 : i32
      %add3A_129 = arith.addi %add3A_121, %add3A_128 : i32
      %lt3A_130 = arith.constant 78 : i32
      %lt3A_131 = arith.cmpi slt, %add3A_129, %lt3A_130 : i32
      %convert_element_type3A_132 = arith.extui %lt3A_131 : i1 to i32
      %cond3A_133 = arith.constant 0 : i32
      %cond3A_134 = arith.cmpi ne, %convert_element_type3A_132, %cond3A_133 : i32
      scf.if %cond3A_134 {
        %dma_start3A_195 = arith.constant 0 : i32
        %dma_start3A_196 = tpu.memref_slice %arg7[%add3A_129, %dma_start3A_195] : memref<79x128xi32, #tpu.memory_space<vmem>> -> memref<1x128xi32, #tpu.memory_space<vmem>>
        %dma_start3A_197 = tpu.memref_squeeze %dma_start3A_196 : memref<1x128xi32, #tpu.memory_space<vmem>> -> memref<128xi32, #tpu.memory_space<vmem>>
        %dma_start3A_198 = arith.constant 0 : i32
        %dma_start3A_199 = arith.constant 0 : i32
        %dma_start3A_200 = tpu.memref_slice %arg2[%dma_start3A_198, %dma_start3A_199] : memref<10240x32xf32, #tpu.memory_space<hbm>> -> memref<10240x32xf32, #tpu.memory_space<hbm>>
        tpu.enqueue_indirect_dma source(%dma_start3A_200 : memref<10240x32xf32, #tpu.memory_space<hbm>>) target(%arg10 : memref<128x32xf32, #tpu.memory_space<vmem>>) offsets(%dma_start3A_197 : memref<128xi32, #tpu.memory_space<vmem>>) semaphore(%arg17 : memref<!tpu.dma_semaphore, #tpu.memory_space<semaphore_mem>>)
      } else {
      }
      %add3A_135 = arith.constant 2 : i32
      %add3A_136 = arith.addi %mul3A_104, %add3A_135 : i32
      %dma_wait3A_137 = arith.constant 0 : i32
      %dma_wait3A_138 = tpu.memref_slice %arg7[%add3A_136, %dma_wait3A_137] : memref<79x128xi32, #tpu.memory_space<vmem>> -> memref<1x128xi32, #tpu.memory_space<vmem>>
      %dma_wait3A_139 = tpu.memref_squeeze %dma_wait3A_138 : memref<1x128xi32, #tpu.memory_space<vmem>> -> memref<128xi32, #tpu.memory_space<vmem>>
      %dma_wait3A_140 = arith.constant 0 : i32
      %dma_wait3A_141 = arith.constant 0 : i32
      %dma_wait3A_142 = tpu.memref_slice %arg2[%dma_wait3A_140, %dma_wait3A_141] : memref<10240x32xf32, #tpu.memory_space<hbm>> -> memref<10240x32xf32, #tpu.memory_space<hbm>>
      tpu.wait_indirect_dma semaphore(%arg18 : memref<!tpu.dma_semaphore, #tpu.memory_space<semaphore_mem>>) src(%dma_wait3A_142 : memref<10240x32xf32, #tpu.memory_space<hbm>>) dst(%arg11 : memref<128x32xf32, #tpu.memory_space<vmem>>)
      "tpu.region"() ({
        %run_scoped3A = tpu.sem_alloc : memref<!tpu.dma_semaphore, #tpu.memory_space<semaphore_mem>>
        %dma_start3A_195 = arith.constant 0 : i32
        %dma_start3A_196 = tpu.memref_slice %arg8[%add3A_136, %dma_start3A_195] : memref<79x128xi32, #tpu.memory_space<vmem>> -> memref<1x128xi32, #tpu.memory_space<vmem>>
        %dma_start3A_197 = tpu.memref_squeeze %dma_start3A_196 : memref<1x128xi32, #tpu.memory_space<vmem>> -> memref<128xi32, #tpu.memory_space<vmem>>
        %dma_start3A_198 = arith.constant 0 : i32
        %dma_start3A_199 = arith.constant 0 : i32
        %dma_start3A_200 = tpu.memref_slice %arg15[%dma_start3A_198, %dma_start3A_199] : memref<10240x32xf32, #tpu.memory_space<vmem_shared>> -> memref<10240x32xf32, #tpu.memory_space<vmem_shared>>
        tpu.enqueue_indirect_dma source(%arg11 : memref<128x32xf32, #tpu.memory_space<vmem>>) target(%dma_start3A_200 : memref<10240x32xf32, #tpu.memory_space<vmem_shared>>) offsets(%dma_start3A_197 : memref<128xi32, #tpu.memory_space<vmem>>) semaphore(%run_scoped3A : memref<!tpu.dma_semaphore, #tpu.memory_space<semaphore_mem>>) {add = true}
        %dma_wait3A_201 = arith.constant 0 : i32
        %dma_wait3A_202 = tpu.memref_slice %arg8[%add3A_136, %dma_wait3A_201] : memref<79x128xi32, #tpu.memory_space<vmem>> -> memref<1x128xi32, #tpu.memory_space<vmem>>
        %dma_wait3A_203 = tpu.memref_squeeze %dma_wait3A_202 : memref<1x128xi32, #tpu.memory_space<vmem>> -> memref<128xi32, #tpu.memory_space<vmem>>
        %dma_wait3A_204 = arith.constant 0 : i32
        %dma_wait3A_205 = arith.constant 0 : i32
        %dma_wait3A_206 = tpu.memref_slice %arg15[%dma_wait3A_204, %dma_wait3A_205] : memref<10240x32xf32, #tpu.memory_space<vmem_shared>> -> memref<10240x32xf32, #tpu.memory_space<vmem_shared>>
        tpu.wait_indirect_dma semaphore(%run_scoped3A : memref<!tpu.dma_semaphore, #tpu.memory_space<semaphore_mem>>) src(%arg11 : memref<128x32xf32, #tpu.memory_space<vmem>>) dst(%dma_wait3A_206 : memref<10240x32xf32, #tpu.memory_space<vmem_shared>>)
        tpu.yield
      }) : () -> ()
      %add3A_143 = arith.constant 6 : i32
      %add3A_144 = arith.addi %add3A_136, %add3A_143 : i32
      %lt3A_145 = arith.constant 78 : i32
      %lt3A_146 = arith.cmpi slt, %add3A_144, %lt3A_145 : i32
      %convert_element_type3A_147 = arith.extui %lt3A_146 : i1 to i32
      %cond3A_148 = arith.constant 0 : i32
      %cond3A_149 = arith.cmpi ne, %convert_element_type3A_147, %cond3A_148 : i32
      scf.if %cond3A_149 {
        %dma_start3A_195 = arith.constant 0 : i32
        %dma_start3A_196 = tpu.memref_slice %arg7[%add3A_144, %dma_start3A_195] : memref<79x128xi32, #tpu.memory_space<vmem>> -> memref<1x128xi32, #tpu.memory_space<vmem>>
        %dma_start3A_197 = tpu.memref_squeeze %dma_start3A_196 : memref<1x128xi32, #tpu.memory_space<vmem>> -> memref<128xi32, #tpu.memory_space<vmem>>
        %dma_start3A_198 = arith.constant 0 : i32
        %dma_start3A_199 = arith.constant 0 : i32
        %dma_start3A_200 = tpu.memref_slice %arg2[%dma_start3A_198, %dma_start3A_199] : memref<10240x32xf32, #tpu.memory_space<hbm>> -> memref<10240x32xf32, #tpu.memory_space<hbm>>
        tpu.enqueue_indirect_dma source(%dma_start3A_200 : memref<10240x32xf32, #tpu.memory_space<hbm>>) target(%arg11 : memref<128x32xf32, #tpu.memory_space<vmem>>) offsets(%dma_start3A_197 : memref<128xi32, #tpu.memory_space<vmem>>) semaphore(%arg18 : memref<!tpu.dma_semaphore, #tpu.memory_space<semaphore_mem>>)
      } else {
      }
      %add3A_150 = arith.constant 3 : i32
      %add3A_151 = arith.addi %mul3A_104, %add3A_150 : i32
      %dma_wait3A_152 = arith.constant 0 : i32
      %dma_wait3A_153 = tpu.memref_slice %arg7[%add3A_151, %dma_wait3A_152] : memref<79x128xi32, #tpu.memory_space<vmem>> -> memref<1x128xi32, #tpu.memory_space<vmem>>
      %dma_wait3A_154 = tpu.memref_squeeze %dma_wait3A_153 : memref<1x128xi32, #tpu.memory_space<vmem>> -> memref<128xi32, #tpu.memory_space<vmem>>
      %dma_wait3A_155 = arith.constant 0 : i32
      %dma_wait3A_156 = arith.constant 0 : i32
      %dma_wait3A_157 = tpu.memref_slice %arg2[%dma_wait3A_155, %dma_wait3A_156] : memref<10240x32xf32, #tpu.memory_space<hbm>> -> memref<10240x32xf32, #tpu.memory_space<hbm>>
      tpu.wait_indirect_dma semaphore(%arg19 : memref<!tpu.dma_semaphore, #tpu.memory_space<semaphore_mem>>) src(%dma_wait3A_157 : memref<10240x32xf32, #tpu.memory_space<hbm>>) dst(%arg12 : memref<128x32xf32, #tpu.memory_space<vmem>>)
      "tpu.region"() ({
        %run_scoped3A = tpu.sem_alloc : memref<!tpu.dma_semaphore, #tpu.memory_space<semaphore_mem>>
        %dma_start3A_195 = arith.constant 0 : i32
        %dma_start3A_196 = tpu.memref_slice %arg8[%add3A_151, %dma_start3A_195] : memref<79x128xi32, #tpu.memory_space<vmem>> -> memref<1x128xi32, #tpu.memory_space<vmem>>
        %dma_start3A_197 = tpu.memref_squeeze %dma_start3A_196 : memref<1x128xi32, #tpu.memory_space<vmem>> -> memref<128xi32, #tpu.memory_space<vmem>>
        %dma_start3A_198 = arith.constant 0 : i32
        %dma_start3A_199 = arith.constant 0 : i32
        %dma_start3A_200 = tpu.memref_slice %arg15[%dma_start3A_198, %dma_start3A_199] : memref<10240x32xf32, #tpu.memory_space<vmem_shared>> -> memref<10240x32xf32, #tpu.memory_space<vmem_shared>>
        tpu.enqueue_indirect_dma source(%arg12 : memref<128x32xf32, #tpu.memory_space<vmem>>) target(%dma_start3A_200 : memref<10240x32xf32, #tpu.memory_space<vmem_shared>>) offsets(%dma_start3A_197 : memref<128xi32, #tpu.memory_space<vmem>>) semaphore(%run_scoped3A : memref<!tpu.dma_semaphore, #tpu.memory_space<semaphore_mem>>) {add = true}
        %dma_wait3A_201 = arith.constant 0 : i32
        %dma_wait3A_202 = tpu.memref_slice %arg8[%add3A_151, %dma_wait3A_201] : memref<79x128xi32, #tpu.memory_space<vmem>> -> memref<1x128xi32, #tpu.memory_space<vmem>>
        %dma_wait3A_203 = tpu.memref_squeeze %dma_wait3A_202 : memref<1x128xi32, #tpu.memory_space<vmem>> -> memref<128xi32, #tpu.memory_space<vmem>>
        %dma_wait3A_204 = arith.constant 0 : i32
        %dma_wait3A_205 = arith.constant 0 : i32
        %dma_wait3A_206 = tpu.memref_slice %arg15[%dma_wait3A_204, %dma_wait3A_205] : memref<10240x32xf32, #tpu.memory_space<vmem_shared>> -> memref<10240x32xf32, #tpu.memory_space<vmem_shared>>
        tpu.wait_indirect_dma semaphore(%run_scoped3A : memref<!tpu.dma_semaphore, #tpu.memory_space<semaphore_mem>>) src(%arg12 : memref<128x32xf32, #tpu.memory_space<vmem>>) dst(%dma_wait3A_206 : memref<10240x32xf32, #tpu.memory_space<vmem_shared>>)
        tpu.yield
      }) : () -> ()
      %add3A_158 = arith.constant 6 : i32
      %add3A_159 = arith.addi %add3A_151, %add3A_158 : i32
      %lt3A_160 = arith.constant 78 : i32
      %lt3A_161 = arith.cmpi slt, %add3A_159, %lt3A_160 : i32
      %convert_element_type3A_162 = arith.extui %lt3A_161 : i1 to i32
      %cond3A_163 = arith.constant 0 : i32
      %cond3A_164 = arith.cmpi ne, %convert_element_type3A_162, %cond3A_163 : i32
      scf.if %cond3A_164 {
        %dma_start3A_195 = arith.constant 0 : i32
        %dma_start3A_196 = tpu.memref_slice %arg7[%add3A_159, %dma_start3A_195] : memref<79x128xi32, #tpu.memory_space<vmem>> -> memref<1x128xi32, #tpu.memory_space<vmem>>
        %dma_start3A_197 = tpu.memref_squeeze %dma_start3A_196 : memref<1x128xi32, #tpu.memory_space<vmem>> -> memref<128xi32, #tpu.memory_space<vmem>>
        %dma_start3A_198 = arith.constant 0 : i32
        %dma_start3A_199 = arith.constant 0 : i32
        %dma_start3A_200 = tpu.memref_slice %arg2[%dma_start3A_198, %dma_start3A_199] : memref<10240x32xf32, #tpu.memory_space<hbm>> -> memref<10240x32xf32, #tpu.memory_space<hbm>>
        tpu.enqueue_indirect_dma source(%dma_start3A_200 : memref<10240x32xf32, #tpu.memory_space<hbm>>) target(%arg12 : memref<128x32xf32, #tpu.memory_space<vmem>>) offsets(%dma_start3A_197 : memref<128xi32, #tpu.memory_space<vmem>>) semaphore(%arg19 : memref<!tpu.dma_semaphore, #tpu.memory_space<semaphore_mem>>)
      } else {
      }
      %add3A_165 = arith.constant 4 : i32
      %add3A_166 = arith.addi %mul3A_104, %add3A_165 : i32
      %dma_wait3A_167 = arith.constant 0 : i32
      %dma_wait3A_168 = tpu.memref_slice %arg7[%add3A_166, %dma_wait3A_167] : memref<79x128xi32, #tpu.memory_space<vmem>> -> memref<1x128xi32, #tpu.memory_space<vmem>>
      %dma_wait3A_169 = tpu.memref_squeeze %dma_wait3A_168 : memref<1x128xi32, #tpu.memory_space<vmem>> -> memref<128xi32, #tpu.memory_space<vmem>>
      %dma_wait3A_170 = arith.constant 0 : i32
      %dma_wait3A_171 = arith.constant 0 : i32
      %dma_wait3A_172 = tpu.memref_slice %arg2[%dma_wait3A_170, %dma_wait3A_171] : memref<10240x32xf32, #tpu.memory_space<hbm>> -> memref<10240x32xf32, #tpu.memory_space<hbm>>
      tpu.wait_indirect_dma semaphore(%arg20 : memref<!tpu.dma_semaphore, #tpu.memory_space<semaphore_mem>>) src(%dma_wait3A_172 : memref<10240x32xf32, #tpu.memory_space<hbm>>) dst(%arg13 : memref<128x32xf32, #tpu.memory_space<vmem>>)
      "tpu.region"() ({
        %run_scoped3A = tpu.sem_alloc : memref<!tpu.dma_semaphore, #tpu.memory_space<semaphore_mem>>
        %dma_start3A_195 = arith.constant 0 : i32
        %dma_start3A_196 = tpu.memref_slice %arg8[%add3A_166, %dma_start3A_195] : memref<79x128xi32, #tpu.memory_space<vmem>> -> memref<1x128xi32, #tpu.memory_space<vmem>>
        %dma_start3A_197 = tpu.memref_squeeze %dma_start3A_196 : memref<1x128xi32, #tpu.memory_space<vmem>> -> memref<128xi32, #tpu.memory_space<vmem>>
        %dma_start3A_198 = arith.constant 0 : i32
        %dma_start3A_199 = arith.constant 0 : i32
        %dma_start3A_200 = tpu.memref_slice %arg15[%dma_start3A_198, %dma_start3A_199] : memref<10240x32xf32, #tpu.memory_space<vmem_shared>> -> memref<10240x32xf32, #tpu.memory_space<vmem_shared>>
        tpu.enqueue_indirect_dma source(%arg13 : memref<128x32xf32, #tpu.memory_space<vmem>>) target(%dma_start3A_200 : memref<10240x32xf32, #tpu.memory_space<vmem_shared>>) offsets(%dma_start3A_197 : memref<128xi32, #tpu.memory_space<vmem>>) semaphore(%run_scoped3A : memref<!tpu.dma_semaphore, #tpu.memory_space<semaphore_mem>>) {add = true}
        %dma_wait3A_201 = arith.constant 0 : i32
        %dma_wait3A_202 = tpu.memref_slice %arg8[%add3A_166, %dma_wait3A_201] : memref<79x128xi32, #tpu.memory_space<vmem>> -> memref<1x128xi32, #tpu.memory_space<vmem>>
        %dma_wait3A_203 = tpu.memref_squeeze %dma_wait3A_202 : memref<1x128xi32, #tpu.memory_space<vmem>> -> memref<128xi32, #tpu.memory_space<vmem>>
        %dma_wait3A_204 = arith.constant 0 : i32
        %dma_wait3A_205 = arith.constant 0 : i32
        %dma_wait3A_206 = tpu.memref_slice %arg15[%dma_wait3A_204, %dma_wait3A_205] : memref<10240x32xf32, #tpu.memory_space<vmem_shared>> -> memref<10240x32xf32, #tpu.memory_space<vmem_shared>>
        tpu.wait_indirect_dma semaphore(%run_scoped3A : memref<!tpu.dma_semaphore, #tpu.memory_space<semaphore_mem>>) src(%arg13 : memref<128x32xf32, #tpu.memory_space<vmem>>) dst(%dma_wait3A_206 : memref<10240x32xf32, #tpu.memory_space<vmem_shared>>)
        tpu.yield
      }) : () -> ()
      %add3A_173 = arith.constant 6 : i32
      %add3A_174 = arith.addi %add3A_166, %add3A_173 : i32
      %lt3A_175 = arith.constant 78 : i32
      %lt3A_176 = arith.cmpi slt, %add3A_174, %lt3A_175 : i32
      %convert_element_type3A_177 = arith.extui %lt3A_176 : i1 to i32
      %cond3A_178 = arith.constant 0 : i32
      %cond3A_179 = arith.cmpi ne, %convert_element_type3A_177, %cond3A_178 : i32
      scf.if %cond3A_179 {
        %dma_start3A_195 = arith.constant 0 : i32
        %dma_start3A_196 = tpu.memref_slice %arg7[%add3A_174, %dma_start3A_195] : memref<79x128xi32, #tpu.memory_space<vmem>> -> memref<1x128xi32, #tpu.memory_space<vmem>>
        %dma_start3A_197 = tpu.memref_squeeze %dma_start3A_196 : memref<1x128xi32, #tpu.memory_space<vmem>> -> memref<128xi32, #tpu.memory_space<vmem>>
        %dma_start3A_198 = arith.constant 0 : i32
        %dma_start3A_199 = arith.constant 0 : i32
        %dma_start3A_200 = tpu.memref_slice %arg2[%dma_start3A_198, %dma_start3A_199] : memref<10240x32xf32, #tpu.memory_space<hbm>> -> memref<10240x32xf32, #tpu.memory_space<hbm>>
        tpu.enqueue_indirect_dma source(%dma_start3A_200 : memref<10240x32xf32, #tpu.memory_space<hbm>>) target(%arg13 : memref<128x32xf32, #tpu.memory_space<vmem>>) offsets(%dma_start3A_197 : memref<128xi32, #tpu.memory_space<vmem>>) semaphore(%arg20 : memref<!tpu.dma_semaphore, #tpu.memory_space<semaphore_mem>>)
      } else {
      }
      %add3A_180 = arith.constant 5 : i32
      %add3A_181 = arith.addi %mul3A_104, %add3A_180 : i32
      %dma_wait3A_182 = arith.constant 0 : i32
      %dma_wait3A_183 = tpu.memref_slice %arg7[%add3A_181, %dma_wait3A_182] : memref<79x128xi32, #tpu.memory_space<vmem>> -> memref<1x128xi32, #tpu.memory_space<vmem>>
      %dma_wait3A_184 = tpu.memref_squeeze %dma_wait3A_183 : memref<1x128xi32, #tpu.memory_space<vmem>> -> memref<128xi32, #tpu.memory_space<vmem>>
      %dma_wait3A_185 = arith.constant 0 : i32
      %dma_wait3A_186 = arith.constant 0 : i32
      %dma_wait3A_187 = tpu.memref_slice %arg2[%dma_wait3A_185, %dma_wait3A_186] : memref<10240x32xf32, #tpu.memory_space<hbm>> -> memref<10240x32xf32, #tpu.memory_space<hbm>>
      tpu.wait_indirect_dma semaphore(%arg21 : memref<!tpu.dma_semaphore, #tpu.memory_space<semaphore_mem>>) src(%dma_wait3A_187 : memref<10240x32xf32, #tpu.memory_space<hbm>>) dst(%arg14 : memref<128x32xf32, #tpu.memory_space<vmem>>)
      "tpu.region"() ({
        %run_scoped3A = tpu.sem_alloc : memref<!tpu.dma_semaphore, #tpu.memory_space<semaphore_mem>>
        %dma_start3A_195 = arith.constant 0 : i32
        %dma_start3A_196 = tpu.memref_slice %arg8[%add3A_181, %dma_start3A_195] : memref<79x128xi32, #tpu.memory_space<vmem>> -> memref<1x128xi32, #tpu.memory_space<vmem>>
        %dma_start3A_197 = tpu.memref_squeeze %dma_start3A_196 : memref<1x128xi32, #tpu.memory_space<vmem>> -> memref<128xi32, #tpu.memory_space<vmem>>
        %dma_start3A_198 = arith.constant 0 : i32
        %dma_start3A_199 = arith.constant 0 : i32
        %dma_start3A_200 = tpu.memref_slice %arg15[%dma_start3A_198, %dma_start3A_199] : memref<10240x32xf32, #tpu.memory_space<vmem_shared>> -> memref<10240x32xf32, #tpu.memory_space<vmem_shared>>
        tpu.enqueue_indirect_dma source(%arg14 : memref<128x32xf32, #tpu.memory_space<vmem>>) target(%dma_start3A_200 : memref<10240x32xf32, #tpu.memory_space<vmem_shared>>) offsets(%dma_start3A_197 : memref<128xi32, #tpu.memory_space<vmem>>) semaphore(%run_scoped3A : memref<!tpu.dma_semaphore, #tpu.memory_space<semaphore_mem>>) {add = true}
        %dma_wait3A_201 = arith.constant 0 : i32
        %dma_wait3A_202 = tpu.memref_slice %arg8[%add3A_181, %dma_wait3A_201] : memref<79x128xi32, #tpu.memory_space<vmem>> -> memref<1x128xi32, #tpu.memory_space<vmem>>
        %dma_wait3A_203 = tpu.memref_squeeze %dma_wait3A_202 : memref<1x128xi32, #tpu.memory_space<vmem>> -> memref<128xi32, #tpu.memory_space<vmem>>
        %dma_wait3A_204 = arith.constant 0 : i32
        %dma_wait3A_205 = arith.constant 0 : i32
        %dma_wait3A_206 = tpu.memref_slice %arg15[%dma_wait3A_204, %dma_wait3A_205] : memref<10240x32xf32, #tpu.memory_space<vmem_shared>> -> memref<10240x32xf32, #tpu.memory_space<vmem_shared>>
        tpu.wait_indirect_dma semaphore(%run_scoped3A : memref<!tpu.dma_semaphore, #tpu.memory_space<semaphore_mem>>) src(%arg14 : memref<128x32xf32, #tpu.memory_space<vmem>>) dst(%dma_wait3A_206 : memref<10240x32xf32, #tpu.memory_space<vmem_shared>>)
        tpu.yield
      }) : () -> ()
      %add3A_188 = arith.constant 6 : i32
      %add3A_189 = arith.addi %add3A_181, %add3A_188 : i32
      %lt3A_190 = arith.constant 78 : i32
      %lt3A_191 = arith.cmpi slt, %add3A_189, %lt3A_190 : i32
      %convert_element_type3A_192 = arith.extui %lt3A_191 : i1 to i32
      %cond3A_193 = arith.constant 0 : i32
      %cond3A_194 = arith.cmpi ne, %convert_element_type3A_192, %cond3A_193 : i32
      scf.if %cond3A_194 {
        %dma_start3A_195 = arith.constant 0 : i32
        %dma_start3A_196 = tpu.memref_slice %arg7[%add3A_189, %dma_start3A_195] : memref<79x128xi32, #tpu.memory_space<vmem>> -> memref<1x128xi32, #tpu.memory_space<vmem>>
        %dma_start3A_197 = tpu.memref_squeeze %dma_start3A_196 : memref<1x128xi32, #tpu.memory_space<vmem>> -> memref<128xi32, #tpu.memory_space<vmem>>
        %dma_start3A_198 = arith.constant 0 : i32
        %dma_start3A_199 = arith.constant 0 : i32
        %dma_start3A_200 = tpu.memref_slice %arg2[%dma_start3A_198, %dma_start3A_199] : memref<10240x32xf32, #tpu.memory_space<hbm>> -> memref<10240x32xf32, #tpu.memory_space<hbm>>
        tpu.enqueue_indirect_dma source(%dma_start3A_200 : memref<10240x32xf32, #tpu.memory_space<hbm>>) target(%arg14 : memref<128x32xf32, #tpu.memory_space<vmem>>) offsets(%dma_start3A_197 : memref<128xi32, #tpu.memory_space<vmem>>) semaphore(%arg21 : memref<!tpu.dma_semaphore, #tpu.memory_space<semaphore_mem>>)
      } else {
      }
    }
    %scan3A_93 = arith.constant 13 : i32
    %convert_element_type3A_94 = arith.extui %lt3A_3 : i1 to i32
    %cond3A_95 = arith.constant 0 : i32
    %cond3A_96 = arith.cmpi ne, %convert_element_type3A_94, %cond3A_95 : i32
    scf.if %cond3A_96 {
      %dma_start3A_102 = arith.constant 78 : i32
      %dma_start3A_103 = arith.constant 0 : i32
      %dma_start3A_104 = tpu.memref_slice %arg7[%dma_start3A_102, %dma_start3A_103] : memref<79x128xi32, #tpu.memory_space<vmem>> -> memref<1x128xi32, #tpu.memory_space<vmem>>
      %dma_start3A_105 = tpu.memref_squeeze %dma_start3A_104 : memref<1x128xi32, #tpu.memory_space<vmem>> -> memref<128xi32, #tpu.memory_space<vmem>>
      %dma_start3A_106 = arith.constant 0 : i32
      %dma_start3A_107 = arith.constant 0 : i32
      %dma_start3A_108 = tpu.memref_slice %arg2[%dma_start3A_106, %dma_start3A_107] : memref<10240x32xf32, #tpu.memory_space<hbm>> -> memref<10240x32xf32, #tpu.memory_space<hbm>>
      tpu.enqueue_indirect_dma source(%dma_start3A_108 : memref<10240x32xf32, #tpu.memory_space<hbm>>) target(%arg9 : memref<128x32xf32, #tpu.memory_space<vmem>>) offsets(%dma_start3A_105 : memref<128xi32, #tpu.memory_space<vmem>>) semaphore(%arg16 : memref<!tpu.dma_semaphore, #tpu.memory_space<semaphore_mem>>)
      %dma_wait3A_109 = arith.constant 78 : i32
      %dma_wait3A_110 = arith.constant 0 : i32
      %dma_wait3A_111 = tpu.memref_slice %arg7[%dma_wait3A_109, %dma_wait3A_110] : memref<79x128xi32, #tpu.memory_space<vmem>> -> memref<1x128xi32, #tpu.memory_space<vmem>>
      %dma_wait3A_112 = tpu.memref_squeeze %dma_wait3A_111 : memref<1x128xi32, #tpu.memory_space<vmem>> -> memref<128xi32, #tpu.memory_space<vmem>>
      %dma_wait3A_113 = arith.constant 0 : i32
      %dma_wait3A_114 = arith.constant 0 : i32
      %dma_wait3A_115 = tpu.memref_slice %arg2[%dma_wait3A_113, %dma_wait3A_114] : memref<10240x32xf32, #tpu.memory_space<hbm>> -> memref<10240x32xf32, #tpu.memory_space<hbm>>
      tpu.wait_indirect_dma semaphore(%arg16 : memref<!tpu.dma_semaphore, #tpu.memory_space<semaphore_mem>>) src(%dma_wait3A_115 : memref<10240x32xf32, #tpu.memory_space<hbm>>) dst(%arg9 : memref<128x32xf32, #tpu.memory_space<vmem>>)
      %run_scoped3A = arith.constant 78 : i32
      "tpu.region"() ({
        %run_scoped3A_116 = tpu.sem_alloc : memref<!tpu.dma_semaphore, #tpu.memory_space<semaphore_mem>>
        %dma_start3A_117 = arith.constant 0 : i32
        %dma_start3A_118 = tpu.memref_slice %arg8[%run_scoped3A, %dma_start3A_117] : memref<79x128xi32, #tpu.memory_space<vmem>> -> memref<1x128xi32, #tpu.memory_space<vmem>>
        %dma_start3A_119 = tpu.memref_squeeze %dma_start3A_118 : memref<1x128xi32, #tpu.memory_space<vmem>> -> memref<128xi32, #tpu.memory_space<vmem>>
        %dma_start3A_120 = arith.constant 0 : i32
        %dma_start3A_121 = arith.constant 0 : i32
        %dma_start3A_122 = tpu.memref_slice %arg15[%dma_start3A_120, %dma_start3A_121] : memref<10240x32xf32, #tpu.memory_space<vmem_shared>> -> memref<10240x32xf32, #tpu.memory_space<vmem_shared>>
        tpu.enqueue_indirect_dma source(%arg9 : memref<128x32xf32, #tpu.memory_space<vmem>>) target(%dma_start3A_122 : memref<10240x32xf32, #tpu.memory_space<vmem_shared>>) offsets(%dma_start3A_119 : memref<128xi32, #tpu.memory_space<vmem>>) semaphore(%run_scoped3A_116 : memref<!tpu.dma_semaphore, #tpu.memory_space<semaphore_mem>>) {add = true}
        %dma_wait3A_123 = arith.constant 0 : i32
        %dma_wait3A_124 = tpu.memref_slice %arg8[%run_scoped3A, %dma_wait3A_123] : memref<79x128xi32, #tpu.memory_space<vmem>> -> memref<1x128xi32, #tpu.memory_space<vmem>>
        %dma_wait3A_125 = tpu.memref_squeeze %dma_wait3A_124 : memref<1x128xi32, #tpu.memory_space<vmem>> -> memref<128xi32, #tpu.memory_space<vmem>>
        %dma_wait3A_126 = arith.constant 0 : i32
        %dma_wait3A_127 = arith.constant 0 : i32
        %dma_wait3A_128 = tpu.memref_slice %arg15[%dma_wait3A_126, %dma_wait3A_127] : memref<10240x32xf32, #tpu.memory_space<vmem_shared>> -> memref<10240x32xf32, #tpu.memory_space<vmem_shared>>
        tpu.wait_indirect_dma semaphore(%run_scoped3A_116 : memref<!tpu.dma_semaphore, #tpu.memory_space<semaphore_mem>>) src(%arg9 : memref<128x32xf32, #tpu.memory_space<vmem>>) dst(%dma_wait3A_128 : memref<10240x32xf32, #tpu.memory_space<vmem_shared>>)
        tpu.yield
      }) : () -> ()
    } else {
    }
    %barrier3A_97 = arith.constant 0 : index
    tpu.barrier barrier_id(%barrier3A_97)
    %mul3A_98 = arith.constant 640 : i32
    %mul3A_99 = arith.muli %arg1, %mul3A_98 : i32
    %mul3A_100 = arith.constant 640 : i32
    %mul3A_101 = arith.muli %arg1, %mul3A_100 : i32
    "tpu.region"() ({
      %run_scoped3A = tpu.sem_alloc : memref<!tpu.dma_semaphore, #tpu.memory_space<semaphore_mem>>
      %dma_start3A_102 = arith.constant 0 : i32
      %dma_start3A_103 = tpu.memref_slice %arg6[%arg0, %mul3A_101, %dma_start3A_102] : memref<2x10240x32xf32, #tpu.memory_space<hbm>> -> memref<1x640x32xf32, #tpu.memory_space<hbm>>
      %dma_start3A_104 = tpu.memref_squeeze %dma_start3A_103 : memref<1x640x32xf32, #tpu.memory_space<hbm>> -> memref<640x32xf32, #tpu.memory_space<hbm>>
      %dma_start3A_105 = arith.constant 0 : i32
      %dma_start3A_106 = tpu.memref_slice %arg15[%mul3A_99, %dma_start3A_105] : memref<10240x32xf32, #tpu.memory_space<vmem_shared>> -> memref<640x32xf32, #tpu.memory_space<vmem_shared>>
      tpu.enqueue_dma source(%dma_start3A_106 : memref<640x32xf32, #tpu.memory_space<vmem_shared>>) target(%dma_start3A_104 : memref<640x32xf32, #tpu.memory_space<hbm>>) target_semaphore(%run_scoped3A : memref<!tpu.dma_semaphore, #tpu.memory_space<semaphore_mem>>)
      %dma_wait3A_107 = arith.constant 0 : i32
      %dma_wait3A_108 = tpu.memref_slice %arg6[%arg0, %mul3A_101, %dma_wait3A_107] : memref<2x10240x32xf32, #tpu.memory_space<hbm>> -> memref<1x640x32xf32, #tpu.memory_space<hbm>>
      %dma_wait3A_109 = tpu.memref_squeeze %dma_wait3A_108 : memref<1x640x32xf32, #tpu.memory_space<hbm>> -> memref<640x32xf32, #tpu.memory_space<hbm>>
      %dma_wait3A_110 = arith.constant 0 : i32
      %dma_wait3A_111 = tpu.memref_slice %arg15[%mul3A_99, %dma_wait3A_110] : memref<10240x32xf32, #tpu.memory_space<vmem_shared>> -> memref<640x32xf32, #tpu.memory_space<vmem_shared>>
      tpu.wait_dma2 semaphore(%run_scoped3A : memref<!tpu.dma_semaphore, #tpu.memory_space<semaphore_mem>>) src(%dma_wait3A_111 : memref<640x32xf32, #tpu.memory_space<vmem_shared>>) dst(%dma_wait3A_109 : memref<640x32xf32, #tpu.memory_space<hbm>>)
      tpu.yield
    }) : () -> ()
    return
  }
}

module attributes {stable_mosaic.version = 14 : i64} {
  func.func @_mm1_body(%arg0: memref<10000x128xf32, #tpu.memory_space<vmem>>, %arg1: memref<128x32xf32, #tpu.memory_space<vmem>>, %arg2: memref<10240x32xf32, #tpu.memory_space<vmem>>) attributes {dimension_semantics = [], scalar_prefetch = 0 : i64, scratch_operands = 0 : i64, tpu.core_type = #tpu.core_type<tc>} {
    %get3A = arith.constant 0 : index
    %get3A_0 = arith.constant 0 : index
    %get3A_1 = vector.load %arg0[%get3A, %get3A_0] : memref<10000x128xf32, #tpu.memory_space<vmem>>, vector<10000x128xf32>
    %get3A_2 = arith.constant 0 : index
    %get3A_3 = arith.constant 0 : index
    %get3A_4 = vector.load %arg1[%get3A_2, %get3A_3] : memref<128x32xf32, #tpu.memory_space<vmem>>, vector<128x32xf32>
    %dot_general3A = arith.constant dense<0.000000e+00> : vector<10000x32xf32>
    %dot_general3A_5 = tpu.matmul %get3A_1, %get3A_4, %dot_general3A {dimension_numbers = #tpu.dot_dimension_numbers<[1], [0], [0], [1], [0, 0, 1, 1], [], []>, transpose_lhs_hint = false} : vector<10000x128xf32>, vector<128x32xf32>, vector<10000x32xf32> -> vector<10000x32xf32>
    %swap3A = arith.constant 0 : index
    %swap3A_6 = arith.constant 0 : index
    %swap3A_7 = vector.load %arg2[%swap3A, %swap3A_6] : memref<10240x32xf32, #tpu.memory_space<vmem>>, vector<10000x32xf32>
    tpu.vector_store %arg2[%swap3A, %swap3A_6], %dot_general3A_5 {strides = array<i32>} : memref<10240x32xf32, #tpu.memory_space<vmem>>, vector<10000x32xf32>,
    %broadcast_in_dim3A = arith.constant 0.000000e+00 : f32
    %broadcast_in_dim3A_8 = vector.broadcast %broadcast_in_dim3A : f32 to vector<240x32xf32>
    %swap3A_9 = arith.constant 10000 : index
    %swap3A_10 = arith.constant 0 : index
    %swap3A_11 = vector.load %arg2[%swap3A_9, %swap3A_10] : memref<10240x32xf32, #tpu.memory_space<vmem>>, vector<240x32xf32>
    tpu.vector_store %arg2[%swap3A_9, %swap3A_10], %broadcast_in_dim3A_8 {strides = array<i32>} : memref<10240x32xf32, #tpu.memory_space<vmem>>, vector<240x32xf32>,
    return
  }
}

module attributes {stable_mosaic.version = 14 : i64} {
  func.func @_mm2_body(%arg0: memref<2x2560x128xf32, #tpu.memory_space<vmem>>, %arg1: memref<128x128xf32, #tpu.memory_space<vmem>>, %arg2: memref<2560x128xf32, #tpu.memory_space<vmem>>) attributes {dimension_semantics = [], scalar_prefetch = 0 : i64, scratch_operands = 0 : i64, tpu.core_type = #tpu.core_type<tc>} {
    %get3A = arith.constant 0 : index
    %get3A_0 = arith.constant 0 : index
    %get3A_1 = arith.constant 0 : index
    %get3A_2 = vector.load %arg0[%get3A, %get3A_0, %get3A_1] : memref<2x2560x128xf32, #tpu.memory_space<vmem>>, vector<1x2560x128xf32>
    %get3A_3 = vector.shape_cast %get3A_2 : vector<1x2560x128xf32> to vector<2560x128xf32>
    %get3A_4 = arith.constant 1 : index
    %get3A_5 = arith.constant 0 : index
    %get3A_6 = arith.constant 0 : index
    %get3A_7 = vector.load %arg0[%get3A_4, %get3A_5, %get3A_6] : memref<2x2560x128xf32, #tpu.memory_space<vmem>>, vector<1x2560x128xf32>
    %get3A_8 = vector.shape_cast %get3A_7 : vector<1x2560x128xf32> to vector<2560x128xf32>
    %add3A = arith.addf %get3A_3, %get3A_8 : vector<2560x128xf32>
    %max3A = arith.constant 0.000000e+00 : f32
    %max3A_9 = vector.broadcast %max3A : f32 to vector<2560x128xf32>
    %max3A_10 = arith.maximumf %add3A, %max3A_9 : vector<2560x128xf32>
    %get3A_11 = arith.constant 0 : index
    %get3A_12 = arith.constant 0 : index
    %get3A_13 = vector.load %arg1[%get3A_11, %get3A_12] : memref<128x128xf32, #tpu.memory_space<vmem>>, vector<128x128xf32>
    %dot_general3A = arith.constant dense<0.000000e+00> : vector<2560x128xf32>
    %dot_general3A_14 = tpu.matmul %max3A_10, %get3A_13, %dot_general3A {dimension_numbers = #tpu.dot_dimension_numbers<[1], [0], [0], [1], [0, 0, 1, 1], [], []>, transpose_lhs_hint = false} : vector<2560x128xf32>, vector<128x128xf32>, vector<2560x128xf32> -> vector<2560x128xf32>
    %swap3A = arith.constant 0 : index
    %swap3A_15 = arith.constant 0 : index
    %swap3A_16 = vector.load %arg2[%swap3A, %swap3A_15] : memref<2560x128xf32, #tpu.memory_space<vmem>>, vector<2560x128xf32>
    tpu.vector_store %arg2[%swap3A, %swap3A_15], %dot_general3A_14 {strides = array<i32>} : memref<2560x128xf32, #tpu.memory_space<vmem>>, vector<2560x128xf32>,
    return
  }
}

module attributes {stable_mosaic.version = 14 : i64} {
  func.func @_z_body(%arg0: memref<2x10240x32xf32, #tpu.memory_space<vmem>>, %arg1: memref<10000x16xf32, #tpu.memory_space<vmem>>, %arg2: memref<10240x16xf32, #tpu.memory_space<vmem>>) attributes {dimension_semantics = [], scalar_prefetch = 0 : i64, scratch_operands = 0 : i64, tpu.core_type = #tpu.core_type<tc>} {
    %get3A = arith.constant 0 : index
    %get3A_0 = arith.constant 0 : index
    %get3A_1 = arith.constant 0 : index
    %get3A_2 = vector.load %arg0[%get3A, %get3A_0, %get3A_1] : memref<2x10240x32xf32, #tpu.memory_space<vmem>>, vector<1x10240x32xf32>
    %get3A_3 = vector.shape_cast %get3A_2 : vector<1x10240x32xf32> to vector<10240x32xf32>
    %get3A_4 = arith.constant 1 : index
    %get3A_5 = arith.constant 0 : index
    %get3A_6 = arith.constant 0 : index
    %get3A_7 = vector.load %arg0[%get3A_4, %get3A_5, %get3A_6] : memref<2x10240x32xf32, #tpu.memory_space<vmem>>, vector<1x10240x32xf32>
    %get3A_8 = vector.shape_cast %get3A_7 : vector<1x10240x32xf32> to vector<10240x32xf32>
    %add3A = arith.addf %get3A_3, %get3A_8 : vector<10240x32xf32>
    %slice3A = vector.extract_strided_slice %add3A {offsets = [0, 0], sizes = [10000, 16], strides = [1, 1]} : vector<10240x32xf32> to vector<10000x16xf32>
    %get3A_9 = arith.constant 0 : index
    %get3A_10 = arith.constant 0 : index
    %get3A_11 = vector.load %arg1[%get3A_9, %get3A_10] : memref<10000x16xf32, #tpu.memory_space<vmem>>, vector<10000x16xf32>
    %slice3A_12 = vector.extract_strided_slice %add3A {offsets = [0, 16], sizes = [10000, 16], strides = [1, 1]} : vector<10240x32xf32> to vector<10000x16xf32>
    %exp3A = math.exp %slice3A_12 : vector<10000x16xf32>
    %mul3A = arith.mulf %get3A_11, %exp3A : vector<10000x16xf32>
    %add3A_13 = arith.addf %slice3A, %mul3A : vector<10000x16xf32>
    %swap3A = arith.constant 0 : index
    %swap3A_14 = arith.constant 0 : index
    %swap3A_15 = vector.load %arg2[%swap3A, %swap3A_14] : memref<10240x16xf32, #tpu.memory_space<vmem>>, vector<10000x16xf32>
    tpu.vector_store %arg2[%swap3A, %swap3A_14], %add3A_13 {strides = array<i32>} : memref<10240x16xf32, #tpu.memory_space<vmem>>, vector<10000x16xf32>,
    %broadcast_in_dim3A = arith.constant 0.000000e+00 : f32
    %broadcast_in_dim3A_16 = vector.broadcast %broadcast_in_dim3A : f32 to vector<240x16xf32>
    %swap3A_17 = arith.constant 10000 : index
    %swap3A_18 = arith.constant 0 : index
    %swap3A_19 = vector.load %arg2[%swap3A_17, %swap3A_18] : memref<10240x16xf32, #tpu.memory_space<vmem>>, vector<240x16xf32>
    tpu.vector_store %arg2[%swap3A_17, %swap3A_18], %broadcast_in_dim3A_16 {strides = array<i32>} : memref<10240x16xf32, #tpu.memory_space<vmem>>, vector<240x16xf32>,
    return
  }
}

module attributes {stable_mosaic.version = 14 : i64} {
  func.func @_dec_body(%arg0: i32, %arg1: memref<128x16xf32, #tpu.memory_space<vmem>>, %arg2: memref<10240x16xf32, #tpu.memory_space<vmem>>, %arg3: memref<1280000xf32, #tpu.memory_space<vmem>>) attributes {dimension_semantics = [#tpu.dimension_semantics<arbitrary>], iteration_bounds = array<i64: 79>, scalar_prefetch = 0 : i64, scratch_operands = 0 : i64, tpu.core_type = #tpu.core_type<tc>, window_params = [{transform_indices = @transform_0, window_bounds = array<i64: 128, 16>}, {pipeline_mode = #tpu.pipeline_mode<synchronous>, transform_indices = @transform_1, window_bounds = array<i64: 10240, 16>}, {transform_indices = @transform_2, window_bounds = array<i64: 1280000>}]} {
    %get3A = arith.constant 0 : index
    %get3A_0 = arith.constant 0 : index
    %get3A_1 = vector.load %arg1[%get3A, %get3A_0] : memref<128x16xf32, #tpu.memory_space<vmem>>, vector<128x16xf32>
    %get3A_2 = arith.constant 0 : index
    %get3A_3 = arith.constant 0 : index
    %get3A_4 = vector.load %arg2[%get3A_2, %get3A_3] : memref<10240x16xf32, #tpu.memory_space<vmem>>, vector<10240x16xf32>
    %dot_general3A = arith.constant dense<0.000000e+00> : vector<128x10240xf32>
    %dot_general3A_5 = tpu.matmul %get3A_1, %get3A_4, %dot_general3A {dimension_numbers = #tpu.dot_dimension_numbers<[1], [1], [0], [0], [0, 0, 1, 0], [], []>, transpose_lhs_hint = false} : vector<128x16xf32>, vector<10240x16xf32>, vector<128x10240xf32> -> vector<128x10240xf32>
    %slice3A = vector.extract_strided_slice %dot_general3A_5 {offsets = [0, 0], sizes = [1, 10000], strides = [1, 1]} : vector<128x10240xf32> to vector<1x10000xf32>
    %squeeze3A = vector.shape_cast %slice3A : vector<1x10000xf32> to vector<10000xf32>
    %swap3A = arith.constant 0 : index
    %swap3A_6 = vector.load %arg3[%swap3A] : memref<1280000xf32, #tpu.memory_space<vmem>>, vector<10000xf32>
    tpu.vector_store %arg3[%swap3A], %squeeze3A {strides = array<i32>} : memref<1280000xf32, #tpu.memory_space<vmem>>, vector<10000xf32>,
    %slice3A_7 = vector.extract_strided_slice %dot_general3A_5 {offsets = [1, 0], sizes = [1, 10000], strides = [1, 1]} : vector<128x10240xf32> to vector<1x10000xf32>
    %squeeze3A_8 = vector.shape_cast %slice3A_7 : vector<1x10000xf32> to vector<10000xf32>
    %swap3A_9 = arith.constant 10000 : index
    %swap3A_10 = vector.load %arg3[%swap3A_9] : memref<1280000xf32, #tpu.memory_space<vmem>>, vector<10000xf32>
    tpu.vector_store %arg3[%swap3A_9], %squeeze3A_8 {strides = array<i32>} : memref<1280000xf32, #tpu.memory_space<vmem>>, vector<10000xf32>,
    %slice3A_11 = vector.extract_strided_slice %dot_general3A_5 {offsets = [2, 0], sizes = [1, 10000], strides = [1, 1]} : vector<128x10240xf32> to vector<1x10000xf32>
    %squeeze3A_12 = vector.shape_cast %slice3A_11 : vector<1x10000xf32> to vector<10000xf32>
    %swap3A_13 = arith.constant 20000 : index
    %swap3A_14 = vector.load %arg3[%swap3A_13] : memref<1280000xf32, #tpu.memory_space<vmem>>, vector<10000xf32>
    tpu.vector_store %arg3[%swap3A_13], %squeeze3A_12 {strides = array<i32>} : memref<1280000xf32, #tpu.memory_space<vmem>>, vector<10000xf32>,
    %slice3A_15 = vector.extract_strided_slice %dot_general3A_5 {offsets = [3, 0], sizes = [1, 10000], strides = [1, 1]} : vector<128x10240xf32> to vector<1x10000xf32>
    %squeeze3A_16 = vector.shape_cast %slice3A_15 : vector<1x10000xf32> to vector<10000xf32>
    %swap3A_17 = arith.constant 30000 : index
    %swap3A_18 = vector.load %arg3[%swap3A_17] : memref<1280000xf32, #tpu.memory_space<vmem>>, vector<10000xf32>
    tpu.vector_store %arg3[%swap3A_17], %squeeze3A_16 {strides = array<i32>} : memref<1280000xf32, #tpu.memory_space<vmem>>, vector<10000xf32>,
    %slice3A_19 = vector.extract_strided_slice %dot_general3A_5 {offsets = [4, 0], sizes = [1, 10000], strides = [1, 1]} : vector<128x10240xf32> to vector<1x10000xf32>
    %squeeze3A_20 = vector.shape_cast %slice3A_19 : vector<1x10000xf32> to vector<10000xf32>
    %swap3A_21 = arith.constant 40000 : index
    %swap3A_22 = vector.load %arg3[%swap3A_21] : memref<1280000xf32, #tpu.memory_space<vmem>>, vector<10000xf32>
    tpu.vector_store %arg3[%swap3A_21], %squeeze3A_20 {strides = array<i32>} : memref<1280000xf32, #tpu.memory_space<vmem>>, vector<10000xf32>,
    %slice3A_23 = vector.extract_strided_slice %dot_general3A_5 {offsets = [5, 0], sizes = [1, 10000], strides = [1, 1]} : vector<128x10240xf32> to vector<1x10000xf32>
    %squeeze3A_24 = vector.shape_cast %slice3A_23 : vector<1x10000xf32> to vector<10000xf32>
    %swap3A_25 = arith.constant 50000 : index
    %swap3A_26 = vector.load %arg3[%swap3A_25] : memref<1280000xf32, #tpu.memory_space<vmem>>, vector<10000xf32>
    tpu.vector_store %arg3[%swap3A_25], %squeeze3A_24 {strides = array<i32>} : memref<1280000xf32, #tpu.memory_space<vmem>>, vector<10000xf32>,
    %slice3A_27 = vector.extract_strided_slice %dot_general3A_5 {offsets = [6, 0], sizes = [1, 10000], strides = [1, 1]} : vector<128x10240xf32> to vector<1x10000xf32>
    %squeeze3A_28 = vector.shape_cast %slice3A_27 : vector<1x10000xf32> to vector<10000xf32>
    %swap3A_29 = arith.constant 60000 : index
    %swap3A_30 = vector.load %arg3[%swap3A_29] : memref<1280000xf32, #tpu.memory_space<vmem>>, vector<10000xf32>
    tpu.vector_store %arg3[%swap3A_29], %squeeze3A_28 {strides = array<i32>} : memref<1280000xf32, #tpu.memory_space<vmem>>, vector<10000xf32>,
    %slice3A_31 = vector.extract_strided_slice %dot_general3A_5 {offsets = [7, 0], sizes = [1, 10000], strides = [1, 1]} : vector<128x10240xf32> to vector<1x10000xf32>
    %squeeze3A_32 = vector.shape_cast %slice3A_31 : vector<1x10000xf32> to vector<10000xf32>
    %swap3A_33 = arith.constant 70000 : index
    %swap3A_34 = vector.load %arg3[%swap3A_33] : memref<1280000xf32, #tpu.memory_space<vmem>>, vector<10000xf32>
    tpu.vector_store %arg3[%swap3A_33], %squeeze3A_32 {strides = array<i32>} : memref<1280000xf32, #tpu.memory_space<vmem>>, vector<10000xf32>,
    %slice3A_35 = vector.extract_strided_slice %dot_general3A_5 {offsets = [8, 0], sizes = [1, 10000], strides = [1, 1]} : vector<128x10240xf32> to vector<1x10000xf32>
    %squeeze3A_36 = vector.shape_cast %slice3A_35 : vector<1x10000xf32> to vector<10000xf32>
    %swap3A_37 = arith.constant 80000 : index
    %swap3A_38 = vector.load %arg3[%swap3A_37] : memref<1280000xf32, #tpu.memory_space<vmem>>, vector<10000xf32>
    tpu.vector_store %arg3[%swap3A_37], %squeeze3A_36 {strides = array<i32>} : memref<1280000xf32, #tpu.memory_space<vmem>>, vector<10000xf32>,
    %slice3A_39 = vector.extract_strided_slice %dot_general3A_5 {offsets = [9, 0], sizes = [1, 10000], strides = [1, 1]} : vector<128x10240xf32> to vector<1x10000xf32>
    %squeeze3A_40 = vector.shape_cast %slice3A_39 : vector<1x10000xf32> to vector<10000xf32>
    %swap3A_41 = arith.constant 90000 : index
    %swap3A_42 = vector.load %arg3[%swap3A_41] : memref<1280000xf32, #tpu.memory_space<vmem>>, vector<10000xf32>
    tpu.vector_store %arg3[%swap3A_41], %squeeze3A_40 {strides = array<i32>} : memref<1280000xf32, #tpu.memory_space<vmem>>, vector<10000xf32>,
    %slice3A_43 = vector.extract_strided_slice %dot_general3A_5 {offsets = [10, 0], sizes = [1, 10000], strides = [1, 1]} : vector<128x10240xf32> to vector<1x10000xf32>
    %squeeze3A_44 = vector.shape_cast %slice3A_43 : vector<1x10000xf32> to vector<10000xf32>
    %swap3A_45 = arith.constant 100000 : index
    %swap3A_46 = vector.load %arg3[%swap3A_45] : memref<1280000xf32, #tpu.memory_space<vmem>>, vector<10000xf32>
    tpu.vector_store %arg3[%swap3A_45], %squeeze3A_44 {strides = array<i32>} : memref<1280000xf32, #tpu.memory_space<vmem>>, vector<10000xf32>,
    %slice3A_47 = vector.extract_strided_slice %dot_general3A_5 {offsets = [11, 0], sizes = [1, 10000], strides = [1, 1]} : vector<128x10240xf32> to vector<1x10000xf32>
    %squeeze3A_48 = vector.shape_cast %slice3A_47 : vector<1x10000xf32> to vector<10000xf32>
    %swap3A_49 = arith.constant 110000 : index
    %swap3A_50 = vector.load %arg3[%swap3A_49] : memref<1280000xf32, #tpu.memory_space<vmem>>, vector<10000xf32>
    tpu.vector_store %arg3[%swap3A_49], %squeeze3A_48 {strides = array<i32>} : memref<1280000xf32, #tpu.memory_space<vmem>>, vector<10000xf32>,
    %slice3A_51 = vector.extract_strided_slice %dot_general3A_5 {offsets = [12, 0], sizes = [1, 10000], strides = [1, 1]} : vector<128x10240xf32> to vector<1x10000xf32>
    %squeeze3A_52 = vector.shape_cast %slice3A_51 : vector<1x10000xf32> to vector<10000xf32>
    %swap3A_53 = arith.constant 120000 : index
    %swap3A_54 = vector.load %arg3[%swap3A_53] : memref<1280000xf32, #tpu.memory_space<vmem>>, vector<10000xf32>
    tpu.vector_store %arg3[%swap3A_53], %squeeze3A_52 {strides = array<i32>} : memref<1280000xf32, #tpu.memory_space<vmem>>, vector<10000xf32>,
    %slice3A_55 = vector.extract_strided_slice %dot_general3A_5 {offsets = [13, 0], sizes = [1, 10000], strides = [1, 1]} : vector<128x10240xf32> to vector<1x10000xf32>
    %squeeze3A_56 = vector.shape_cast %slice3A_55 : vector<1x10000xf32> to vector<10000xf32>
    %swap3A_57 = arith.constant 130000 : index
    %swap3A_58 = vector.load %arg3[%swap3A_57] : memref<1280000xf32, #tpu.memory_space<vmem>>, vector<10000xf32>
    tpu.vector_store %arg3[%swap3A_57], %squeeze3A_56 {strides = array<i32>} : memref<1280000xf32, #tpu.memory_space<vmem>>, vector<10000xf32>,
    %slice3A_59 = vector.extract_strided_slice %dot_general3A_5 {offsets = [14, 0], sizes = [1, 10000], strides = [1, 1]} : vector<128x10240xf32> to vector<1x10000xf32>
    %squeeze3A_60 = vector.shape_cast %slice3A_59 : vector<1x10000xf32> to vector<10000xf32>
    %swap3A_61 = arith.constant 140000 : index
    %swap3A_62 = vector.load %arg3[%swap3A_61] : memref<1280000xf32, #tpu.memory_space<vmem>>, vector<10000xf32>
    tpu.vector_store %arg3[%swap3A_61], %squeeze3A_60 {strides = array<i32>} : memref<1280000xf32, #tpu.memory_space<vmem>>, vector<10000xf32>,
    %slice3A_63 = vector.extract_strided_slice %dot_general3A_5 {offsets = [15, 0], sizes = [1, 10000], strides = [1, 1]} : vector<128x10240xf32> to vector<1x10000xf32>
    %squeeze3A_64 = vector.shape_cast %slice3A_63 : vector<1x10000xf32> to vector<10000xf32>
    %swap3A_65 = arith.constant 150000 : index
    %swap3A_66 = vector.load %arg3[%swap3A_65] : memref<1280000xf32, #tpu.memory_space<vmem>>, vector<10000xf32>
    tpu.vector_store %arg3[%swap3A_65], %squeeze3A_64 {strides = array<i32>} : memref<1280000xf32, #tpu.memory_space<vmem>>, vector<10000xf32>,
    %slice3A_67 = vector.extract_strided_slice %dot_general3A_5 {offsets = [16, 0], sizes = [1, 10000], strides = [1, 1]} : vector<128x10240xf32> to vector<1x10000xf32>
    %squeeze3A_68 = vector.shape_cast %slice3A_67 : vector<1x10000xf32> to vector<10000xf32>
    %swap3A_69 = arith.constant 160000 : index
    %swap3A_70 = vector.load %arg3[%swap3A_69] : memref<1280000xf32, #tpu.memory_space<vmem>>, vector<10000xf32>
    tpu.vector_store %arg3[%swap3A_69], %squeeze3A_68 {strides = array<i32>} : memref<1280000xf32, #tpu.memory_space<vmem>>, vector<10000xf32>,
    %slice3A_71 = vector.extract_strided_slice %dot_general3A_5 {offsets = [17, 0], sizes = [1, 10000], strides = [1, 1]} : vector<128x10240xf32> to vector<1x10000xf32>
    %squeeze3A_72 = vector.shape_cast %slice3A_71 : vector<1x10000xf32> to vector<10000xf32>
    %swap3A_73 = arith.constant 170000 : index
    %swap3A_74 = vector.load %arg3[%swap3A_73] : memref<1280000xf32, #tpu.memory_space<vmem>>, vector<10000xf32>
    tpu.vector_store %arg3[%swap3A_73], %squeeze3A_72 {strides = array<i32>} : memref<1280000xf32, #tpu.memory_space<vmem>>, vector<10000xf32>,
    %slice3A_75 = vector.extract_strided_slice %dot_general3A_5 {offsets = [18, 0], sizes = [1, 10000], strides = [1, 1]} : vector<128x10240xf32> to vector<1x10000xf32>
    %squeeze3A_76 = vector.shape_cast %slice3A_75 : vector<1x10000xf32> to vector<10000xf32>
    %swap3A_77 = arith.constant 180000 : index
    %swap3A_78 = vector.load %arg3[%swap3A_77] : memref<1280000xf32, #tpu.memory_space<vmem>>, vector<10000xf32>
    tpu.vector_store %arg3[%swap3A_77], %squeeze3A_76 {strides = array<i32>} : memref<1280000xf32, #tpu.memory_space<vmem>>, vector<10000xf32>,
    %slice3A_79 = vector.extract_strided_slice %dot_general3A_5 {offsets = [19, 0], sizes = [1, 10000], strides = [1, 1]} : vector<128x10240xf32> to vector<1x10000xf32>
    %squeeze3A_80 = vector.shape_cast %slice3A_79 : vector<1x10000xf32> to vector<10000xf32>
    %swap3A_81 = arith.constant 190000 : index
    %swap3A_82 = vector.load %arg3[%swap3A_81] : memref<1280000xf32, #tpu.memory_space<vmem>>, vector<10000xf32>
    tpu.vector_store %arg3[%swap3A_81], %squeeze3A_80 {strides = array<i32>} : memref<1280000xf32, #tpu.memory_space<vmem>>, vector<10000xf32>,
    %slice3A_83 = vector.extract_strided_slice %dot_general3A_5 {offsets = [20, 0], sizes = [1, 10000], strides = [1, 1]} : vector<128x10240xf32> to vector<1x10000xf32>
    %squeeze3A_84 = vector.shape_cast %slice3A_83 : vector<1x10000xf32> to vector<10000xf32>
    %swap3A_85 = arith.constant 200000 : index
    %swap3A_86 = vector.load %arg3[%swap3A_85] : memref<1280000xf32, #tpu.memory_space<vmem>>, vector<10000xf32>
    tpu.vector_store %arg3[%swap3A_85], %squeeze3A_84 {strides = array<i32>} : memref<1280000xf32, #tpu.memory_space<vmem>>, vector<10000xf32>,
    %slice3A_87 = vector.extract_strided_slice %dot_general3A_5 {offsets = [21, 0], sizes = [1, 10000], strides = [1, 1]} : vector<128x10240xf32> to vector<1x10000xf32>
    %squeeze3A_88 = vector.shape_cast %slice3A_87 : vector<1x10000xf32> to vector<10000xf32>
    %swap3A_89 = arith.constant 210000 : index
    %swap3A_90 = vector.load %arg3[%swap3A_89] : memref<1280000xf32, #tpu.memory_space<vmem>>, vector<10000xf32>
    tpu.vector_store %arg3[%swap3A_89], %squeeze3A_88 {strides = array<i32>} : memref<1280000xf32, #tpu.memory_space<vmem>>, vector<10000xf32>,
    %slice3A_91 = vector.extract_strided_slice %dot_general3A_5 {offsets = [22, 0], sizes = [1, 10000], strides = [1, 1]} : vector<128x10240xf32> to vector<1x10000xf32>
    %squeeze3A_92 = vector.shape_cast %slice3A_91 : vector<1x10000xf32> to vector<10000xf32>
    %swap3A_93 = arith.constant 220000 : index
    %swap3A_94 = vector.load %arg3[%swap3A_93] : memref<1280000xf32, #tpu.memory_space<vmem>>, vector<10000xf32>
    tpu.vector_store %arg3[%swap3A_93], %squeeze3A_92 {strides = array<i32>} : memref<1280000xf32, #tpu.memory_space<vmem>>, vector<10000xf32>,
    %slice3A_95 = vector.extract_strided_slice %dot_general3A_5 {offsets = [23, 0], sizes = [1, 10000], strides = [1, 1]} : vector<128x10240xf32> to vector<1x10000xf32>
    %squeeze3A_96 = vector.shape_cast %slice3A_95 : vector<1x10000xf32> to vector<10000xf32>
    %swap3A_97 = arith.constant 230000 : index
    %swap3A_98 = vector.load %arg3[%swap3A_97] : memref<1280000xf32, #tpu.memory_space<vmem>>, vector<10000xf32>
    tpu.vector_store %arg3[%swap3A_97], %squeeze3A_96 {strides = array<i32>} : memref<1280000xf32, #tpu.memory_space<vmem>>, vector<10000xf32>,
    %slice3A_99 = vector.extract_strided_slice %dot_general3A_5 {offsets = [24, 0], sizes = [1, 10000], strides = [1, 1]} : vector<128x10240xf32> to vector<1x10000xf32>
    %squeeze3A_100 = vector.shape_cast %slice3A_99 : vector<1x10000xf32> to vector<10000xf32>
    %swap3A_101 = arith.constant 240000 : index
    %swap3A_102 = vector.load %arg3[%swap3A_101] : memref<1280000xf32, #tpu.memory_space<vmem>>, vector<10000xf32>
    tpu.vector_store %arg3[%swap3A_101], %squeeze3A_100 {strides = array<i32>} : memref<1280000xf32, #tpu.memory_space<vmem>>, vector<10000xf32>,
    %slice3A_103 = vector.extract_strided_slice %dot_general3A_5 {offsets = [25, 0], sizes = [1, 10000], strides = [1, 1]} : vector<128x10240xf32> to vector<1x10000xf32>
    %squeeze3A_104 = vector.shape_cast %slice3A_103 : vector<1x10000xf32> to vector<10000xf32>
    %swap3A_105 = arith.constant 250000 : index
    %swap3A_106 = vector.load %arg3[%swap3A_105] : memref<1280000xf32, #tpu.memory_space<vmem>>, vector<10000xf32>
    tpu.vector_store %arg3[%swap3A_105], %squeeze3A_104 {strides = array<i32>} : memref<1280000xf32, #tpu.memory_space<vmem>>, vector<10000xf32>,
    %slice3A_107 = vector.extract_strided_slice %dot_general3A_5 {offsets = [26, 0], sizes = [1, 10000], strides = [1, 1]} : vector<128x10240xf32> to vector<1x10000xf32>
    %squeeze3A_108 = vector.shape_cast %slice3A_107 : vector<1x10000xf32> to vector<10000xf32>
    %swap3A_109 = arith.constant 260000 : index
    %swap3A_110 = vector.load %arg3[%swap3A_109] : memref<1280000xf32, #tpu.memory_space<vmem>>, vector<10000xf32>
    tpu.vector_store %arg3[%swap3A_109], %squeeze3A_108 {strides = array<i32>} : memref<1280000xf32, #tpu.memory_space<vmem>>, vector<10000xf32>,
    %slice3A_111 = vector.extract_strided_slice %dot_general3A_5 {offsets = [27, 0], sizes = [1, 10000], strides = [1, 1]} : vector<128x10240xf32> to vector<1x10000xf32>
    %squeeze3A_112 = vector.shape_cast %slice3A_111 : vector<1x10000xf32> to vector<10000xf32>
    %swap3A_113 = arith.constant 270000 : index
    %swap3A_114 = vector.load %arg3[%swap3A_113] : memref<1280000xf32, #tpu.memory_space<vmem>>, vector<10000xf32>
    tpu.vector_store %arg3[%swap3A_113], %squeeze3A_112 {strides = array<i32>} : memref<1280000xf32, #tpu.memory_space<vmem>>, vector<10000xf32>,
    %slice3A_115 = vector.extract_strided_slice %dot_general3A_5 {offsets = [28, 0], sizes = [1, 10000], strides = [1, 1]} : vector<128x10240xf32> to vector<1x10000xf32>
    %squeeze3A_116 = vector.shape_cast %slice3A_115 : vector<1x10000xf32> to vector<10000xf32>
    %swap3A_117 = arith.constant 280000 : index
    %swap3A_118 = vector.load %arg3[%swap3A_117] : memref<1280000xf32, #tpu.memory_space<vmem>>, vector<10000xf32>
    tpu.vector_store %arg3[%swap3A_117], %squeeze3A_116 {strides = array<i32>} : memref<1280000xf32, #tpu.memory_space<vmem>>, vector<10000xf32>,
    %slice3A_119 = vector.extract_strided_slice %dot_general3A_5 {offsets = [29, 0], sizes = [1, 10000], strides = [1, 1]} : vector<128x10240xf32> to vector<1x10000xf32>
    %squeeze3A_120 = vector.shape_cast %slice3A_119 : vector<1x10000xf32> to vector<10000xf32>
    %swap3A_121 = arith.constant 290000 : index
    %swap3A_122 = vector.load %arg3[%swap3A_121] : memref<1280000xf32, #tpu.memory_space<vmem>>, vector<10000xf32>
    tpu.vector_store %arg3[%swap3A_121], %squeeze3A_120 {strides = array<i32>} : memref<1280000xf32, #tpu.memory_space<vmem>>, vector<10000xf32>,
    %slice3A_123 = vector.extract_strided_slice %dot_general3A_5 {offsets = [30, 0], sizes = [1, 10000], strides = [1, 1]} : vector<128x10240xf32> to vector<1x10000xf32>
    %squeeze3A_124 = vector.shape_cast %slice3A_123 : vector<1x10000xf32> to vector<10000xf32>
    %swap3A_125 = arith.constant 300000 : index
    %swap3A_126 = vector.load %arg3[%swap3A_125] : memref<1280000xf32, #tpu.memory_space<vmem>>, vector<10000xf32>
    tpu.vector_store %arg3[%swap3A_125], %squeeze3A_124 {strides = array<i32>} : memref<1280000xf32, #tpu.memory_space<vmem>>, vector<10000xf32>,
    %slice3A_127 = vector.extract_strided_slice %dot_general3A_5 {offsets = [31, 0], sizes = [1, 10000], strides = [1, 1]} : vector<128x10240xf32> to vector<1x10000xf32>
    %squeeze3A_128 = vector.shape_cast %slice3A_127 : vector<1x10000xf32> to vector<10000xf32>
    %swap3A_129 = arith.constant 310000 : index
    %swap3A_130 = vector.load %arg3[%swap3A_129] : memref<1280000xf32, #tpu.memory_space<vmem>>, vector<10000xf32>
    tpu.vector_store %arg3[%swap3A_129], %squeeze3A_128 {strides = array<i32>} : memref<1280000xf32, #tpu.memory_space<vmem>>, vector<10000xf32>,
    %slice3A_131 = vector.extract_strided_slice %dot_general3A_5 {offsets = [32, 0], sizes = [1, 10000], strides = [1, 1]} : vector<128x10240xf32> to vector<1x10000xf32>
    %squeeze3A_132 = vector.shape_cast %slice3A_131 : vector<1x10000xf32> to vector<10000xf32>
    %swap3A_133 = arith.constant 320000 : index
    %swap3A_134 = vector.load %arg3[%swap3A_133] : memref<1280000xf32, #tpu.memory_space<vmem>>, vector<10000xf32>
    tpu.vector_store %arg3[%swap3A_133], %squeeze3A_132 {strides = array<i32>} : memref<1280000xf32, #tpu.memory_space<vmem>>, vector<10000xf32>,
    %slice3A_135 = vector.extract_strided_slice %dot_general3A_5 {offsets = [33, 0], sizes = [1, 10000], strides = [1, 1]} : vector<128x10240xf32> to vector<1x10000xf32>
    %squeeze3A_136 = vector.shape_cast %slice3A_135 : vector<1x10000xf32> to vector<10000xf32>
    %swap3A_137 = arith.constant 330000 : index
    %swap3A_138 = vector.load %arg3[%swap3A_137] : memref<1280000xf32, #tpu.memory_space<vmem>>, vector<10000xf32>
    tpu.vector_store %arg3[%swap3A_137], %squeeze3A_136 {strides = array<i32>} : memref<1280000xf32, #tpu.memory_space<vmem>>, vector<10000xf32>,
    %slice3A_139 = vector.extract_strided_slice %dot_general3A_5 {offsets = [34, 0], sizes = [1, 10000], strides = [1, 1]} : vector<128x10240xf32> to vector<1x10000xf32>
    %squeeze3A_140 = vector.shape_cast %slice3A_139 : vector<1x10000xf32> to vector<10000xf32>
    %swap3A_141 = arith.constant 340000 : index
    %swap3A_142 = vector.load %arg3[%swap3A_141] : memref<1280000xf32, #tpu.memory_space<vmem>>, vector<10000xf32>
    tpu.vector_store %arg3[%swap3A_141], %squeeze3A_140 {strides = array<i32>} : memref<1280000xf32, #tpu.memory_space<vmem>>, vector<10000xf32>,
    %slice3A_143 = vector.extract_strided_slice %dot_general3A_5 {offsets = [35, 0], sizes = [1, 10000], strides = [1, 1]} : vector<128x10240xf32> to vector<1x10000xf32>
    %squeeze3A_144 = vector.shape_cast %slice3A_143 : vector<1x10000xf32> to vector<10000xf32>
    %swap3A_145 = arith.constant 350000 : index
    %swap3A_146 = vector.load %arg3[%swap3A_145] : memref<1280000xf32, #tpu.memory_space<vmem>>, vector<10000xf32>
    tpu.vector_store %arg3[%swap3A_145], %squeeze3A_144 {strides = array<i32>} : memref<1280000xf32, #tpu.memory_space<vmem>>, vector<10000xf32>,
    %slice3A_147 = vector.extract_strided_slice %dot_general3A_5 {offsets = [36, 0], sizes = [1, 10000], strides = [1, 1]} : vector<128x10240xf32> to vector<1x10000xf32>
    %squeeze3A_148 = vector.shape_cast %slice3A_147 : vector<1x10000xf32> to vector<10000xf32>
    %swap3A_149 = arith.constant 360000 : index
    %swap3A_150 = vector.load %arg3[%swap3A_149] : memref<1280000xf32, #tpu.memory_space<vmem>>, vector<10000xf32>
    tpu.vector_store %arg3[%swap3A_149], %squeeze3A_148 {strides = array<i32>} : memref<1280000xf32, #tpu.memory_space<vmem>>, vector<10000xf32>,
    %slice3A_151 = vector.extract_strided_slice %dot_general3A_5 {offsets = [37, 0], sizes = [1, 10000], strides = [1, 1]} : vector<128x10240xf32> to vector<1x10000xf32>
    %squeeze3A_152 = vector.shape_cast %slice3A_151 : vector<1x10000xf32> to vector<10000xf32>
    %swap3A_153 = arith.constant 370000 : index
    %swap3A_154 = vector.load %arg3[%swap3A_153] : memref<1280000xf32, #tpu.memory_space<vmem>>, vector<10000xf32>
    tpu.vector_store %arg3[%swap3A_153], %squeeze3A_152 {strides = array<i32>} : memref<1280000xf32, #tpu.memory_space<vmem>>, vector<10000xf32>,
    %slice3A_155 = vector.extract_strided_slice %dot_general3A_5 {offsets = [38, 0], sizes = [1, 10000], strides = [1, 1]} : vector<128x10240xf32> to vector<1x10000xf32>
    %squeeze3A_156 = vector.shape_cast %slice3A_155 : vector<1x10000xf32> to vector<10000xf32>
    %swap3A_157 = arith.constant 380000 : index
    %swap3A_158 = vector.load %arg3[%swap3A_157] : memref<1280000xf32, #tpu.memory_space<vmem>>, vector<10000xf32>
    tpu.vector_store %arg3[%swap3A_157], %squeeze3A_156 {strides = array<i32>} : memref<1280000xf32, #tpu.memory_space<vmem>>, vector<10000xf32>,
    %slice3A_159 = vector.extract_strided_slice %dot_general3A_5 {offsets = [39, 0], sizes = [1, 10000], strides = [1, 1]} : vector<128x10240xf32> to vector<1x10000xf32>
    %squeeze3A_160 = vector.shape_cast %slice3A_159 : vector<1x10000xf32> to vector<10000xf32>
    %swap3A_161 = arith.constant 390000 : index
    %swap3A_162 = vector.load %arg3[%swap3A_161] : memref<1280000xf32, #tpu.memory_space<vmem>>, vector<10000xf32>
    tpu.vector_store %arg3[%swap3A_161], %squeeze3A_160 {strides = array<i32>} : memref<1280000xf32, #tpu.memory_space<vmem>>, vector<10000xf32>,
    %slice3A_163 = vector.extract_strided_slice %dot_general3A_5 {offsets = [40, 0], sizes = [1, 10000], strides = [1, 1]} : vector<128x10240xf32> to vector<1x10000xf32>
    %squeeze3A_164 = vector.shape_cast %slice3A_163 : vector<1x10000xf32> to vector<10000xf32>
    %swap3A_165 = arith.constant 400000 : index
    %swap3A_166 = vector.load %arg3[%swap3A_165] : memref<1280000xf32, #tpu.memory_space<vmem>>, vector<10000xf32>
    tpu.vector_store %arg3[%swap3A_165], %squeeze3A_164 {strides = array<i32>} : memref<1280000xf32, #tpu.memory_space<vmem>>, vector<10000xf32>,
    %slice3A_167 = vector.extract_strided_slice %dot_general3A_5 {offsets = [41, 0], sizes = [1, 10000], strides = [1, 1]} : vector<128x10240xf32> to vector<1x10000xf32>
    %squeeze3A_168 = vector.shape_cast %slice3A_167 : vector<1x10000xf32> to vector<10000xf32>
    %swap3A_169 = arith.constant 410000 : index
    %swap3A_170 = vector.load %arg3[%swap3A_169] : memref<1280000xf32, #tpu.memory_space<vmem>>, vector<10000xf32>
    tpu.vector_store %arg3[%swap3A_169], %squeeze3A_168 {strides = array<i32>} : memref<1280000xf32, #tpu.memory_space<vmem>>, vector<10000xf32>,
    %slice3A_171 = vector.extract_strided_slice %dot_general3A_5 {offsets = [42, 0], sizes = [1, 10000], strides = [1, 1]} : vector<128x10240xf32> to vector<1x10000xf32>
    %squeeze3A_172 = vector.shape_cast %slice3A_171 : vector<1x10000xf32> to vector<10000xf32>
    %swap3A_173 = arith.constant 420000 : index
    %swap3A_174 = vector.load %arg3[%swap3A_173] : memref<1280000xf32, #tpu.memory_space<vmem>>, vector<10000xf32>
    tpu.vector_store %arg3[%swap3A_173], %squeeze3A_172 {strides = array<i32>} : memref<1280000xf32, #tpu.memory_space<vmem>>, vector<10000xf32>,
    %slice3A_175 = vector.extract_strided_slice %dot_general3A_5 {offsets = [43, 0], sizes = [1, 10000], strides = [1, 1]} : vector<128x10240xf32> to vector<1x10000xf32>
    %squeeze3A_176 = vector.shape_cast %slice3A_175 : vector<1x10000xf32> to vector<10000xf32>
    %swap3A_177 = arith.constant 430000 : index
    %swap3A_178 = vector.load %arg3[%swap3A_177] : memref<1280000xf32, #tpu.memory_space<vmem>>, vector<10000xf32>
    tpu.vector_store %arg3[%swap3A_177], %squeeze3A_176 {strides = array<i32>} : memref<1280000xf32, #tpu.memory_space<vmem>>, vector<10000xf32>,
    %slice3A_179 = vector.extract_strided_slice %dot_general3A_5 {offsets = [44, 0], sizes = [1, 10000], strides = [1, 1]} : vector<128x10240xf32> to vector<1x10000xf32>
    %squeeze3A_180 = vector.shape_cast %slice3A_179 : vector<1x10000xf32> to vector<10000xf32>
    %swap3A_181 = arith.constant 440000 : index
    %swap3A_182 = vector.load %arg3[%swap3A_181] : memref<1280000xf32, #tpu.memory_space<vmem>>, vector<10000xf32>
    tpu.vector_store %arg3[%swap3A_181], %squeeze3A_180 {strides = array<i32>} : memref<1280000xf32, #tpu.memory_space<vmem>>, vector<10000xf32>,
    %slice3A_183 = vector.extract_strided_slice %dot_general3A_5 {offsets = [45, 0], sizes = [1, 10000], strides = [1, 1]} : vector<128x10240xf32> to vector<1x10000xf32>
    %squeeze3A_184 = vector.shape_cast %slice3A_183 : vector<1x10000xf32> to vector<10000xf32>
    %swap3A_185 = arith.constant 450000 : index
    %swap3A_186 = vector.load %arg3[%swap3A_185] : memref<1280000xf32, #tpu.memory_space<vmem>>, vector<10000xf32>
    tpu.vector_store %arg3[%swap3A_185], %squeeze3A_184 {strides = array<i32>} : memref<1280000xf32, #tpu.memory_space<vmem>>, vector<10000xf32>,
    %slice3A_187 = vector.extract_strided_slice %dot_general3A_5 {offsets = [46, 0], sizes = [1, 10000], strides = [1, 1]} : vector<128x10240xf32> to vector<1x10000xf32>
    %squeeze3A_188 = vector.shape_cast %slice3A_187 : vector<1x10000xf32> to vector<10000xf32>
    %swap3A_189 = arith.constant 460000 : index
    %swap3A_190 = vector.load %arg3[%swap3A_189] : memref<1280000xf32, #tpu.memory_space<vmem>>, vector<10000xf32>
    tpu.vector_store %arg3[%swap3A_189], %squeeze3A_188 {strides = array<i32>} : memref<1280000xf32, #tpu.memory_space<vmem>>, vector<10000xf32>,
    %slice3A_191 = vector.extract_strided_slice %dot_general3A_5 {offsets = [47, 0], sizes = [1, 10000], strides = [1, 1]} : vector<128x10240xf32> to vector<1x10000xf32>
    %squeeze3A_192 = vector.shape_cast %slice3A_191 : vector<1x10000xf32> to vector<10000xf32>
    %swap3A_193 = arith.constant 470000 : index
    %swap3A_194 = vector.load %arg3[%swap3A_193] : memref<1280000xf32, #tpu.memory_space<vmem>>, vector<10000xf32>
    tpu.vector_store %arg3[%swap3A_193], %squeeze3A_192 {strides = array<i32>} : memref<1280000xf32, #tpu.memory_space<vmem>>, vector<10000xf32>,
    %slice3A_195 = vector.extract_strided_slice %dot_general3A_5 {offsets = [48, 0], sizes = [1, 10000], strides = [1, 1]} : vector<128x10240xf32> to vector<1x10000xf32>
    %squeeze3A_196 = vector.shape_cast %slice3A_195 : vector<1x10000xf32> to vector<10000xf32>
    %swap3A_197 = arith.constant 480000 : index
    %swap3A_198 = vector.load %arg3[%swap3A_197] : memref<1280000xf32, #tpu.memory_space<vmem>>, vector<10000xf32>
    tpu.vector_store %arg3[%swap3A_197], %squeeze3A_196 {strides = array<i32>} : memref<1280000xf32, #tpu.memory_space<vmem>>, vector<10000xf32>,
    %slice3A_199 = vector.extract_strided_slice %dot_general3A_5 {offsets = [49, 0], sizes = [1, 10000], strides = [1, 1]} : vector<128x10240xf32> to vector<1x10000xf32>
    %squeeze3A_200 = vector.shape_cast %slice3A_199 : vector<1x10000xf32> to vector<10000xf32>
    %swap3A_201 = arith.constant 490000 : index
    %swap3A_202 = vector.load %arg3[%swap3A_201] : memref<1280000xf32, #tpu.memory_space<vmem>>, vector<10000xf32>
    tpu.vector_store %arg3[%swap3A_201], %squeeze3A_200 {strides = array<i32>} : memref<1280000xf32, #tpu.memory_space<vmem>>, vector<10000xf32>,
    %slice3A_203 = vector.extract_strided_slice %dot_general3A_5 {offsets = [50, 0], sizes = [1, 10000], strides = [1, 1]} : vector<128x10240xf32> to vector<1x10000xf32>
    %squeeze3A_204 = vector.shape_cast %slice3A_203 : vector<1x10000xf32> to vector<10000xf32>
    %swap3A_205 = arith.constant 500000 : index
    %swap3A_206 = vector.load %arg3[%swap3A_205] : memref<1280000xf32, #tpu.memory_space<vmem>>, vector<10000xf32>
    tpu.vector_store %arg3[%swap3A_205], %squeeze3A_204 {strides = array<i32>} : memref<1280000xf32, #tpu.memory_space<vmem>>, vector<10000xf32>,
    %slice3A_207 = vector.extract_strided_slice %dot_general3A_5 {offsets = [51, 0], sizes = [1, 10000], strides = [1, 1]} : vector<128x10240xf32> to vector<1x10000xf32>
    %squeeze3A_208 = vector.shape_cast %slice3A_207 : vector<1x10000xf32> to vector<10000xf32>
    %swap3A_209 = arith.constant 510000 : index
    %swap3A_210 = vector.load %arg3[%swap3A_209] : memref<1280000xf32, #tpu.memory_space<vmem>>, vector<10000xf32>
    tpu.vector_store %arg3[%swap3A_209], %squeeze3A_208 {strides = array<i32>} : memref<1280000xf32, #tpu.memory_space<vmem>>, vector<10000xf32>,
    %slice3A_211 = vector.extract_strided_slice %dot_general3A_5 {offsets = [52, 0], sizes = [1, 10000], strides = [1, 1]} : vector<128x10240xf32> to vector<1x10000xf32>
    %squeeze3A_212 = vector.shape_cast %slice3A_211 : vector<1x10000xf32> to vector<10000xf32>
    %swap3A_213 = arith.constant 520000 : index
    %swap3A_214 = vector.load %arg3[%swap3A_213] : memref<1280000xf32, #tpu.memory_space<vmem>>, vector<10000xf32>
    tpu.vector_store %arg3[%swap3A_213], %squeeze3A_212 {strides = array<i32>} : memref<1280000xf32, #tpu.memory_space<vmem>>, vector<10000xf32>,
    %slice3A_215 = vector.extract_strided_slice %dot_general3A_5 {offsets = [53, 0], sizes = [1, 10000], strides = [1, 1]} : vector<128x10240xf32> to vector<1x10000xf32>
    %squeeze3A_216 = vector.shape_cast %slice3A_215 : vector<1x10000xf32> to vector<10000xf32>
    %swap3A_217 = arith.constant 530000 : index
    %swap3A_218 = vector.load %arg3[%swap3A_217] : memref<1280000xf32, #tpu.memory_space<vmem>>, vector<10000xf32>
    tpu.vector_store %arg3[%swap3A_217], %squeeze3A_216 {strides = array<i32>} : memref<1280000xf32, #tpu.memory_space<vmem>>, vector<10000xf32>,
    %slice3A_219 = vector.extract_strided_slice %dot_general3A_5 {offsets = [54, 0], sizes = [1, 10000], strides = [1, 1]} : vector<128x10240xf32> to vector<1x10000xf32>
    %squeeze3A_220 = vector.shape_cast %slice3A_219 : vector<1x10000xf32> to vector<10000xf32>
    %swap3A_221 = arith.constant 540000 : index
    %swap3A_222 = vector.load %arg3[%swap3A_221] : memref<1280000xf32, #tpu.memory_space<vmem>>, vector<10000xf32>
    tpu.vector_store %arg3[%swap3A_221], %squeeze3A_220 {strides = array<i32>} : memref<1280000xf32, #tpu.memory_space<vmem>>, vector<10000xf32>,
    %slice3A_223 = vector.extract_strided_slice %dot_general3A_5 {offsets = [55, 0], sizes = [1, 10000], strides = [1, 1]} : vector<128x10240xf32> to vector<1x10000xf32>
    %squeeze3A_224 = vector.shape_cast %slice3A_223 : vector<1x10000xf32> to vector<10000xf32>
    %swap3A_225 = arith.constant 550000 : index
    %swap3A_226 = vector.load %arg3[%swap3A_225] : memref<1280000xf32, #tpu.memory_space<vmem>>, vector<10000xf32>
    tpu.vector_store %arg3[%swap3A_225], %squeeze3A_224 {strides = array<i32>} : memref<1280000xf32, #tpu.memory_space<vmem>>, vector<10000xf32>,
    %slice3A_227 = vector.extract_strided_slice %dot_general3A_5 {offsets = [56, 0], sizes = [1, 10000], strides = [1, 1]} : vector<128x10240xf32> to vector<1x10000xf32>
    %squeeze3A_228 = vector.shape_cast %slice3A_227 : vector<1x10000xf32> to vector<10000xf32>
    %swap3A_229 = arith.constant 560000 : index
    %swap3A_230 = vector.load %arg3[%swap3A_229] : memref<1280000xf32, #tpu.memory_space<vmem>>, vector<10000xf32>
    tpu.vector_store %arg3[%swap3A_229], %squeeze3A_228 {strides = array<i32>} : memref<1280000xf32, #tpu.memory_space<vmem>>, vector<10000xf32>,
    %slice3A_231 = vector.extract_strided_slice %dot_general3A_5 {offsets = [57, 0], sizes = [1, 10000], strides = [1, 1]} : vector<128x10240xf32> to vector<1x10000xf32>
    %squeeze3A_232 = vector.shape_cast %slice3A_231 : vector<1x10000xf32> to vector<10000xf32>
    %swap3A_233 = arith.constant 570000 : index
    %swap3A_234 = vector.load %arg3[%swap3A_233] : memref<1280000xf32, #tpu.memory_space<vmem>>, vector<10000xf32>
    tpu.vector_store %arg3[%swap3A_233], %squeeze3A_232 {strides = array<i32>} : memref<1280000xf32, #tpu.memory_space<vmem>>, vector<10000xf32>,
    %slice3A_235 = vector.extract_strided_slice %dot_general3A_5 {offsets = [58, 0], sizes = [1, 10000], strides = [1, 1]} : vector<128x10240xf32> to vector<1x10000xf32>
    %squeeze3A_236 = vector.shape_cast %slice3A_235 : vector<1x10000xf32> to vector<10000xf32>
    %swap3A_237 = arith.constant 580000 : index
    %swap3A_238 = vector.load %arg3[%swap3A_237] : memref<1280000xf32, #tpu.memory_space<vmem>>, vector<10000xf32>
    tpu.vector_store %arg3[%swap3A_237], %squeeze3A_236 {strides = array<i32>} : memref<1280000xf32, #tpu.memory_space<vmem>>, vector<10000xf32>,
    %slice3A_239 = vector.extract_strided_slice %dot_general3A_5 {offsets = [59, 0], sizes = [1, 10000], strides = [1, 1]} : vector<128x10240xf32> to vector<1x10000xf32>
    %squeeze3A_240 = vector.shape_cast %slice3A_239 : vector<1x10000xf32> to vector<10000xf32>
    %swap3A_241 = arith.constant 590000 : index
    %swap3A_242 = vector.load %arg3[%swap3A_241] : memref<1280000xf32, #tpu.memory_space<vmem>>, vector<10000xf32>
    tpu.vector_store %arg3[%swap3A_241], %squeeze3A_240 {strides = array<i32>} : memref<1280000xf32, #tpu.memory_space<vmem>>, vector<10000xf32>,
    %slice3A_243 = vector.extract_strided_slice %dot_general3A_5 {offsets = [60, 0], sizes = [1, 10000], strides = [1, 1]} : vector<128x10240xf32> to vector<1x10000xf32>
    %squeeze3A_244 = vector.shape_cast %slice3A_243 : vector<1x10000xf32> to vector<10000xf32>
    %swap3A_245 = arith.constant 600000 : index
    %swap3A_246 = vector.load %arg3[%swap3A_245] : memref<1280000xf32, #tpu.memory_space<vmem>>, vector<10000xf32>
    tpu.vector_store %arg3[%swap3A_245], %squeeze3A_244 {strides = array<i32>} : memref<1280000xf32, #tpu.memory_space<vmem>>, vector<10000xf32>,
    %slice3A_247 = vector.extract_strided_slice %dot_general3A_5 {offsets = [61, 0], sizes = [1, 10000], strides = [1, 1]} : vector<128x10240xf32> to vector<1x10000xf32>
    %squeeze3A_248 = vector.shape_cast %slice3A_247 : vector<1x10000xf32> to vector<10000xf32>
    %swap3A_249 = arith.constant 610000 : index
    %swap3A_250 = vector.load %arg3[%swap3A_249] : memref<1280000xf32, #tpu.memory_space<vmem>>, vector<10000xf32>
    tpu.vector_store %arg3[%swap3A_249], %squeeze3A_248 {strides = array<i32>} : memref<1280000xf32, #tpu.memory_space<vmem>>, vector<10000xf32>,
    %slice3A_251 = vector.extract_strided_slice %dot_general3A_5 {offsets = [62, 0], sizes = [1, 10000], strides = [1, 1]} : vector<128x10240xf32> to vector<1x10000xf32>
    %squeeze3A_252 = vector.shape_cast %slice3A_251 : vector<1x10000xf32> to vector<10000xf32>
    %swap3A_253 = arith.constant 620000 : index
    %swap3A_254 = vector.load %arg3[%swap3A_253] : memref<1280000xf32, #tpu.memory_space<vmem>>, vector<10000xf32>
    tpu.vector_store %arg3[%swap3A_253], %squeeze3A_252 {strides = array<i32>} : memref<1280000xf32, #tpu.memory_space<vmem>>, vector<10000xf32>,
    %slice3A_255 = vector.extract_strided_slice %dot_general3A_5 {offsets = [63, 0], sizes = [1, 10000], strides = [1, 1]} : vector<128x10240xf32> to vector<1x10000xf32>
    %squeeze3A_256 = vector.shape_cast %slice3A_255 : vector<1x10000xf32> to vector<10000xf32>
    %swap3A_257 = arith.constant 630000 : index
    %swap3A_258 = vector.load %arg3[%swap3A_257] : memref<1280000xf32, #tpu.memory_space<vmem>>, vector<10000xf32>
    tpu.vector_store %arg3[%swap3A_257], %squeeze3A_256 {strides = array<i32>} : memref<1280000xf32, #tpu.memory_space<vmem>>, vector<10000xf32>,
    %slice3A_259 = vector.extract_strided_slice %dot_general3A_5 {offsets = [64, 0], sizes = [1, 10000], strides = [1, 1]} : vector<128x10240xf32> to vector<1x10000xf32>
    %squeeze3A_260 = vector.shape_cast %slice3A_259 : vector<1x10000xf32> to vector<10000xf32>
    %swap3A_261 = arith.constant 640000 : index
    %swap3A_262 = vector.load %arg3[%swap3A_261] : memref<1280000xf32, #tpu.memory_space<vmem>>, vector<10000xf32>
    tpu.vector_store %arg3[%swap3A_261], %squeeze3A_260 {strides = array<i32>} : memref<1280000xf32, #tpu.memory_space<vmem>>, vector<10000xf32>,
    %slice3A_263 = vector.extract_strided_slice %dot_general3A_5 {offsets = [65, 0], sizes = [1, 10000], strides = [1, 1]} : vector<128x10240xf32> to vector<1x10000xf32>
    %squeeze3A_264 = vector.shape_cast %slice3A_263 : vector<1x10000xf32> to vector<10000xf32>
    %swap3A_265 = arith.constant 650000 : index
    %swap3A_266 = vector.load %arg3[%swap3A_265] : memref<1280000xf32, #tpu.memory_space<vmem>>, vector<10000xf32>
    tpu.vector_store %arg3[%swap3A_265], %squeeze3A_264 {strides = array<i32>} : memref<1280000xf32, #tpu.memory_space<vmem>>, vector<10000xf32>,
    %slice3A_267 = vector.extract_strided_slice %dot_general3A_5 {offsets = [66, 0], sizes = [1, 10000], strides = [1, 1]} : vector<128x10240xf32> to vector<1x10000xf32>
    %squeeze3A_268 = vector.shape_cast %slice3A_267 : vector<1x10000xf32> to vector<10000xf32>
    %swap3A_269 = arith.constant 660000 : index
    %swap3A_270 = vector.load %arg3[%swap3A_269] : memref<1280000xf32, #tpu.memory_space<vmem>>, vector<10000xf32>
    tpu.vector_store %arg3[%swap3A_269], %squeeze3A_268 {strides = array<i32>} : memref<1280000xf32, #tpu.memory_space<vmem>>, vector<10000xf32>,
    %slice3A_271 = vector.extract_strided_slice %dot_general3A_5 {offsets = [67, 0], sizes = [1, 10000], strides = [1, 1]} : vector<128x10240xf32> to vector<1x10000xf32>
    %squeeze3A_272 = vector.shape_cast %slice3A_271 : vector<1x10000xf32> to vector<10000xf32>
    %swap3A_273 = arith.constant 670000 : index
    %swap3A_274 = vector.load %arg3[%swap3A_273] : memref<1280000xf32, #tpu.memory_space<vmem>>, vector<10000xf32>
    tpu.vector_store %arg3[%swap3A_273], %squeeze3A_272 {strides = array<i32>} : memref<1280000xf32, #tpu.memory_space<vmem>>, vector<10000xf32>,
    %slice3A_275 = vector.extract_strided_slice %dot_general3A_5 {offsets = [68, 0], sizes = [1, 10000], strides = [1, 1]} : vector<128x10240xf32> to vector<1x10000xf32>
    %squeeze3A_276 = vector.shape_cast %slice3A_275 : vector<1x10000xf32> to vector<10000xf32>
    %swap3A_277 = arith.constant 680000 : index
    %swap3A_278 = vector.load %arg3[%swap3A_277] : memref<1280000xf32, #tpu.memory_space<vmem>>, vector<10000xf32>
    tpu.vector_store %arg3[%swap3A_277], %squeeze3A_276 {strides = array<i32>} : memref<1280000xf32, #tpu.memory_space<vmem>>, vector<10000xf32>,
    %slice3A_279 = vector.extract_strided_slice %dot_general3A_5 {offsets = [69, 0], sizes = [1, 10000], strides = [1, 1]} : vector<128x10240xf32> to vector<1x10000xf32>
    %squeeze3A_280 = vector.shape_cast %slice3A_279 : vector<1x10000xf32> to vector<10000xf32>
    %swap3A_281 = arith.constant 690000 : index
    %swap3A_282 = vector.load %arg3[%swap3A_281] : memref<1280000xf32, #tpu.memory_space<vmem>>, vector<10000xf32>
    tpu.vector_store %arg3[%swap3A_281], %squeeze3A_280 {strides = array<i32>} : memref<1280000xf32, #tpu.memory_space<vmem>>, vector<10000xf32>,
    %slice3A_283 = vector.extract_strided_slice %dot_general3A_5 {offsets = [70, 0], sizes = [1, 10000], strides = [1, 1]} : vector<128x10240xf32> to vector<1x10000xf32>
    %squeeze3A_284 = vector.shape_cast %slice3A_283 : vector<1x10000xf32> to vector<10000xf32>
    %swap3A_285 = arith.constant 700000 : index
    %swap3A_286 = vector.load %arg3[%swap3A_285] : memref<1280000xf32, #tpu.memory_space<vmem>>, vector<10000xf32>
    tpu.vector_store %arg3[%swap3A_285], %squeeze3A_284 {strides = array<i32>} : memref<1280000xf32, #tpu.memory_space<vmem>>, vector<10000xf32>,
    %slice3A_287 = vector.extract_strided_slice %dot_general3A_5 {offsets = [71, 0], sizes = [1, 10000], strides = [1, 1]} : vector<128x10240xf32> to vector<1x10000xf32>
    %squeeze3A_288 = vector.shape_cast %slice3A_287 : vector<1x10000xf32> to vector<10000xf32>
    %swap3A_289 = arith.constant 710000 : index
    %swap3A_290 = vector.load %arg3[%swap3A_289] : memref<1280000xf32, #tpu.memory_space<vmem>>, vector<10000xf32>
    tpu.vector_store %arg3[%swap3A_289], %squeeze3A_288 {strides = array<i32>} : memref<1280000xf32, #tpu.memory_space<vmem>>, vector<10000xf32>,
    %slice3A_291 = vector.extract_strided_slice %dot_general3A_5 {offsets = [72, 0], sizes = [1, 10000], strides = [1, 1]} : vector<128x10240xf32> to vector<1x10000xf32>
    %squeeze3A_292 = vector.shape_cast %slice3A_291 : vector<1x10000xf32> to vector<10000xf32>
    %swap3A_293 = arith.constant 720000 : index
    %swap3A_294 = vector.load %arg3[%swap3A_293] : memref<1280000xf32, #tpu.memory_space<vmem>>, vector<10000xf32>
    tpu.vector_store %arg3[%swap3A_293], %squeeze3A_292 {strides = array<i32>} : memref<1280000xf32, #tpu.memory_space<vmem>>, vector<10000xf32>,
    %slice3A_295 = vector.extract_strided_slice %dot_general3A_5 {offsets = [73, 0], sizes = [1, 10000], strides = [1, 1]} : vector<128x10240xf32> to vector<1x10000xf32>
    %squeeze3A_296 = vector.shape_cast %slice3A_295 : vector<1x10000xf32> to vector<10000xf32>
    %swap3A_297 = arith.constant 730000 : index
    %swap3A_298 = vector.load %arg3[%swap3A_297] : memref<1280000xf32, #tpu.memory_space<vmem>>, vector<10000xf32>
    tpu.vector_store %arg3[%swap3A_297], %squeeze3A_296 {strides = array<i32>} : memref<1280000xf32, #tpu.memory_space<vmem>>, vector<10000xf32>,
    %slice3A_299 = vector.extract_strided_slice %dot_general3A_5 {offsets = [74, 0], sizes = [1, 10000], strides = [1, 1]} : vector<128x10240xf32> to vector<1x10000xf32>
    %squeeze3A_300 = vector.shape_cast %slice3A_299 : vector<1x10000xf32> to vector<10000xf32>
    %swap3A_301 = arith.constant 740000 : index
    %swap3A_302 = vector.load %arg3[%swap3A_301] : memref<1280000xf32, #tpu.memory_space<vmem>>, vector<10000xf32>
    tpu.vector_store %arg3[%swap3A_301], %squeeze3A_300 {strides = array<i32>} : memref<1280000xf32, #tpu.memory_space<vmem>>, vector<10000xf32>,
    %slice3A_303 = vector.extract_strided_slice %dot_general3A_5 {offsets = [75, 0], sizes = [1, 10000], strides = [1, 1]} : vector<128x10240xf32> to vector<1x10000xf32>
    %squeeze3A_304 = vector.shape_cast %slice3A_303 : vector<1x10000xf32> to vector<10000xf32>
    %swap3A_305 = arith.constant 750000 : index
    %swap3A_306 = vector.load %arg3[%swap3A_305] : memref<1280000xf32, #tpu.memory_space<vmem>>, vector<10000xf32>
    tpu.vector_store %arg3[%swap3A_305], %squeeze3A_304 {strides = array<i32>} : memref<1280000xf32, #tpu.memory_space<vmem>>, vector<10000xf32>,
    %slice3A_307 = vector.extract_strided_slice %dot_general3A_5 {offsets = [76, 0], sizes = [1, 10000], strides = [1, 1]} : vector<128x10240xf32> to vector<1x10000xf32>
    %squeeze3A_308 = vector.shape_cast %slice3A_307 : vector<1x10000xf32> to vector<10000xf32>
    %swap3A_309 = arith.constant 760000 : index
    %swap3A_310 = vector.load %arg3[%swap3A_309] : memref<1280000xf32, #tpu.memory_space<vmem>>, vector<10000xf32>
    tpu.vector_store %arg3[%swap3A_309], %squeeze3A_308 {strides = array<i32>} : memref<1280000xf32, #tpu.memory_space<vmem>>, vector<10000xf32>,
    %slice3A_311 = vector.extract_strided_slice %dot_general3A_5 {offsets = [77, 0], sizes = [1, 10000], strides = [1, 1]} : vector<128x10240xf32> to vector<1x10000xf32>
    %squeeze3A_312 = vector.shape_cast %slice3A_311 : vector<1x10000xf32> to vector<10000xf32>
    %swap3A_313 = arith.constant 770000 : index
    %swap3A_314 = vector.load %arg3[%swap3A_313] : memref<1280000xf32, #tpu.memory_space<vmem>>, vector<10000xf32>
    tpu.vector_store %arg3[%swap3A_313], %squeeze3A_312 {strides = array<i32>} : memref<1280000xf32, #tpu.memory_space<vmem>>, vector<10000xf32>,
    %slice3A_315 = vector.extract_strided_slice %dot_general3A_5 {offsets = [78, 0], sizes = [1, 10000], strides = [1, 1]} : vector<128x10240xf32> to vector<1x10000xf32>
    %squeeze3A_316 = vector.shape_cast %slice3A_315 : vector<1x10000xf32> to vector<10000xf32>
    %swap3A_317 = arith.constant 780000 : index
    %swap3A_318 = vector.load %arg3[%swap3A_317] : memref<1280000xf32, #tpu.memory_space<vmem>>, vector<10000xf32>
    tpu.vector_store %arg3[%swap3A_317], %squeeze3A_316 {strides = array<i32>} : memref<1280000xf32, #tpu.memory_space<vmem>>, vector<10000xf32>,
    %slice3A_319 = vector.extract_strided_slice %dot_general3A_5 {offsets = [79, 0], sizes = [1, 10000], strides = [1, 1]} : vector<128x10240xf32> to vector<1x10000xf32>
    %squeeze3A_320 = vector.shape_cast %slice3A_319 : vector<1x10000xf32> to vector<10000xf32>
    %swap3A_321 = arith.constant 790000 : index
    %swap3A_322 = vector.load %arg3[%swap3A_321] : memref<1280000xf32, #tpu.memory_space<vmem>>, vector<10000xf32>
    tpu.vector_store %arg3[%swap3A_321], %squeeze3A_320 {strides = array<i32>} : memref<1280000xf32, #tpu.memory_space<vmem>>, vector<10000xf32>,
    %slice3A_323 = vector.extract_strided_slice %dot_general3A_5 {offsets = [80, 0], sizes = [1, 10000], strides = [1, 1]} : vector<128x10240xf32> to vector<1x10000xf32>
    %squeeze3A_324 = vector.shape_cast %slice3A_323 : vector<1x10000xf32> to vector<10000xf32>
    %swap3A_325 = arith.constant 800000 : index
    %swap3A_326 = vector.load %arg3[%swap3A_325] : memref<1280000xf32, #tpu.memory_space<vmem>>, vector<10000xf32>
    tpu.vector_store %arg3[%swap3A_325], %squeeze3A_324 {strides = array<i32>} : memref<1280000xf32, #tpu.memory_space<vmem>>, vector<10000xf32>,
    %slice3A_327 = vector.extract_strided_slice %dot_general3A_5 {offsets = [81, 0], sizes = [1, 10000], strides = [1, 1]} : vector<128x10240xf32> to vector<1x10000xf32>
    %squeeze3A_328 = vector.shape_cast %slice3A_327 : vector<1x10000xf32> to vector<10000xf32>
    %swap3A_329 = arith.constant 810000 : index
    %swap3A_330 = vector.load %arg3[%swap3A_329] : memref<1280000xf32, #tpu.memory_space<vmem>>, vector<10000xf32>
    tpu.vector_store %arg3[%swap3A_329], %squeeze3A_328 {strides = array<i32>} : memref<1280000xf32, #tpu.memory_space<vmem>>, vector<10000xf32>,
    %slice3A_331 = vector.extract_strided_slice %dot_general3A_5 {offsets = [82, 0], sizes = [1, 10000], strides = [1, 1]} : vector<128x10240xf32> to vector<1x10000xf32>
    %squeeze3A_332 = vector.shape_cast %slice3A_331 : vector<1x10000xf32> to vector<10000xf32>
    %swap3A_333 = arith.constant 820000 : index
    %swap3A_334 = vector.load %arg3[%swap3A_333] : memref<1280000xf32, #tpu.memory_space<vmem>>, vector<10000xf32>
    tpu.vector_store %arg3[%swap3A_333], %squeeze3A_332 {strides = array<i32>} : memref<1280000xf32, #tpu.memory_space<vmem>>, vector<10000xf32>,
    %slice3A_335 = vector.extract_strided_slice %dot_general3A_5 {offsets = [83, 0], sizes = [1, 10000], strides = [1, 1]} : vector<128x10240xf32> to vector<1x10000xf32>
    %squeeze3A_336 = vector.shape_cast %slice3A_335 : vector<1x10000xf32> to vector<10000xf32>
    %swap3A_337 = arith.constant 830000 : index
    %swap3A_338 = vector.load %arg3[%swap3A_337] : memref<1280000xf32, #tpu.memory_space<vmem>>, vector<10000xf32>
    tpu.vector_store %arg3[%swap3A_337], %squeeze3A_336 {strides = array<i32>} : memref<1280000xf32, #tpu.memory_space<vmem>>, vector<10000xf32>,
    %slice3A_339 = vector.extract_strided_slice %dot_general3A_5 {offsets = [84, 0], sizes = [1, 10000], strides = [1, 1]} : vector<128x10240xf32> to vector<1x10000xf32>
    %squeeze3A_340 = vector.shape_cast %slice3A_339 : vector<1x10000xf32> to vector<10000xf32>
    %swap3A_341 = arith.constant 840000 : index
    %swap3A_342 = vector.load %arg3[%swap3A_341] : memref<1280000xf32, #tpu.memory_space<vmem>>, vector<10000xf32>
    tpu.vector_store %arg3[%swap3A_341], %squeeze3A_340 {strides = array<i32>} : memref<1280000xf32, #tpu.memory_space<vmem>>, vector<10000xf32>,
    %slice3A_343 = vector.extract_strided_slice %dot_general3A_5 {offsets = [85, 0], sizes = [1, 10000], strides = [1, 1]} : vector<128x10240xf32> to vector<1x10000xf32>
    %squeeze3A_344 = vector.shape_cast %slice3A_343 : vector<1x10000xf32> to vector<10000xf32>
    %swap3A_345 = arith.constant 850000 : index
    %swap3A_346 = vector.load %arg3[%swap3A_345] : memref<1280000xf32, #tpu.memory_space<vmem>>, vector<10000xf32>
    tpu.vector_store %arg3[%swap3A_345], %squeeze3A_344 {strides = array<i32>} : memref<1280000xf32, #tpu.memory_space<vmem>>, vector<10000xf32>,
    %slice3A_347 = vector.extract_strided_slice %dot_general3A_5 {offsets = [86, 0], sizes = [1, 10000], strides = [1, 1]} : vector<128x10240xf32> to vector<1x10000xf32>
    %squeeze3A_348 = vector.shape_cast %slice3A_347 : vector<1x10000xf32> to vector<10000xf32>
    %swap3A_349 = arith.constant 860000 : index
    %swap3A_350 = vector.load %arg3[%swap3A_349] : memref<1280000xf32, #tpu.memory_space<vmem>>, vector<10000xf32>
    tpu.vector_store %arg3[%swap3A_349], %squeeze3A_348 {strides = array<i32>} : memref<1280000xf32, #tpu.memory_space<vmem>>, vector<10000xf32>,
    %slice3A_351 = vector.extract_strided_slice %dot_general3A_5 {offsets = [87, 0], sizes = [1, 10000], strides = [1, 1]} : vector<128x10240xf32> to vector<1x10000xf32>
    %squeeze3A_352 = vector.shape_cast %slice3A_351 : vector<1x10000xf32> to vector<10000xf32>
    %swap3A_353 = arith.constant 870000 : index
    %swap3A_354 = vector.load %arg3[%swap3A_353] : memref<1280000xf32, #tpu.memory_space<vmem>>, vector<10000xf32>
    tpu.vector_store %arg3[%swap3A_353], %squeeze3A_352 {strides = array<i32>} : memref<1280000xf32, #tpu.memory_space<vmem>>, vector<10000xf32>,
    %slice3A_355 = vector.extract_strided_slice %dot_general3A_5 {offsets = [88, 0], sizes = [1, 10000], strides = [1, 1]} : vector<128x10240xf32> to vector<1x10000xf32>
    %squeeze3A_356 = vector.shape_cast %slice3A_355 : vector<1x10000xf32> to vector<10000xf32>
    %swap3A_357 = arith.constant 880000 : index
    %swap3A_358 = vector.load %arg3[%swap3A_357] : memref<1280000xf32, #tpu.memory_space<vmem>>, vector<10000xf32>
    tpu.vector_store %arg3[%swap3A_357], %squeeze3A_356 {strides = array<i32>} : memref<1280000xf32, #tpu.memory_space<vmem>>, vector<10000xf32>,
    %slice3A_359 = vector.extract_strided_slice %dot_general3A_5 {offsets = [89, 0], sizes = [1, 10000], strides = [1, 1]} : vector<128x10240xf32> to vector<1x10000xf32>
    %squeeze3A_360 = vector.shape_cast %slice3A_359 : vector<1x10000xf32> to vector<10000xf32>
    %swap3A_361 = arith.constant 890000 : index
    %swap3A_362 = vector.load %arg3[%swap3A_361] : memref<1280000xf32, #tpu.memory_space<vmem>>, vector<10000xf32>
    tpu.vector_store %arg3[%swap3A_361], %squeeze3A_360 {strides = array<i32>} : memref<1280000xf32, #tpu.memory_space<vmem>>, vector<10000xf32>,
    %slice3A_363 = vector.extract_strided_slice %dot_general3A_5 {offsets = [90, 0], sizes = [1, 10000], strides = [1, 1]} : vector<128x10240xf32> to vector<1x10000xf32>
    %squeeze3A_364 = vector.shape_cast %slice3A_363 : vector<1x10000xf32> to vector<10000xf32>
    %swap3A_365 = arith.constant 900000 : index
    %swap3A_366 = vector.load %arg3[%swap3A_365] : memref<1280000xf32, #tpu.memory_space<vmem>>, vector<10000xf32>
    tpu.vector_store %arg3[%swap3A_365], %squeeze3A_364 {strides = array<i32>} : memref<1280000xf32, #tpu.memory_space<vmem>>, vector<10000xf32>,
    %slice3A_367 = vector.extract_strided_slice %dot_general3A_5 {offsets = [91, 0], sizes = [1, 10000], strides = [1, 1]} : vector<128x10240xf32> to vector<1x10000xf32>
    %squeeze3A_368 = vector.shape_cast %slice3A_367 : vector<1x10000xf32> to vector<10000xf32>
    %swap3A_369 = arith.constant 910000 : index
    %swap3A_370 = vector.load %arg3[%swap3A_369] : memref<1280000xf32, #tpu.memory_space<vmem>>, vector<10000xf32>
    tpu.vector_store %arg3[%swap3A_369], %squeeze3A_368 {strides = array<i32>} : memref<1280000xf32, #tpu.memory_space<vmem>>, vector<10000xf32>,
    %slice3A_371 = vector.extract_strided_slice %dot_general3A_5 {offsets = [92, 0], sizes = [1, 10000], strides = [1, 1]} : vector<128x10240xf32> to vector<1x10000xf32>
    %squeeze3A_372 = vector.shape_cast %slice3A_371 : vector<1x10000xf32> to vector<10000xf32>
    %swap3A_373 = arith.constant 920000 : index
    %swap3A_374 = vector.load %arg3[%swap3A_373] : memref<1280000xf32, #tpu.memory_space<vmem>>, vector<10000xf32>
    tpu.vector_store %arg3[%swap3A_373], %squeeze3A_372 {strides = array<i32>} : memref<1280000xf32, #tpu.memory_space<vmem>>, vector<10000xf32>,
    %slice3A_375 = vector.extract_strided_slice %dot_general3A_5 {offsets = [93, 0], sizes = [1, 10000], strides = [1, 1]} : vector<128x10240xf32> to vector<1x10000xf32>
    %squeeze3A_376 = vector.shape_cast %slice3A_375 : vector<1x10000xf32> to vector<10000xf32>
    %swap3A_377 = arith.constant 930000 : index
    %swap3A_378 = vector.load %arg3[%swap3A_377] : memref<1280000xf32, #tpu.memory_space<vmem>>, vector<10000xf32>
    tpu.vector_store %arg3[%swap3A_377], %squeeze3A_376 {strides = array<i32>} : memref<1280000xf32, #tpu.memory_space<vmem>>, vector<10000xf32>,
    %slice3A_379 = vector.extract_strided_slice %dot_general3A_5 {offsets = [94, 0], sizes = [1, 10000], strides = [1, 1]} : vector<128x10240xf32> to vector<1x10000xf32>
    %squeeze3A_380 = vector.shape_cast %slice3A_379 : vector<1x10000xf32> to vector<10000xf32>
    %swap3A_381 = arith.constant 940000 : index
    %swap3A_382 = vector.load %arg3[%swap3A_381] : memref<1280000xf32, #tpu.memory_space<vmem>>, vector<10000xf32>
    tpu.vector_store %arg3[%swap3A_381], %squeeze3A_380 {strides = array<i32>} : memref<1280000xf32, #tpu.memory_space<vmem>>, vector<10000xf32>,
    %slice3A_383 = vector.extract_strided_slice %dot_general3A_5 {offsets = [95, 0], sizes = [1, 10000], strides = [1, 1]} : vector<128x10240xf32> to vector<1x10000xf32>
    %squeeze3A_384 = vector.shape_cast %slice3A_383 : vector<1x10000xf32> to vector<10000xf32>
    %swap3A_385 = arith.constant 950000 : index
    %swap3A_386 = vector.load %arg3[%swap3A_385] : memref<1280000xf32, #tpu.memory_space<vmem>>, vector<10000xf32>
    tpu.vector_store %arg3[%swap3A_385], %squeeze3A_384 {strides = array<i32>} : memref<1280000xf32, #tpu.memory_space<vmem>>, vector<10000xf32>,
    %slice3A_387 = vector.extract_strided_slice %dot_general3A_5 {offsets = [96, 0], sizes = [1, 10000], strides = [1, 1]} : vector<128x10240xf32> to vector<1x10000xf32>
    %squeeze3A_388 = vector.shape_cast %slice3A_387 : vector<1x10000xf32> to vector<10000xf32>
    %swap3A_389 = arith.constant 960000 : index
    %swap3A_390 = vector.load %arg3[%swap3A_389] : memref<1280000xf32, #tpu.memory_space<vmem>>, vector<10000xf32>
    tpu.vector_store %arg3[%swap3A_389], %squeeze3A_388 {strides = array<i32>} : memref<1280000xf32, #tpu.memory_space<vmem>>, vector<10000xf32>,
    %slice3A_391 = vector.extract_strided_slice %dot_general3A_5 {offsets = [97, 0], sizes = [1, 10000], strides = [1, 1]} : vector<128x10240xf32> to vector<1x10000xf32>
    %squeeze3A_392 = vector.shape_cast %slice3A_391 : vector<1x10000xf32> to vector<10000xf32>
    %swap3A_393 = arith.constant 970000 : index
    %swap3A_394 = vector.load %arg3[%swap3A_393] : memref<1280000xf32, #tpu.memory_space<vmem>>, vector<10000xf32>
    tpu.vector_store %arg3[%swap3A_393], %squeeze3A_392 {strides = array<i32>} : memref<1280000xf32, #tpu.memory_space<vmem>>, vector<10000xf32>,
    %slice3A_395 = vector.extract_strided_slice %dot_general3A_5 {offsets = [98, 0], sizes = [1, 10000], strides = [1, 1]} : vector<128x10240xf32> to vector<1x10000xf32>
    %squeeze3A_396 = vector.shape_cast %slice3A_395 : vector<1x10000xf32> to vector<10000xf32>
    %swap3A_397 = arith.constant 980000 : index
    %swap3A_398 = vector.load %arg3[%swap3A_397] : memref<1280000xf32, #tpu.memory_space<vmem>>, vector<10000xf32>
    tpu.vector_store %arg3[%swap3A_397], %squeeze3A_396 {strides = array<i32>} : memref<1280000xf32, #tpu.memory_space<vmem>>, vector<10000xf32>,
    %slice3A_399 = vector.extract_strided_slice %dot_general3A_5 {offsets = [99, 0], sizes = [1, 10000], strides = [1, 1]} : vector<128x10240xf32> to vector<1x10000xf32>
    %squeeze3A_400 = vector.shape_cast %slice3A_399 : vector<1x10000xf32> to vector<10000xf32>
    %swap3A_401 = arith.constant 990000 : index
    %swap3A_402 = vector.load %arg3[%swap3A_401] : memref<1280000xf32, #tpu.memory_space<vmem>>, vector<10000xf32>
    tpu.vector_store %arg3[%swap3A_401], %squeeze3A_400 {strides = array<i32>} : memref<1280000xf32, #tpu.memory_space<vmem>>, vector<10000xf32>,
    %slice3A_403 = vector.extract_strided_slice %dot_general3A_5 {offsets = [100, 0], sizes = [1, 10000], strides = [1, 1]} : vector<128x10240xf32> to vector<1x10000xf32>
    %squeeze3A_404 = vector.shape_cast %slice3A_403 : vector<1x10000xf32> to vector<10000xf32>
    %swap3A_405 = arith.constant 1000000 : index
    %swap3A_406 = vector.load %arg3[%swap3A_405] : memref<1280000xf32, #tpu.memory_space<vmem>>, vector<10000xf32>
    tpu.vector_store %arg3[%swap3A_405], %squeeze3A_404 {strides = array<i32>} : memref<1280000xf32, #tpu.memory_space<vmem>>, vector<10000xf32>,
    %slice3A_407 = vector.extract_strided_slice %dot_general3A_5 {offsets = [101, 0], sizes = [1, 10000], strides = [1, 1]} : vector<128x10240xf32> to vector<1x10000xf32>
    %squeeze3A_408 = vector.shape_cast %slice3A_407 : vector<1x10000xf32> to vector<10000xf32>
    %swap3A_409 = arith.constant 1010000 : index
    %swap3A_410 = vector.load %arg3[%swap3A_409] : memref<1280000xf32, #tpu.memory_space<vmem>>, vector<10000xf32>
    tpu.vector_store %arg3[%swap3A_409], %squeeze3A_408 {strides = array<i32>} : memref<1280000xf32, #tpu.memory_space<vmem>>, vector<10000xf32>,
    %slice3A_411 = vector.extract_strided_slice %dot_general3A_5 {offsets = [102, 0], sizes = [1, 10000], strides = [1, 1]} : vector<128x10240xf32> to vector<1x10000xf32>
    %squeeze3A_412 = vector.shape_cast %slice3A_411 : vector<1x10000xf32> to vector<10000xf32>
    %swap3A_413 = arith.constant 1020000 : index
    %swap3A_414 = vector.load %arg3[%swap3A_413] : memref<1280000xf32, #tpu.memory_space<vmem>>, vector<10000xf32>
    tpu.vector_store %arg3[%swap3A_413], %squeeze3A_412 {strides = array<i32>} : memref<1280000xf32, #tpu.memory_space<vmem>>, vector<10000xf32>,
    %slice3A_415 = vector.extract_strided_slice %dot_general3A_5 {offsets = [103, 0], sizes = [1, 10000], strides = [1, 1]} : vector<128x10240xf32> to vector<1x10000xf32>
    %squeeze3A_416 = vector.shape_cast %slice3A_415 : vector<1x10000xf32> to vector<10000xf32>
    %swap3A_417 = arith.constant 1030000 : index
    %swap3A_418 = vector.load %arg3[%swap3A_417] : memref<1280000xf32, #tpu.memory_space<vmem>>, vector<10000xf32>
    tpu.vector_store %arg3[%swap3A_417], %squeeze3A_416 {strides = array<i32>} : memref<1280000xf32, #tpu.memory_space<vmem>>, vector<10000xf32>,
    %slice3A_419 = vector.extract_strided_slice %dot_general3A_5 {offsets = [104, 0], sizes = [1, 10000], strides = [1, 1]} : vector<128x10240xf32> to vector<1x10000xf32>
    %squeeze3A_420 = vector.shape_cast %slice3A_419 : vector<1x10000xf32> to vector<10000xf32>
    %swap3A_421 = arith.constant 1040000 : index
    %swap3A_422 = vector.load %arg3[%swap3A_421] : memref<1280000xf32, #tpu.memory_space<vmem>>, vector<10000xf32>
    tpu.vector_store %arg3[%swap3A_421], %squeeze3A_420 {strides = array<i32>} : memref<1280000xf32, #tpu.memory_space<vmem>>, vector<10000xf32>,
    %slice3A_423 = vector.extract_strided_slice %dot_general3A_5 {offsets = [105, 0], sizes = [1, 10000], strides = [1, 1]} : vector<128x10240xf32> to vector<1x10000xf32>
    %squeeze3A_424 = vector.shape_cast %slice3A_423 : vector<1x10000xf32> to vector<10000xf32>
    %swap3A_425 = arith.constant 1050000 : index
    %swap3A_426 = vector.load %arg3[%swap3A_425] : memref<1280000xf32, #tpu.memory_space<vmem>>, vector<10000xf32>
    tpu.vector_store %arg3[%swap3A_425], %squeeze3A_424 {strides = array<i32>} : memref<1280000xf32, #tpu.memory_space<vmem>>, vector<10000xf32>,
    %slice3A_427 = vector.extract_strided_slice %dot_general3A_5 {offsets = [106, 0], sizes = [1, 10000], strides = [1, 1]} : vector<128x10240xf32> to vector<1x10000xf32>
    %squeeze3A_428 = vector.shape_cast %slice3A_427 : vector<1x10000xf32> to vector<10000xf32>
    %swap3A_429 = arith.constant 1060000 : index
    %swap3A_430 = vector.load %arg3[%swap3A_429] : memref<1280000xf32, #tpu.memory_space<vmem>>, vector<10000xf32>
    tpu.vector_store %arg3[%swap3A_429], %squeeze3A_428 {strides = array<i32>} : memref<1280000xf32, #tpu.memory_space<vmem>>, vector<10000xf32>,
    %slice3A_431 = vector.extract_strided_slice %dot_general3A_5 {offsets = [107, 0], sizes = [1, 10000], strides = [1, 1]} : vector<128x10240xf32> to vector<1x10000xf32>
    %squeeze3A_432 = vector.shape_cast %slice3A_431 : vector<1x10000xf32> to vector<10000xf32>
    %swap3A_433 = arith.constant 1070000 : index
    %swap3A_434 = vector.load %arg3[%swap3A_433] : memref<1280000xf32, #tpu.memory_space<vmem>>, vector<10000xf32>
    tpu.vector_store %arg3[%swap3A_433], %squeeze3A_432 {strides = array<i32>} : memref<1280000xf32, #tpu.memory_space<vmem>>, vector<10000xf32>,
    %slice3A_435 = vector.extract_strided_slice %dot_general3A_5 {offsets = [108, 0], sizes = [1, 10000], strides = [1, 1]} : vector<128x10240xf32> to vector<1x10000xf32>
    %squeeze3A_436 = vector.shape_cast %slice3A_435 : vector<1x10000xf32> to vector<10000xf32>
    %swap3A_437 = arith.constant 1080000 : index
    %swap3A_438 = vector.load %arg3[%swap3A_437] : memref<1280000xf32, #tpu.memory_space<vmem>>, vector<10000xf32>
    tpu.vector_store %arg3[%swap3A_437], %squeeze3A_436 {strides = array<i32>} : memref<1280000xf32, #tpu.memory_space<vmem>>, vector<10000xf32>,
    %slice3A_439 = vector.extract_strided_slice %dot_general3A_5 {offsets = [109, 0], sizes = [1, 10000], strides = [1, 1]} : vector<128x10240xf32> to vector<1x10000xf32>
    %squeeze3A_440 = vector.shape_cast %slice3A_439 : vector<1x10000xf32> to vector<10000xf32>
    %swap3A_441 = arith.constant 1090000 : index
    %swap3A_442 = vector.load %arg3[%swap3A_441] : memref<1280000xf32, #tpu.memory_space<vmem>>, vector<10000xf32>
    tpu.vector_store %arg3[%swap3A_441], %squeeze3A_440 {strides = array<i32>} : memref<1280000xf32, #tpu.memory_space<vmem>>, vector<10000xf32>,
    %slice3A_443 = vector.extract_strided_slice %dot_general3A_5 {offsets = [110, 0], sizes = [1, 10000], strides = [1, 1]} : vector<128x10240xf32> to vector<1x10000xf32>
    %squeeze3A_444 = vector.shape_cast %slice3A_443 : vector<1x10000xf32> to vector<10000xf32>
    %swap3A_445 = arith.constant 1100000 : index
    %swap3A_446 = vector.load %arg3[%swap3A_445] : memref<1280000xf32, #tpu.memory_space<vmem>>, vector<10000xf32>
    tpu.vector_store %arg3[%swap3A_445], %squeeze3A_444 {strides = array<i32>} : memref<1280000xf32, #tpu.memory_space<vmem>>, vector<10000xf32>,
    %slice3A_447 = vector.extract_strided_slice %dot_general3A_5 {offsets = [111, 0], sizes = [1, 10000], strides = [1, 1]} : vector<128x10240xf32> to vector<1x10000xf32>
    %squeeze3A_448 = vector.shape_cast %slice3A_447 : vector<1x10000xf32> to vector<10000xf32>
    %swap3A_449 = arith.constant 1110000 : index
    %swap3A_450 = vector.load %arg3[%swap3A_449] : memref<1280000xf32, #tpu.memory_space<vmem>>, vector<10000xf32>
    tpu.vector_store %arg3[%swap3A_449], %squeeze3A_448 {strides = array<i32>} : memref<1280000xf32, #tpu.memory_space<vmem>>, vector<10000xf32>,
    %slice3A_451 = vector.extract_strided_slice %dot_general3A_5 {offsets = [112, 0], sizes = [1, 10000], strides = [1, 1]} : vector<128x10240xf32> to vector<1x10000xf32>
    %squeeze3A_452 = vector.shape_cast %slice3A_451 : vector<1x10000xf32> to vector<10000xf32>
    %swap3A_453 = arith.constant 1120000 : index
    %swap3A_454 = vector.load %arg3[%swap3A_453] : memref<1280000xf32, #tpu.memory_space<vmem>>, vector<10000xf32>
    tpu.vector_store %arg3[%swap3A_453], %squeeze3A_452 {strides = array<i32>} : memref<1280000xf32, #tpu.memory_space<vmem>>, vector<10000xf32>,
    %slice3A_455 = vector.extract_strided_slice %dot_general3A_5 {offsets = [113, 0], sizes = [1, 10000], strides = [1, 1]} : vector<128x10240xf32> to vector<1x10000xf32>
    %squeeze3A_456 = vector.shape_cast %slice3A_455 : vector<1x10000xf32> to vector<10000xf32>
    %swap3A_457 = arith.constant 1130000 : index
    %swap3A_458 = vector.load %arg3[%swap3A_457] : memref<1280000xf32, #tpu.memory_space<vmem>>, vector<10000xf32>
    tpu.vector_store %arg3[%swap3A_457], %squeeze3A_456 {strides = array<i32>} : memref<1280000xf32, #tpu.memory_space<vmem>>, vector<10000xf32>,
    %slice3A_459 = vector.extract_strided_slice %dot_general3A_5 {offsets = [114, 0], sizes = [1, 10000], strides = [1, 1]} : vector<128x10240xf32> to vector<1x10000xf32>
    %squeeze3A_460 = vector.shape_cast %slice3A_459 : vector<1x10000xf32> to vector<10000xf32>
    %swap3A_461 = arith.constant 1140000 : index
    %swap3A_462 = vector.load %arg3[%swap3A_461] : memref<1280000xf32, #tpu.memory_space<vmem>>, vector<10000xf32>
    tpu.vector_store %arg3[%swap3A_461], %squeeze3A_460 {strides = array<i32>} : memref<1280000xf32, #tpu.memory_space<vmem>>, vector<10000xf32>,
    %slice3A_463 = vector.extract_strided_slice %dot_general3A_5 {offsets = [115, 0], sizes = [1, 10000], strides = [1, 1]} : vector<128x10240xf32> to vector<1x10000xf32>
    %squeeze3A_464 = vector.shape_cast %slice3A_463 : vector<1x10000xf32> to vector<10000xf32>
    %swap3A_465 = arith.constant 1150000 : index
    %swap3A_466 = vector.load %arg3[%swap3A_465] : memref<1280000xf32, #tpu.memory_space<vmem>>, vector<10000xf32>
    tpu.vector_store %arg3[%swap3A_465], %squeeze3A_464 {strides = array<i32>} : memref<1280000xf32, #tpu.memory_space<vmem>>, vector<10000xf32>,
    %slice3A_467 = vector.extract_strided_slice %dot_general3A_5 {offsets = [116, 0], sizes = [1, 10000], strides = [1, 1]} : vector<128x10240xf32> to vector<1x10000xf32>
    %squeeze3A_468 = vector.shape_cast %slice3A_467 : vector<1x10000xf32> to vector<10000xf32>
    %swap3A_469 = arith.constant 1160000 : index
    %swap3A_470 = vector.load %arg3[%swap3A_469] : memref<1280000xf32, #tpu.memory_space<vmem>>, vector<10000xf32>
    tpu.vector_store %arg3[%swap3A_469], %squeeze3A_468 {strides = array<i32>} : memref<1280000xf32, #tpu.memory_space<vmem>>, vector<10000xf32>,
    %slice3A_471 = vector.extract_strided_slice %dot_general3A_5 {offsets = [117, 0], sizes = [1, 10000], strides = [1, 1]} : vector<128x10240xf32> to vector<1x10000xf32>
    %squeeze3A_472 = vector.shape_cast %slice3A_471 : vector<1x10000xf32> to vector<10000xf32>
    %swap3A_473 = arith.constant 1170000 : index
    %swap3A_474 = vector.load %arg3[%swap3A_473] : memref<1280000xf32, #tpu.memory_space<vmem>>, vector<10000xf32>
    tpu.vector_store %arg3[%swap3A_473], %squeeze3A_472 {strides = array<i32>} : memref<1280000xf32, #tpu.memory_space<vmem>>, vector<10000xf32>,
    %slice3A_475 = vector.extract_strided_slice %dot_general3A_5 {offsets = [118, 0], sizes = [1, 10000], strides = [1, 1]} : vector<128x10240xf32> to vector<1x10000xf32>
    %squeeze3A_476 = vector.shape_cast %slice3A_475 : vector<1x10000xf32> to vector<10000xf32>
    %swap3A_477 = arith.constant 1180000 : index
    %swap3A_478 = vector.load %arg3[%swap3A_477] : memref<1280000xf32, #tpu.memory_space<vmem>>, vector<10000xf32>
    tpu.vector_store %arg3[%swap3A_477], %squeeze3A_476 {strides = array<i32>} : memref<1280000xf32, #tpu.memory_space<vmem>>, vector<10000xf32>,
    %slice3A_479 = vector.extract_strided_slice %dot_general3A_5 {offsets = [119, 0], sizes = [1, 10000], strides = [1, 1]} : vector<128x10240xf32> to vector<1x10000xf32>
    %squeeze3A_480 = vector.shape_cast %slice3A_479 : vector<1x10000xf32> to vector<10000xf32>
    %swap3A_481 = arith.constant 1190000 : index
    %swap3A_482 = vector.load %arg3[%swap3A_481] : memref<1280000xf32, #tpu.memory_space<vmem>>, vector<10000xf32>
    tpu.vector_store %arg3[%swap3A_481], %squeeze3A_480 {strides = array<i32>} : memref<1280000xf32, #tpu.memory_space<vmem>>, vector<10000xf32>,
    %slice3A_483 = vector.extract_strided_slice %dot_general3A_5 {offsets = [120, 0], sizes = [1, 10000], strides = [1, 1]} : vector<128x10240xf32> to vector<1x10000xf32>
    %squeeze3A_484 = vector.shape_cast %slice3A_483 : vector<1x10000xf32> to vector<10000xf32>
    %swap3A_485 = arith.constant 1200000 : index
    %swap3A_486 = vector.load %arg3[%swap3A_485] : memref<1280000xf32, #tpu.memory_space<vmem>>, vector<10000xf32>
    tpu.vector_store %arg3[%swap3A_485], %squeeze3A_484 {strides = array<i32>} : memref<1280000xf32, #tpu.memory_space<vmem>>, vector<10000xf32>,
    %slice3A_487 = vector.extract_strided_slice %dot_general3A_5 {offsets = [121, 0], sizes = [1, 10000], strides = [1, 1]} : vector<128x10240xf32> to vector<1x10000xf32>
    %squeeze3A_488 = vector.shape_cast %slice3A_487 : vector<1x10000xf32> to vector<10000xf32>
    %swap3A_489 = arith.constant 1210000 : index
    %swap3A_490 = vector.load %arg3[%swap3A_489] : memref<1280000xf32, #tpu.memory_space<vmem>>, vector<10000xf32>
    tpu.vector_store %arg3[%swap3A_489], %squeeze3A_488 {strides = array<i32>} : memref<1280000xf32, #tpu.memory_space<vmem>>, vector<10000xf32>,
    %slice3A_491 = vector.extract_strided_slice %dot_general3A_5 {offsets = [122, 0], sizes = [1, 10000], strides = [1, 1]} : vector<128x10240xf32> to vector<1x10000xf32>
    %squeeze3A_492 = vector.shape_cast %slice3A_491 : vector<1x10000xf32> to vector<10000xf32>
    %swap3A_493 = arith.constant 1220000 : index
    %swap3A_494 = vector.load %arg3[%swap3A_493] : memref<1280000xf32, #tpu.memory_space<vmem>>, vector<10000xf32>
    tpu.vector_store %arg3[%swap3A_493], %squeeze3A_492 {strides = array<i32>} : memref<1280000xf32, #tpu.memory_space<vmem>>, vector<10000xf32>,
    %slice3A_495 = vector.extract_strided_slice %dot_general3A_5 {offsets = [123, 0], sizes = [1, 10000], strides = [1, 1]} : vector<128x10240xf32> to vector<1x10000xf32>
    %squeeze3A_496 = vector.shape_cast %slice3A_495 : vector<1x10000xf32> to vector<10000xf32>
    %swap3A_497 = arith.constant 1230000 : index
    %swap3A_498 = vector.load %arg3[%swap3A_497] : memref<1280000xf32, #tpu.memory_space<vmem>>, vector<10000xf32>
    tpu.vector_store %arg3[%swap3A_497], %squeeze3A_496 {strides = array<i32>} : memref<1280000xf32, #tpu.memory_space<vmem>>, vector<10000xf32>,
    %slice3A_499 = vector.extract_strided_slice %dot_general3A_5 {offsets = [124, 0], sizes = [1, 10000], strides = [1, 1]} : vector<128x10240xf32> to vector<1x10000xf32>
    %squeeze3A_500 = vector.shape_cast %slice3A_499 : vector<1x10000xf32> to vector<10000xf32>
    %swap3A_501 = arith.constant 1240000 : index
    %swap3A_502 = vector.load %arg3[%swap3A_501] : memref<1280000xf32, #tpu.memory_space<vmem>>, vector<10000xf32>
    tpu.vector_store %arg3[%swap3A_501], %squeeze3A_500 {strides = array<i32>} : memref<1280000xf32, #tpu.memory_space<vmem>>, vector<10000xf32>,
    %slice3A_503 = vector.extract_strided_slice %dot_general3A_5 {offsets = [125, 0], sizes = [1, 10000], strides = [1, 1]} : vector<128x10240xf32> to vector<1x10000xf32>
    %squeeze3A_504 = vector.shape_cast %slice3A_503 : vector<1x10000xf32> to vector<10000xf32>
    %swap3A_505 = arith.constant 1250000 : index
    %swap3A_506 = vector.load %arg3[%swap3A_505] : memref<1280000xf32, #tpu.memory_space<vmem>>, vector<10000xf32>
    tpu.vector_store %arg3[%swap3A_505], %squeeze3A_504 {strides = array<i32>} : memref<1280000xf32, #tpu.memory_space<vmem>>, vector<10000xf32>,
    %slice3A_507 = vector.extract_strided_slice %dot_general3A_5 {offsets = [126, 0], sizes = [1, 10000], strides = [1, 1]} : vector<128x10240xf32> to vector<1x10000xf32>
    %squeeze3A_508 = vector.shape_cast %slice3A_507 : vector<1x10000xf32> to vector<10000xf32>
    %swap3A_509 = arith.constant 1260000 : index
    %swap3A_510 = vector.load %arg3[%swap3A_509] : memref<1280000xf32, #tpu.memory_space<vmem>>, vector<10000xf32>
    tpu.vector_store %arg3[%swap3A_509], %squeeze3A_508 {strides = array<i32>} : memref<1280000xf32, #tpu.memory_space<vmem>>, vector<10000xf32>,
    %slice3A_511 = vector.extract_strided_slice %dot_general3A_5 {offsets = [127, 0], sizes = [1, 10000], strides = [1, 1]} : vector<128x10240xf32> to vector<1x10000xf32>
    %squeeze3A_512 = vector.shape_cast %slice3A_511 : vector<1x10000xf32> to vector<10000xf32>
    %swap3A_513 = arith.constant 1270000 : index
    %swap3A_514 = vector.load %arg3[%swap3A_513] : memref<1280000xf32, #tpu.memory_space<vmem>>, vector<10000xf32>
    tpu.vector_store %arg3[%swap3A_513], %squeeze3A_512 {strides = array<i32>} : memref<1280000xf32, #tpu.memory_space<vmem>>, vector<10000xf32>,
    return
  }
  func.func @transform_0(%arg0: i32) -> (i32, i32) {
    %c0_i32 = arith.constant 0 : i32
    %c0_i32_0 = arith.constant 0 : i32
    return %arg0, %c0_i32 : i32, i32
  }
  func.func @transform_1(%arg0: i32) -> (i32, i32) {
    %c0_i32 = arith.constant 0 : i32
    %c0_i32_0 = arith.constant 0 : i32
    %c0_i32_1 = arith.constant 0 : i32
    return %c0_i32, %c0_i32_0 : i32, i32
  }
  func.func @transform_2(%arg0: i32) -> i32 {
    %c0_i32 = arith.constant 0 : i32
    return %arg0 : i32
  }
}

</mosaic_0001>

<sc_bundles>
// kernel: kernel.11.cloned.1.call-start
scs
__scs_entry_jumppad:
0x0: {  	(pc) =	sbr.rel $0x88, $3  }
0x1: {  	(tag) =	ssettag $0x0;
	lr =	simm.s32 $0x1  }
0x2: {  	[smem:$0x3F9B] =	sst lr;
	_ =	strace $0xD0000000  }
0x3: {  	_ = 	snop  }
0x4: {  	_ = 	snop  }
0x5: {  	_ = 	snop  }
0x6: {  	_ = 	snop  }
0x7: {  	_ = 	snop  }
__scs_overlays_trampoline_lowered:
0x8: {  	[smem:$0x3FAA] =	sst s0  }
0x9: {  	[smem:$0x3FAB] =	sst s1  }
0xa: {  	[smem:$0x3FAC] =	sst s2  }
0xb: {  	[smem:$0x3FAD] =	sst s3  }
0xc: {  	[smem:$0x3FAE] =	sst s4  }
0xd: {  	[smem:$0x3FAF] =	sst s5  }
0xe: {  	[smem:$0x3FB0] =	sst s6  }
0xf: {  	[smem:$0x3FB1] =	sst s7  }
0x10: {  	[smem:$0x3FB2] =	sst s8  }
0x11: {  	[smem:$0x3FB3] =	sst s9;
	s0 =	simm.s32 @!p0 $0x0  }
0x12: {  	s1 =	sld [smem:$0x3F99];
	s0 =	simm.s32 @p0 $0x1  }
0x13: {  	[smem:$0x3FB4] =	sst s0;
	s0 =	simm.s32 @!p1 $0x0  }
0x14: {  	s2 =	sld [smem:$0x3F98];
	s0 =	simm.s32 @p1 $0x1  }
0x15: {  	[smem:$0x3FB5] =	sst s0;
	s0 =	simm.s32 @!p2 $0x0  }
0x16: {  	s3 =	sld [smem:$0x3FDB];
	s0 =	simm.s32 @p2 $0x1  }
0x17: {  	s4 =	simm.s32 $0x1BF5;
	[smem:$0x3FB7] =	sst s0  }
0x18: {  	s0 =	sld [smem:$0x3F9A];
	_ =	swait.ge [sflag:s4], $0x0  }
0x19: {  	s7 =	sld [smem:$0x3F9B]  }
0x1a: {  	s8 =	sadd.s32 $0xFFFFE003, lr  }
0x1b: {  	s9 =	sadd.s32 $0xFFFFFEF7, lr;
	s5 =	simm.s32 $0xFFFFFFFF;
	p2 =	slt.u32 s8, $0xFFFFF086  }
0x1c: {  	p1 =	slt.u32 s9, $0xF7A;
	s5 =	simm.s32 @!p2 $0x0  }
0x1d: {  	s5 =	simm.s32 @p1 $0x1;
	p0 =	seq.s32 s7, s2  }
0x1e: {  	s7 =	smul.u32 @!p0 $0xF7A, s2;
	p2 =	seq.s32 @!p0 s5, $0x0  }
0x1f: {  	s9 =	smul.u32 $0xF7A, s1;
	s8 =	simm.s32 @!p0 $0x1BF5;
	p2 =	por !p2, p0  }
0x20: {  	[sflag:s8] =	ssyncset.s32 @!p0 $0xFFFFF086;
	s6 =	sadd.s32 @!p0 s3, s7;
	s7 =	simm.s32 @!p0 $0x108  }
0x21: {  	s3 =	sadd.s32 s3, s9;
	s6 =	sadd.s32 @!p0 $0x88, s6;
	s7 =	simm.s32 @p2 $0x1082  }
0x22: {  	[simem:s7], [sflag:s8] =	dma.local @!p0 [hbm:s6], $0xF7A  }
0x23: {  	s9 =	sor.u32 $0xD0000000, s2;
	s6 =	simm.s32 $0x108;
	_ =	swait.ge @!p0 [sflag:s8], $0x0  }
0x24: {  	s3 =	sadd.s32 $0x88, s3;
	s6 =	simm.s32 @!p1 $0x1082;
	[sflag:s4] =	ssyncset.s32 $0xFFFFF086  }
0x25: {  	[simem:s6], [sflag:s4] =	dma.local [hbm:s3], $0xF7A  }
0x26: {  	[smem:$0x3F9B] =	sst s1;
	(tag) =	ssettag s2;
	_ =	strace s9  }
0x27: {  	s1 =	sld [smem:$0x3FAB]  }
0x28: {  	s2 =	sld [smem:$0x3FAC]  }
0x29: {  	s4 =	sld [smem:$0x3FAE]  }
0x2a: {  	p0 =	seq.s32 s5, $0x0;
	s5 =	sld [smem:$0x3FAF]  }
0x2b: {  	s6 =	sld [smem:$0x3FB0]  }
0x2c: {  	s7 =	sld [smem:$0x3FB1]  }
0x2d: {  	s3 =	simm.s32 $0x108;
	s8 =	sld [smem:$0x3FB2]  }
0x2e: {  	s3 =	simm.s32 @!p0 $0x1082;
	s9 =	sld [smem:$0x3FB3]  }
0x2f: {  	lr =	sadd.s32 s0, s3;
	s0 =	sld [smem:$0x3FAA]  }
0x30: {  	s3 =	sld [smem:$0x3FAD]  }
0x31: {  	[smem:$0x3FB6] =	sst s10  }
0x32: {  	s10 =	sld [smem:$0x3FB4];
	_ =	sdelay $0x3  }
0x33: {  	p0 =	seq.s32 s10, $0x1;
	s10 =	sld [smem:$0x3FB6];
	_ =	sdelay $0x3  }
0x34: {  	[smem:$0x3FB6] =	sst s10  }
0x35: {  	s10 =	sld [smem:$0x3FB5];
	_ =	sdelay $0x3  }
0x36: {  	p1 =	seq.s32 s10, $0x1;
	s10 =	sld [smem:$0x3FB6];
	_ =	sdelay $0x3  }
0x37: {  	[smem:$0x3FB6] =	sst s10  }
0x38: {  	s10 =	sld [smem:$0x3FB7]  }
0x39: {  	_ = 	snop;
	(pc) =	sbr.ind lr, $3  }
0x3a: {  	_ = 	snop  }
0x3b: {  	_ = 	snop  }
0x3c: {  	p2 =	seq.s32 s10, $0x1;
	s10 =	sld [smem:$0x3FB6]  }
0x3d: {  	_ =	shalt  }
0x3e: {  	_ =	shalt  }
0x3f: {  	_ =	shalt  }
0x40: {  	_ =	shalt  }
0x41: {  	_ =	shalt  }
0x42: {  	_ =	shalt  }
0x43: {  	_ =	shalt  }
0x44: {  	_ =	shalt  }
0x45: {  	_ =	shalt  }
0x46: {  	_ =	shalt  }
0x47: {  	_ =	shalt  }
0x48: {  	_ =	shalt  }
0x49: {  	_ =	shalt  }
0x4a: {  	_ =	shalt  }
0x4b: {  	_ =	shalt  }
0x4c: {  	_ =	shalt  }
0x4d: {  	_ =	shalt  }
0x4e: {  	_ =	shalt  }
0x4f: {  	_ =	shalt  }
0x50: {  	_ =	shalt  }
0x51: {  	_ =	shalt  }
0x52: {  	_ =	shalt  }
0x53: {  	_ =	shalt  }
0x54: {  	_ =	shalt  }
0x55: {  	_ =	shalt  }
0x56: {  	_ =	shalt  }
0x57: {  	_ =	shalt  }
0x58: {  	_ =	shalt  }
0x59: {  	_ =	shalt  }
0x5a: {  	_ =	shalt  }
0x5b: {  	_ =	shalt  }
0x5c: {  	_ =	shalt  }
0x5d: {  	_ =	shalt  }
0x5e: {  	_ =	shalt  }
0x5f: {  	_ =	shalt  }
0x60: {  	_ =	shalt  }
0x61: {  	_ =	shalt  }
0x62: {  	_ =	shalt  }
0x63: {  	_ =	shalt  }
0x64: {  	_ =	shalt  }
0x65: {  	_ =	shalt  }
0x66: {  	_ =	shalt  }
0x67: {  	_ =	shalt  }
0x68: {  	_ =	shalt  }
0x69: {  	_ =	shalt  }
0x6a: {  	_ =	shalt  }
0x6b: {  	_ =	shalt  }
0x6c: {  	_ =	shalt  }
0x6d: {  	_ =	shalt  }
0x6e: {  	_ =	shalt  }
0x6f: {  	_ =	shalt  }
0x70: {  	_ =	shalt  }
0x71: {  	_ =	shalt  }
0x72: {  	_ =	shalt  }
0x73: {  	_ =	shalt  }
0x74: {  	_ =	shalt  }
0x75: {  	_ =	shalt  }
0x76: {  	_ =	shalt  }
0x77: {  	_ =	shalt  }
0x78: {  	_ =	shalt  }
0x79: {  	_ =	shalt  }
0x7a: {  	_ =	shalt  }
0x7b: {  	_ =	shalt  }
0x7c: {  	_ =	shalt  }
0x7d: {  	_ =	shalt  }
0x7e: {  	_ =	shalt  }
0x7f: {  	_ =	shalt  }
0x80: {  	_ =	shalt  }
0x81: {  	_ =	shalt  }
0x82: {  	_ =	shalt  }
0x83: {  	_ =	shalt  }
0x84: {  	_ =	shalt  }
0x85: {  	_ =	shalt  }
0x86: {  	_ =	shalt  }
0x87: {  	_ =	shalt  }
.Lfunc_end0:
.L_simem_size_0:
called_computation.1_lowered:
.L_overlay_start_0:
0x88: {  	s2 =	sld [smem:$0x3FD9]  }
0x89: {  	s3 =	sld [smem:$0x3FFE];
	_ =	sdelay $0x1  }
0x8a: {  	s1 =	srdreg.scid  }
0x8b: {  	s0 =	sand.u32 $0x1, s1  }
0x8c: {  	s17 =	sshll.u32 s0, $0xA;
	s2 =	sadd.s32 s3, s2  }
0x8d: {  	s2 =	sadd.s32 s2, s17  }
0x8e: {  	[smem:$0x3FC2] =	sst s2  }
0x8f: {  	_ = 	snop  }
0x90: {  	s2 =	sld [smem:$0x3FD0];
	(tm) =	ssettm $0x1  }
0x91: {  	s18 =	sld [smem:$0x3FFB];
	_ =	sdelay $0x3  }
0x92: {  	_ =	strace s18  }
0x93: {  	s3 =	sld [smem:$0x3FFC];
	_ =	sdelay $0x3  }
0x94: {  	_ =	strace s3  }
0x95: {  	s3 =	sld [smem:$0x3FFD];
	_ =	sdelay $0x3  }
0x96: {  	_ =	strace s3  }
0x97: {  	_ =	strace $0x8FFFFFFF  }
0x98: {  	s19 =	sld [smem:$0x3FDB];
	_ =	sdelay $0x1  }
0x99: {  	s4 =	simm.s32 $_scs_section_size  }
0x9a: {  	s5 =	simm.s32 $_size__tile_overlayer_lowered;
	s6 =	simm.s32 $_tile_overlayer_lowered  }
0x9b: {  	s22 =	simm.s32 $0x1BFF;
	s21 =	sshll.u32 s6, $0x1;
	s3 =	sadd.s32 s4, s19  }
0x9c: {  	s7 =	simm.s32 $0x0;
	s20 =	sshll.u32 s5, $0x1;
	s5 =	sadd.s32 s21, s3  }
0x9d: {  	[timem:s7], [sflag:s22] =	dma.local [hbm:s5], s20  }
0x9e: {  	_ =	swait.ge [sflag:s22], s20  }
0x9f: {  	s4 =	ssub.s32 $0x0, s20;
	[sflag:s22] =	ssyncset.done $0x0  }
0xa0: {  	[sflag:s22] =	ssyncadd.s32 s4;
	_ =	sdelay $0x1  }
0xa1: {  	s23 =	simm.s32 $0x1B8B  }
0xa2: {  	_ =	swait.ge [sflag:s23], $0x1  }
0xa3: {  	[sflag:s23] =	ssyncset.done $0x0  }
0xa4: {  	s25 =	simm.s32 $0x1B8E;
	s24 =	sld [smem:$0x3FFE];
	[sflag:s23] =	ssyncadd.s32 $0xFFFFFFFF  }
0xa5: {  	s26 =	simm.s32 $execute0_lowered;
	[smem:$0x3FD2] =	sst s25  }
0xa6: {  	s5 =	sshll.u32 s26, $0x1;
	_ =	strace $0x80000049;
	[dreg:$0x1] =	wrdreg $0xFFFFFFFF  }
0xa7: {  	s28 =	simm.s32 $_size_execute0_lowered;
	s3 =	sadd.s32 s3, s5;
	[dreg:$0x0] =	wrdreg $0x0  }
0xa8: {  	s5 =	sshll.u32 s28, $0x1;
	[dreg:$0x2] =	wrdreg s3  }
0xa9: {  	[dreg:$0x3] =	wrdreg s5  }
0xaa: {  	[dreg:$0x4] =	wrdreg $0xC0  }
0xab: {  	_ =	task [dreg:s7], $0x5FFFF  }
0xac: {  	[dreg:$0x1] =	wrdreg $0xFFFFFFFF  }
0xad: {  	[dreg:$0x0] =	wrdreg $0x60  }
0xae: {  	[dreg:$0x2] =	wrdreg s24  }
0xaf: {  	[dreg:$0x3] =	wrdreg s2  }
0xb0: {  	[dreg:$0x4] =	wrdreg $0xAF000  }
0xb1: {  	[dreg:$0x5] =	wrdreg $0x9  }
0xb2: {  	_ =	task.clear_ibuf [dreg:s7], $0x6FFFF;
	_ =	strace $0x90000049  }
0xb3: {  	s29 =	simm.s32 $0x9;
	_ =	strace $0x8000004B  }
0xb4: {  	_ =	swait.ge [sflag:s29], $0x1  }
0xb5: {  	[sflag:s29] =	ssyncadd.s32 $0xFFFFFFFF  }
0xb6: {  	_ =	strace $0x9000004B  }
0xb7: {  	_ =	sfence  }
0xb8: {  	s30 =	sld [smem:$0x0];
	_ =	sdelay $0x2  }
0xb9: {  	s31 =	sshll.u32 s1, $0xD;
	s1 =	sshrl.u32 s1, $0x2  }
0xba: {  	s3 =	sand.u32 $0x4000, s31;
	s1 =	sadd.s32 s1, s30  }
0xbb: {  	s0 =	sor.u32 s3, s0;
	s1 =	sshll.u32 s1, $0x11  }
0xbc: {  	s0 =	sor.u32 s1, s0  }
0xbd: {  	s0 =	sadd.s32 $0x8F2B, s0  }
0xbe: {  	[sflag:s0] =	ssyncadd.remote.s32 $0x1  }
0xbf: {  	_ =	sfence.sel $0xFFFF  }
0xc0: {  	[dreg:$0x0] =	wrdreg $0xFFFFFFFF;
	(pc) =	sbr.abs _section_cstart, $3  }
0xc1: {  	[dreg:$0x1] =	wrdreg $0xFFFFFFFF  }
0xc2: {  	_ =	task.clear_ibuf [dreg:s7], $0x2FFFF;
	_ =	strace $0x9FFFFFFF  }
0xc3: {  	(tm) =	ssettm $0x7FFFFFFF  }
tec
execute0_lowered:
.L_overlay_start_1:
0x0: {  	(tag) =	ssettag $0x1  }
0x1: {  	s0 =	rddreg [dreg:$0x0]  }
0x2: {  	s2 =	rddreg [dreg:$0x1]  }
0x3: {  	s1 =	rddreg [dreg:$0x2];
	s3 =	simm.s32 $0x0  }
0x4: {  	s15 =	stileid.u32;
	s5 =	srdreg.scid;
	s16 =	simm.s32 $0x4F00  }
0x5: {  	s19 =	simm.s32 $0x6F00;
	s28 =	simm.s32 $0x1;
	s29 =	simm.s32 $0x3  }
0x6: {  	s30 =	simm.s32 $0x5;
	s31 =	simm.s32 $0x6;
	[smem:$0x7FF] =	sst s3  }
0x7: {  	s4 =	sadd.s32 $0x14800, s0;
	s9 =	smul.u32 $0x5000, s15;
	s5 =	sand.u32 $0x1, s5  }
0x8: {  	s6 =	sshll.u32 s15, $0x1;
	s7 =	sadd.s32 $0xAA00, s0;
	s8 =	sadd.s32 $0xC00, s0  }
0x9: {  	p0 =	sgt.u32 s15, $0x1;
	s15 =	simm.s32 $0x80;
	_ =	strace $0x8000004A  }
0xa: {  	s6 =	sor.u32 s5, s6;
	s11 =	ssub.s32 $0x2, s5;
	s13 =	smul.u32 $0x50000, s5  }
0xb: {  	s10 =	sshrl.u32 s9, $0x3;
	s12 =	smul.u32 $0x4E0, s6;
	s20 =	sshrl.u32 s11, $0x1  }
0xc: {  	s22 =	sshll.u32 s6, $0x4;
	s0 =	sadd.s32 s10, s0;
	s14 =	ssub.s32 s11, s20  }
0xd: {  	s10 =	sor.u32 $0x9C00, s22;
	s24 =	sadd.s32 s9, s13;
	s9 =	sadd.s32 s9, s1  }
0xe: {  	s21 =	sadd.s32 s7, s12;
	s23 =	sadd.s32 s8, s12;
	s25 =	sadd.s32 s7, s10  }
.Ltmp0:
0xf: {  	s26 =	sadd.s32 s8, s10;
	[dreg:$0x4] =	wrdreg s21;
	(pc) =	sbr.rel .LBB2_1-.Ltmp0, $4  }
0x10: {  	s11 =	sshrl.u32 s24, $0x3;
	s10 =	sadd.s32 $0x1E800, s0;
	[dreg:$0x5] =	wrdreg s23  }
0x11: {  	s12 =	smax.u32 s14, $0x1;
	s14 =	simm.s32 $0x7;
	[dreg:$0x6] =	wrdreg s25  }
0x12: {  	s0 =	simm.s32 $0x0;
	[dreg:$0x7] =	wrdreg s26;
	s11 =	sadd.s32 s2, s11  }
0x13: {  	s23 =	simm.s32 $0x8F00;
	s25 =	simm.s32 $0x9F00;
	s26 =	simm.s32 $0x8  }
.LBB2_4:
0x14: {  	_ =	swait.ge [sflag:s31], $0x1000  }
0x15: {  	[sflag:s31] =	ssyncset.done $0x0  }
0x16: {  	[sflag:s31] =	ssyncadd.s32 $0xFFFFF000  }
0x17: {  	[spmem:s1] =	stream.indirect.scatter.add.f32 [tilespmem:s25], [sflag:$0x8], $0x20, s20, s15, $0xb8;
	[tilespmem:$0xFF00] =	vst v63  }
0x18: {  	_ =	swait.ge [sflag:s26], $0x1000  }
0x19: {  	s5 =	simm.s32 @!p0 $0x80;
	[sflag:s26] =	ssyncset.done $0x0  }
0x1a: {  	s6 =	simm.s32 @!p0 $0x2700;
	s7 =	simm.s32 @!p0 $0x4F00;
	[sflag:s26] =	ssyncadd.s32 $0xFFFFF000  }
0x1b: {  	[tilespmem:s7], [sflag:$0x1] =	stream.indirect.gather @!p0 [hbm4b:s4+s5], $0x20, s6, s5, $0xb8;
	[tilespmem:$0xFF00] =	vst v63  }
0x1c: {  	s6 =	simm.s32 @!p0 $0x1  }
0x1d: {  	_ =	swait.ge @!p0 [sflag:s6], $0x1000  }
0x1e: {  	[sflag:s6] =	ssyncset.done @!p0 $0x0  }
0x1f: {  	[sflag:s6] =	ssyncadd.s32 @!p0 $0xFFFFF000;
	s6 =	simm.s32 @!p0 $0x4E80  }
0x20: {  	[spmem:s1] =	stream.indirect.scatter.add.f32 @!p0 [tilespmem:s7], [sflag:$0x8], $0x20, s6, s5, $0xb8;
	[tilespmem:$0xFF00] =	vst v63  }
0x21: {  	s5 =	simm.s32 @!p0 $0x8  }
0x22: {  	_ =	swait.ge @!p0 [sflag:s5], $0x1000  }
0x23: {  	s0 =	sadd.s32 $0x1, s0;
	[sflag:s5] =	ssyncset.done @!p0 $0x0  }
0x24: {  	p1 =	sne.s32 s0, s12;
	[sflag:s5] =	ssyncadd.s32 @!p0 $0xFFFFF000  }
.Ltmp1:
0x25: {  	[bflag:$0x0] =	sbarrier.arrive $0xFFFF;
	(pc) =	sbr.rel @!p1 .LBB2_5-.Ltmp1, $4  }
0x26: {  	[hbm:s11], [sflag:s2] =	dma.local [spmem:s13], $0xA00  }
0x27: {  	_ =	swait.ge [sflag:s26], $0xA00  }
0x28: {  	[sflag:s26] =	ssyncset.done $0x0  }
0x29: {  	[sflag:s26] =	ssyncadd.s32 $0xFFFFF600  }
.LBB2_1:
0x2a: {  	s2 =	rddreg [dreg:$0x4]  }
0x2b: {  	[tilespmem:s3], [sflag:$0x7] =	stream.linear.gather [hbm4b:s2+s3], $0x2700, $0x38;
	[tilespmem:$0xFF00] =	vst v63  }
0x2c: {  	s8 =	rddreg [dreg:$0x5];
	s5 =	simm.s32 $0x2780  }
0x2d: {  	[tilespmem:s5], [sflag:$0x7] =	stream.linear.gather [hbm4b:s8+s3], $0x2700, $0x38;
	[tilespmem:$0xFF00] =	vst v63  }
0x2e: {  	s13 =	simm.s32 @!p0 $0x2700;
	s2 =	simm.s32 @!p0 $0x0;
	s5 =	rddreg [dreg:$0x6]  }
0x2f: {  	[tilespmem:s13], [sflag:$0x7] =	stream.linear.gather @!p0 [hbm4b:s5+s2], $0x80, $0x38;
	[tilespmem:$0xFF00] =	vst v63  }
0x30: {  	s13 =	simm.s32 @!p0 $0x4E80;
	s5 =	rddreg [dreg:$0x7]  }
0x31: {  	[tilespmem:s13], [sflag:$0x7] =	stream.linear.gather @!p0 [hbm4b:s5+s2], $0x80, $0x38;
	[tilespmem:$0xFF00] =	vst v63  }
0x32: {  	s2 =	simm.s32 @!p0 $0x7  }
0x33: {  	_ =	swait.ge @!p0 [sflag:s2], $0x80  }
0x34: {  	[sflag:s2] =	ssyncset.done @!p0 $0x0  }
0x35: {  	[sflag:s2] =	ssyncadd.s32 @!p0 $0xFFFFFF80  }
0x36: {  	_ =	swait.ge @!p0 [sflag:s2], $0x80  }
0x37: {  	[sflag:s2] =	ssyncset.done @!p0 $0x0  }
0x38: {  	[sflag:s2] =	ssyncadd.s32 @!p0 $0xFFFFFF80  }
0x39: {  	_ =	swait.ge [sflag:s14], $0x2700  }
0x3a: {  	[sflag:s14] =	ssyncset.done $0x0  }
0x3b: {  	[sflag:s14] =	ssyncadd.s32 $0xFFFFD900  }
0x3c: {  	_ =	swait.ge [sflag:s14], $0x2700  }
0x3d: {  	[sflag:s14] =	ssyncset.done $0x0  }
0x3e: {  	[sflag:s14] =	ssyncadd.s32 $0xFFFFD900  }
0x3f: {  	[tilespmem:s16], [sflag:$0x1] =	stream.indirect.gather [hbm4b:s4+s15], $0x20, s3, s15, $0xb8;
	[tilespmem:$0xFF00] =	vst v63  }
0x40: {  	s13 =	simm.s32 $0x5F00  }
0x41: {  	[tilespmem:s13], [sflag:$0x2] =	stream.indirect.gather [hbm4b:s4+s15], $0x20, s15, s15, $0xb8;
	[tilespmem:$0xFF00] =	vst v63  }
0x42: {  	s17 =	simm.s32 $0x100  }
0x43: {  	[tilespmem:s19], [sflag:$0x3] =	stream.indirect.gather [hbm4b:s4+s15], $0x20, s17, s15, $0xb8;
	[tilespmem:$0xFF00] =	vst v63  }
0x44: {  	s18 =	simm.s32 $0x180;
	s20 =	simm.s32 $0x7F00;
	s24 =	stileid.u32  }
0x45: {  	[tilespmem:s20], [sflag:$0x4] =	stream.indirect.gather [hbm4b:s4+s15], $0x20, s18, s15, $0xb8;
	[tilespmem:$0xFF00] =	vst v63  }
0x46: {  	s21 =	simm.s32 $0x200;
	s2 =	sshll.u32 s24, $0x6  }
0x47: {  	[tilespmem:s23], [sflag:$0x5] =	stream.indirect.gather [hbm4b:s4+s15], $0x20, s21, s15, $0xb8;
	[tilespmem:$0xFF00] =	vst v63  }
0x48: {  	s22 =	simm.s32 $0x280;
	s2 =	sor.u32 $0x1C08, s2;
	s13 =	sshrl.u32 s9, $0x3  }
0x49: {  	[tilespmem:s25], [sflag:$0x6] =	stream.indirect.gather [hbm4b:s4+s15], $0x20, s22, s15, $0xb8;
	[tilespmem:$0xFF00] =	vst v63  }
0x4a: {  	[spmem:s13], [sflag:s2] =	dma.local [hbm:s10], $0xA00  }
0x4b: {  	_ =	swait.ge [sflag:s26], $0xA00  }
0x4c: {  	[sflag:s26] =	ssyncset.done $0x0  }
0x4d: {  	[sflag:s26] =	ssyncadd.s32 $0xFFFFF600  }
0x4e: {  	s17 =	simm.s32 $0x0;
	[bflag:$0x0] =	sbarrier.arrive $0xFFFF  }
.LBB2_2:
0x4f: {  	_ =	swait.ge [sflag:s28], $0x1000  }
0x50: {  	s18 =	sshra.s32 s17, $0x2;
	[sflag:s28] =	ssyncset.done $0x0  }
0x51: {  	s20 =	sadd.s32 $0x2780, s18;
	[sflag:s28] =	ssyncadd.s32 $0xFFFFF000  }
0x52: {  	[spmem:s1] =	stream.indirect.scatter.add.f32 [tilespmem:s16], [sflag:$0x8], $0x20, s20, s15, $0xb8;
	[tilespmem:$0xFF00] =	vst v63  }
0x53: {  	_ =	swait.ge [sflag:s26], $0x1000  }
0x54: {  	p1 =	seq.s32 s17, $0x9000;
	[sflag:s26] =	ssyncset.done $0x0  }
0x55: {  	s20 =	simm.s32 @p1 $0x2;
	[sflag:s26] =	ssyncadd.s32 $0xFFFFF000  }
0x56: {  	_ =	swait.ge @p1 [sflag:s20], $0x1000  }
0x57: {  	[sflag:s20] =	ssyncset.done @p1 $0x0  }
0x58: {  	[sflag:s20] =	ssyncadd.s32 @p1 $0xFFFFF000;
	s20 =	sshra.s32 @p1 s17, $0x2  }
0x59: {  	s22 =	simm.s32 @p1 $0x80;
	s24 =	simm.s32 @p1 $0x5F00;
	s21 =	sadd.s32 @p1 $0x2800, s20  }
0x5a: {  	[spmem:s1] =	stream.indirect.scatter.add.f32 @p1 [tilespmem:s24], [sflag:$0x8], $0x20, s21, s22, $0xb8;
	[tilespmem:$0xFF00] =	vst v63  }
0x5b: {  	s21 =	simm.s32 @p1 $0x8  }
0x5c: {  	_ =	swait.ge @p1 [sflag:s21], $0x1000  }
0x5d: {  	s6 =	simm.s32 @!p1 $0x80;
	s24 =	sshra.s32 @!p1 s17, $0x2;
	[sflag:s21] =	ssyncset.done @p1 $0x0  }
0x5e: {  	s7 =	simm.s32 @!p1 $0x4F00;
	s5 =	sadd.s32 @!p1 $0x300, s24;
	[sflag:s21] =	ssyncadd.s32 @p1 $0xFFFFF000  }
0x5f: {  	[tilespmem:s7], [sflag:$0x1] =	stream.indirect.gather @!p1 [hbm4b:s4+s6], $0x20, s5, s6, $0xb8;
	[tilespmem:$0xFF00] =	vst v63  }
0x60: {  	s5 =	simm.s32 @!p1 $0x2  }
0x61: {  	_ =	swait.ge @!p1 [sflag:s5], $0x1000  }
0x62: {  	[sflag:s5] =	ssyncset.done @!p1 $0x0  }
0x63: {  	s7 =	simm.s32 @!p1 $0x5F00;
	[sflag:s5] =	ssyncadd.s32 @!p1 $0xFFFFF000;
	s5 =	sadd.s32 @!p1 $0x2800, s24  }
0x64: {  	[spmem:s1] =	stream.indirect.scatter.add.f32 @!p1 [tilespmem:s7], [sflag:$0x8], $0x20, s5, s6, $0xb8;
	[tilespmem:$0xFF00] =	vst v63  }
0x65: {  	s5 =	simm.s32 @!p1 $0x8  }
0x66: {  	_ =	swait.ge @!p1 [sflag:s5], $0x1000  }
0x67: {  	[sflag:s5] =	ssyncset.done @!p1 $0x0  }
0x68: {  	s8 =	sadd.s32 @!p1 $0x380, s24;
	[sflag:s5] =	ssyncadd.s32 @!p1 $0xFFFFF000  }
0x69: {  	[tilespmem:s7], [sflag:$0x2] =	stream.indirect.gather @!p1 [hbm4b:s4+s6], $0x20, s8, s6, $0xb8;
	[tilespmem:$0xFF00] =	vst v63  }
0x6a: {  	_ =	swait.ge [sflag:s29], $0x1000  }
0x6b: {  	[sflag:s29] =	ssyncset.done $0x0  }
0x6c: {  	s8 =	sadd.s32 $0x2880, s18;
	[sflag:s29] =	ssyncadd.s32 $0xFFFFF000  }
0x6d: {  	[spmem:s1] =	stream.indirect.scatter.add.f32 [tilespmem:s19], [sflag:$0x8], $0x20, s8, s15, $0xb8;
	[tilespmem:$0xFF00] =	vst v63  }
0x6e: {  	_ =	swait.ge [sflag:s26], $0x1000  }
0x6f: {  	[sflag:s26] =	ssyncset.done $0x0  }
0x70: {  	s7 =	simm.s32 @p1 $0x4;
	[sflag:s26] =	ssyncadd.s32 $0xFFFFF000  }
0x71: {  	_ =	swait.ge @p1 [sflag:s7], $0x1000  }
0x72: {  	[sflag:s7] =	ssyncset.done @p1 $0x0  }
0x73: {  	s8 =	simm.s32 @p1 $0x7F00;
	[sflag:s7] =	ssyncadd.s32 @p1 $0xFFFFF000;
	s7 =	sadd.s32 @p1 $0x2900, s20  }
0x74: {  	[spmem:s1] =	stream.indirect.scatter.add.f32 @p1 [tilespmem:s8], [sflag:$0x8], $0x20, s7, s22, $0xb8;
	[tilespmem:$0xFF00] =	vst v63  }
0x75: {  	_ =	swait.ge @p1 [sflag:s21], $0x1000  }
0x76: {  	[sflag:s21] =	ssyncset.done @p1 $0x0  }
0x77: {  	s7 =	sadd.s32 @!p1 $0x400, s24;
	s8 =	simm.s32 @!p1 $0x6F00;
	[sflag:s21] =	ssyncadd.s32 @p1 $0xFFFFF000  }
0x78: {  	[tilespmem:s8], [sflag:$0x3] =	stream.indirect.gather @!p1 [hbm4b:s4+s6], $0x20, s7, s6, $0xb8;
	[tilespmem:$0xFF00] =	vst v63  }
0x79: {  	s7 =	simm.s32 @!p1 $0x4  }
0x7a: {  	_ =	swait.ge @!p1 [sflag:s7], $0x1000  }
0x7b: {  	[sflag:s7] =	ssyncset.done @!p1 $0x0  }
0x7c: {  	s8 =	simm.s32 @!p1 $0x7F00;
	[sflag:s7] =	ssyncadd.s32 @!p1 $0xFFFFF000;
	s7 =	sadd.s32 @!p1 $0x2900, s24  }
0x7d: {  	[spmem:s1] =	stream.indirect.scatter.add.f32 @!p1 [tilespmem:s8], [sflag:$0x8], $0x20, s7, s6, $0xb8;
	[tilespmem:$0xFF00] =	vst v63  }
0x7e: {  	_ =	swait.ge @!p1 [sflag:s5], $0x1000  }
0x7f: {  	[sflag:s5] =	ssyncset.done @!p1 $0x0  }
0x80: {  	[sflag:s5] =	ssyncadd.s32 @!p1 $0xFFFFF000;
	s5 =	sadd.s32 @!p1 $0x480, s24  }
0x81: {  	[tilespmem:s8], [sflag:$0x4] =	stream.indirect.gather @!p1 [hbm4b:s4+s6], $0x20, s5, s6, $0xb8;
	[tilespmem:$0xFF00] =	vst v63  }
0x82: {  	_ =	swait.ge [sflag:s30], $0x1000  }
0x83: {  	[sflag:s30] =	ssyncset.done $0x0  }
.Ltmp2:
0x84: {  	s24 =	sadd.s32 $0x2980, s18;
	[sflag:s30] =	ssyncadd.s32 $0xFFFFF000;
	(pc) =	sbr.rel @p1 .LBB2_4-.Ltmp2, $4  }
0x85: {  	[spmem:s1] =	stream.indirect.scatter.add.f32 [tilespmem:s23], [sflag:$0x8], $0x20, s24, s15, $0xb8;
	[tilespmem:$0xFF00] =	vst v63  }
0x86: {  	_ =	swait.ge [sflag:s26], $0x1000  }
0x87: {  	[sflag:s26] =	ssyncset.done $0x0  }
0x88: {  	s20 =	sadd.s32 $0x2A00, s18;
	[sflag:s26] =	ssyncadd.s32 $0xFFFFF000  }
0x89: {  	s5 =	sadd.s32 $0x500, s18  }
0x8a: {  	[tilespmem:s23], [sflag:$0x5] =	stream.indirect.gather [hbm4b:s4+s15], $0x20, s5, s15, $0xb8;
	[tilespmem:$0xFF00] =	vst v63  }
0x8b: {  	_ =	swait.ge [sflag:s31], $0x1000  }
0x8c: {  	[sflag:s31] =	ssyncset.done $0x0  }
0x8d: {  	[sflag:s31] =	ssyncadd.s32 $0xFFFFF000  }
0x8e: {  	[spmem:s1] =	stream.indirect.scatter.add.f32 [tilespmem:s25], [sflag:$0x8], $0x20, s20, s15, $0xb8;
	[tilespmem:$0xFF00] =	vst v63  }
.Ltmp3:
0x8f: {  	_ = 	snop;
	(pc) =	sbr.rel .LBB2_2-.Ltmp3, $4  }
0x90: {  	_ =	swait.ge [sflag:s26], $0x1000  }
0x91: {  	[sflag:s26] =	ssyncset.done $0x0  }
0x92: {  	s24 =	sadd.s32 $0x580, s18;
	s17 =	sadd.s32 $0xC00, s17;
	[sflag:s26] =	ssyncadd.s32 $0xFFFFF000  }
0x93: {  	[tilespmem:s25], [sflag:$0x6] =	stream.indirect.gather [hbm4b:s4+s15], $0x20, s24, s15, $0xb8;
	[tilespmem:$0xFF00] =	vst v63  }
.LBB2_5:
0x94: {  	_ =	sfence.sel $0x180000  }
0x95: {  	[bflag:$0x0] =	sbarrier.arrive $0xFFFF  }
0x96: {  	_ =	strace $0x9000004A  }
0x97: {  	s0 =	stileid.u32;
	[bflag:$0x2] =	sbarrier.arrive $0xFFFF  }
0x98: {  	p0 =	sne.s32 s0, $0x0;
	s0 =	rddreg [dreg:$0x3]  }
0x99: {  	s0 =	sadd.s32 @!p0 $0x100000, s0  }
0x9a: {  	[sflag:s0] =	ssyncadd.tile.s32 @!p0 $0x1;
	_ =	shalt  }
.Lfunc_end2:
_tile_overlayer_lowered:
.L_overlay_start_2:
0x9b: {  	(tag) =	ssettag $0x2  }
0x9c: {  	s0 =	rddreg [dreg:$0x0];
	s2 =	stileid.u32  }
0x9d: {  	s1 =	rddreg [dreg:$0x1];
	p0 =	sne.s32 s2, $0x0  }
0x9e: {  	s3 =	rddreg [dreg:$0x2];
	[bflag:$0x3] =	sbarrier.arrive $0xFFFF;
	s2 =	simm.s32 @!p0 $0x1C08  }
0x9f: {  	[timem:s3], [sflag:s2] =	dma.local @!p0 [hbm:s0], s1  }
0xa0: {  	s0 =	simm.s32 @!p0 $0x8  }
0xa1: {  	_ =	swait.ge @!p0 [sflag:s0], s1  }
0xa2: {  	s1 =	ssub.s32 @!p0 $0x0, s1;
	[sflag:s0] =	ssyncset.done @!p0 $0x0  }
0xa3: {  	[sflag:s0] =	ssyncadd.s32 @!p0 s1  }
0xa4: {  	[bflag:$0x3] =	sbarrier.arrive $0xFFFF  }
0xa5: {  	_ =	shalt  }

// kernel: kernel.8.cloned.1.call-start
scs
__scs_entry_jumppad:
0x0: {  	(pc) =	sbr.rel $0x88, $3  }
0x1: {  	(tag) =	ssettag $0x0;
	lr =	simm.s32 $0x1  }
0x2: {  	[smem:$0x3F9B] =	sst lr;
	_ =	strace $0xD0000000  }
0x3: {  	_ = 	snop  }
0x4: {  	_ = 	snop  }
0x5: {  	_ = 	snop  }
0x6: {  	_ = 	snop  }
0x7: {  	_ = 	snop  }
__scs_overlays_trampoline_lowered:
0x8: {  	[smem:$0x3FAA] =	sst s0  }
0x9: {  	[smem:$0x3FAB] =	sst s1  }
0xa: {  	[smem:$0x3FAC] =	sst s2  }
0xb: {  	[smem:$0x3FAD] =	sst s3  }
0xc: {  	[smem:$0x3FAE] =	sst s4  }
0xd: {  	[smem:$0x3FAF] =	sst s5  }
0xe: {  	[smem:$0x3FB0] =	sst s6  }
0xf: {  	[smem:$0x3FB1] =	sst s7  }
0x10: {  	[smem:$0x3FB2] =	sst s8  }
0x11: {  	[smem:$0x3FB3] =	sst s9;
	s0 =	simm.s32 @!p0 $0x0  }
0x12: {  	s1 =	sld [smem:$0x3F99];
	s0 =	simm.s32 @p0 $0x1  }
0x13: {  	[smem:$0x3FB4] =	sst s0;
	s0 =	simm.s32 @!p1 $0x0  }
0x14: {  	s2 =	sld [smem:$0x3F98];
	s0 =	simm.s32 @p1 $0x1  }
0x15: {  	[smem:$0x3FB5] =	sst s0;
	s0 =	simm.s32 @!p2 $0x0  }
0x16: {  	s3 =	sld [smem:$0x3FDB];
	s0 =	simm.s32 @p2 $0x1  }
0x17: {  	s4 =	simm.s32 $0x1BF5;
	[smem:$0x3FB7] =	sst s0  }
0x18: {  	s0 =	sld [smem:$0x3F9A];
	_ =	swait.ge [sflag:s4], $0x0  }
0x19: {  	s7 =	sld [smem:$0x3F9B]  }
0x1a: {  	s8 =	sadd.s32 $0xFFFFE003, lr  }
0x1b: {  	s9 =	sadd.s32 $0xFFFFFEF7, lr;
	s5 =	simm.s32 $0xFFFFFFFF;
	p2 =	slt.u32 s8, $0xFFFFF086  }
0x1c: {  	p1 =	slt.u32 s9, $0xF7A;
	s5 =	simm.s32 @!p2 $0x0  }
0x1d: {  	s5 =	simm.s32 @p1 $0x1;
	p0 =	seq.s32 s7, s2  }
0x1e: {  	s7 =	smul.u32 @!p0 $0xF7A, s2;
	p2 =	seq.s32 @!p0 s5, $0x0  }
0x1f: {  	s9 =	smul.u32 $0xF7A, s1;
	s8 =	simm.s32 @!p0 $0x1BF5;
	p2 =	por !p2, p0  }
0x20: {  	[sflag:s8] =	ssyncset.s32 @!p0 $0xFFFFF086;
	s6 =	sadd.s32 @!p0 s3, s7;
	s7 =	simm.s32 @!p0 $0x108  }
0x21: {  	s3 =	sadd.s32 s3, s9;
	s6 =	sadd.s32 @!p0 $0x88, s6;
	s7 =	simm.s32 @p2 $0x1082  }
0x22: {  	[simem:s7], [sflag:s8] =	dma.local @!p0 [hbm:s6], $0xF7A  }
0x23: {  	s9 =	sor.u32 $0xD0000000, s2;
	s6 =	simm.s32 $0x108;
	_ =	swait.ge @!p0 [sflag:s8], $0x0  }
0x24: {  	s3 =	sadd.s32 $0x88, s3;
	s6 =	simm.s32 @!p1 $0x1082;
	[sflag:s4] =	ssyncset.s32 $0xFFFFF086  }
0x25: {  	[simem:s6], [sflag:s4] =	dma.local [hbm:s3], $0xF7A  }
0x26: {  	[smem:$0x3F9B] =	sst s1;
	(tag) =	ssettag s2;
	_ =	strace s9  }
0x27: {  	s1 =	sld [smem:$0x3FAB]  }
0x28: {  	s2 =	sld [smem:$0x3FAC]  }
0x29: {  	s4 =	sld [smem:$0x3FAE]  }
0x2a: {  	p0 =	seq.s32 s5, $0x0;
	s5 =	sld [smem:$0x3FAF]  }
0x2b: {  	s6 =	sld [smem:$0x3FB0]  }
0x2c: {  	s7 =	sld [smem:$0x3FB1]  }
0x2d: {  	s3 =	simm.s32 $0x108;
	s8 =	sld [smem:$0x3FB2]  }
0x2e: {  	s3 =	simm.s32 @!p0 $0x1082;
	s9 =	sld [smem:$0x3FB3]  }
0x2f: {  	lr =	sadd.s32 s0, s3;
	s0 =	sld [smem:$0x3FAA]  }
0x30: {  	s3 =	sld [smem:$0x3FAD]  }
0x31: {  	[smem:$0x3FB6] =	sst s10  }
0x32: {  	s10 =	sld [smem:$0x3FB4];
	_ =	sdelay $0x3  }
0x33: {  	p0 =	seq.s32 s10, $0x1;
	s10 =	sld [smem:$0x3FB6];
	_ =	sdelay $0x3  }
0x34: {  	[smem:$0x3FB6] =	sst s10  }
0x35: {  	s10 =	sld [smem:$0x3FB5];
	_ =	sdelay $0x3  }
0x36: {  	p1 =	seq.s32 s10, $0x1;
	s10 =	sld [smem:$0x3FB6];
	_ =	sdelay $0x3  }
0x37: {  	[smem:$0x3FB6] =	sst s10  }
0x38: {  	s10 =	sld [smem:$0x3FB7]  }
0x39: {  	_ = 	snop;
	(pc) =	sbr.ind lr, $3  }
0x3a: {  	_ = 	snop  }
0x3b: {  	_ = 	snop  }
0x3c: {  	p2 =	seq.s32 s10, $0x1;
	s10 =	sld [smem:$0x3FB6]  }
0x3d: {  	_ =	shalt  }
0x3e: {  	_ =	shalt  }
0x3f: {  	_ =	shalt  }
0x40: {  	_ =	shalt  }
0x41: {  	_ =	shalt  }
0x42: {  	_ =	shalt  }
0x43: {  	_ =	shalt  }
0x44: {  	_ =	shalt  }
0x45: {  	_ =	shalt  }
0x46: {  	_ =	shalt  }
0x47: {  	_ =	shalt  }
0x48: {  	_ =	shalt  }
0x49: {  	_ =	shalt  }
0x4a: {  	_ =	shalt  }
0x4b: {  	_ =	shalt  }
0x4c: {  	_ =	shalt  }
0x4d: {  	_ =	shalt  }
0x4e: {  	_ =	shalt  }
0x4f: {  	_ =	shalt  }
0x50: {  	_ =	shalt  }
0x51: {  	_ =	shalt  }
0x52: {  	_ =	shalt  }
0x53: {  	_ =	shalt  }
0x54: {  	_ =	shalt  }
0x55: {  	_ =	shalt  }
0x56: {  	_ =	shalt  }
0x57: {  	_ =	shalt  }
0x58: {  	_ =	shalt  }
0x59: {  	_ =	shalt  }
0x5a: {  	_ =	shalt  }
0x5b: {  	_ =	shalt  }
0x5c: {  	_ =	shalt  }
0x5d: {  	_ =	shalt  }
0x5e: {  	_ =	shalt  }
0x5f: {  	_ =	shalt  }
0x60: {  	_ =	shalt  }
0x61: {  	_ =	shalt  }
0x62: {  	_ =	shalt  }
0x63: {  	_ =	shalt  }
0x64: {  	_ =	shalt  }
0x65: {  	_ =	shalt  }
0x66: {  	_ =	shalt  }
0x67: {  	_ =	shalt  }
0x68: {  	_ =	shalt  }
0x69: {  	_ =	shalt  }
0x6a: {  	_ =	shalt  }
0x6b: {  	_ =	shalt  }
0x6c: {  	_ =	shalt  }
0x6d: {  	_ =	shalt  }
0x6e: {  	_ =	shalt  }
0x6f: {  	_ =	shalt  }
0x70: {  	_ =	shalt  }
0x71: {  	_ =	shalt  }
0x72: {  	_ =	shalt  }
0x73: {  	_ =	shalt  }
0x74: {  	_ =	shalt  }
0x75: {  	_ =	shalt  }
0x76: {  	_ =	shalt  }
0x77: {  	_ =	shalt  }
0x78: {  	_ =	shalt  }
0x79: {  	_ =	shalt  }
0x7a: {  	_ =	shalt  }
0x7b: {  	_ =	shalt  }
0x7c: {  	_ =	shalt  }
0x7d: {  	_ =	shalt  }
0x7e: {  	_ =	shalt  }
0x7f: {  	_ =	shalt  }
0x80: {  	_ =	shalt  }
0x81: {  	_ =	shalt  }
0x82: {  	_ =	shalt  }
0x83: {  	_ =	shalt  }
0x84: {  	_ =	shalt  }
0x85: {  	_ =	shalt  }
0x86: {  	_ =	shalt  }
0x87: {  	_ =	shalt  }
.Lfunc_end0:
.L_simem_size_0:
called_computation_lowered:
.L_overlay_start_0:
0x88: {  	s2 =	sld [smem:$0x3FD9]  }
0x89: {  	s3 =	sld [smem:$0x3FFE];
	_ =	sdelay $0x1  }
0x8a: {  	s1 =	srdreg.scid  }
0x8b: {  	s0 =	sand.u32 $0x1, s1  }
0x8c: {  	s17 =	sshll.u32 s0, $0xA;
	s2 =	sadd.s32 s3, s2  }
0x8d: {  	s2 =	sadd.s32 s2, s17  }
0x8e: {  	[smem:$0x3FC2] =	sst s2  }
0x8f: {  	_ = 	snop  }
0x90: {  	s2 =	sld [smem:$0x3FD0];
	(tm) =	ssettm $0x1  }
0x91: {  	s18 =	sld [smem:$0x3FFB];
	_ =	sdelay $0x3  }
0x92: {  	_ =	strace s18  }
0x93: {  	s3 =	sld [smem:$0x3FFC];
	_ =	sdelay $0x3  }
0x94: {  	_ =	strace s3  }
0x95: {  	s3 =	sld [smem:$0x3FFD];
	_ =	sdelay $0x3  }
0x96: {  	_ =	strace s3  }
0x97: {  	_ =	strace $0x8FFFFFFF  }
0x98: {  	s19 =	sld [smem:$0x3FDB];
	_ =	sdelay $0x1  }
0x99: {  	s4 =	simm.s32 $_scs_section_size  }
0x9a: {  	s5 =	simm.s32 $_size__tile_overlayer_lowered;
	s6 =	simm.s32 $_tile_overlayer_lowered  }
0x9b: {  	s22 =	simm.s32 $0x1BFF;
	s21 =	sshll.u32 s6, $0x1;
	s3 =	sadd.s32 s4, s19  }
0x9c: {  	s7 =	simm.s32 $0x0;
	s20 =	sshll.u32 s5, $0x1;
	s5 =	sadd.s32 s21, s3  }
0x9d: {  	[timem:s7], [sflag:s22] =	dma.local [hbm:s5], s20  }
0x9e: {  	_ =	swait.ge [sflag:s22], s20  }
0x9f: {  	s4 =	ssub.s32 $0x0, s20;
	[sflag:s22] =	ssyncset.done $0x0  }
0xa0: {  	[sflag:s22] =	ssyncadd.s32 s4;
	_ =	sdelay $0x1  }
0xa1: {  	s23 =	simm.s32 $0x1B8B  }
0xa2: {  	_ =	swait.ge [sflag:s23], $0x1  }
0xa3: {  	[sflag:s23] =	ssyncset.done $0x0  }
0xa4: {  	s25 =	simm.s32 $0x1B8E;
	s24 =	sld [smem:$0x3FFE];
	[sflag:s23] =	ssyncadd.s32 $0xFFFFFFFF  }
0xa5: {  	s26 =	simm.s32 $execute0_lowered;
	[smem:$0x3FD2] =	sst s25  }
0xa6: {  	s5 =	sshll.u32 s26, $0x1;
	_ =	strace $0x80000046;
	[dreg:$0x1] =	wrdreg $0xFFFFFFFF  }
0xa7: {  	s28 =	simm.s32 $_size_execute0_lowered;
	s3 =	sadd.s32 s3, s5;
	[dreg:$0x0] =	wrdreg $0x0  }
0xa8: {  	s5 =	sshll.u32 s28, $0x1;
	[dreg:$0x2] =	wrdreg s3  }
0xa9: {  	[dreg:$0x3] =	wrdreg s5  }
0xaa: {  	[dreg:$0x4] =	wrdreg $0xC0  }
0xab: {  	_ =	task [dreg:s7], $0x5FFFF  }
0xac: {  	[dreg:$0x1] =	wrdreg $0xFFFFFFFF  }
0xad: {  	[dreg:$0x0] =	wrdreg $0x60  }
0xae: {  	[dreg:$0x2] =	wrdreg s24  }
0xaf: {  	[dreg:$0x3] =	wrdreg s2  }
0xb0: {  	[dreg:$0x4] =	wrdreg $0xAF000  }
0xb1: {  	[dreg:$0x5] =	wrdreg $0x9  }
0xb2: {  	_ =	task.clear_ibuf [dreg:s7], $0x6FFFF;
	_ =	strace $0x90000046  }
0xb3: {  	s29 =	simm.s32 $0x9;
	_ =	strace $0x80000048  }
0xb4: {  	_ =	swait.ge [sflag:s29], $0x1  }
0xb5: {  	[sflag:s29] =	ssyncadd.s32 $0xFFFFFFFF  }
0xb6: {  	_ =	strace $0x90000048  }
0xb7: {  	_ =	sfence  }
0xb8: {  	s30 =	sld [smem:$0x0];
	_ =	sdelay $0x2  }
0xb9: {  	s31 =	sshll.u32 s1, $0xD;
	s1 =	sshrl.u32 s1, $0x2  }
0xba: {  	s3 =	sand.u32 $0x4000, s31;
	s1 =	sadd.s32 s1, s30  }
0xbb: {  	s0 =	sor.u32 s3, s0;
	s1 =	sshll.u32 s1, $0x11  }
0xbc: {  	s0 =	sor.u32 s1, s0  }
0xbd: {  	s0 =	sadd.s32 $0x8F2B, s0  }
0xbe: {  	[sflag:s0] =	ssyncadd.remote.s32 $0x1  }
0xbf: {  	_ =	sfence.sel $0xFFFF  }
0xc0: {  	[dreg:$0x0] =	wrdreg $0xFFFFFFFF;
	(pc) =	sbr.abs _section_cstart, $3  }
0xc1: {  	[dreg:$0x1] =	wrdreg $0xFFFFFFFF  }
0xc2: {  	_ =	task.clear_ibuf [dreg:s7], $0x2FFFF;
	_ =	strace $0x9FFFFFFF  }
0xc3: {  	(tm) =	ssettm $0x7FFFFFFF  }
tec
execute0_lowered:
.L_overlay_start_1:
0x0: {  	(tag) =	ssettag $0x1  }
0x1: {  	s0 =	rddreg [dreg:$0x0]  }
0x2: {  	s2 =	rddreg [dreg:$0x1]  }
0x3: {  	s1 =	rddreg [dreg:$0x2];
	s3 =	simm.s32 $0x0  }
0x4: {  	s15 =	stileid.u32;
	s5 =	srdreg.scid;
	s16 =	simm.s32 $0x4F00  }
0x5: {  	s19 =	simm.s32 $0x6F00;
	s28 =	simm.s32 $0x1;
	s29 =	simm.s32 $0x3  }
0x6: {  	s30 =	simm.s32 $0x5;
	s31 =	simm.s32 $0x6;
	[smem:$0x7FF] =	sst s3  }
0x7: {  	s4 =	sadd.s32 $0x14800, s0;
	s9 =	smul.u32 $0x5000, s15;
	s5 =	sand.u32 $0x1, s5  }
0x8: {  	s6 =	sshll.u32 s15, $0x1;
	s7 =	sadd.s32 $0xAA00, s0;
	s8 =	sadd.s32 $0xC00, s0  }
0x9: {  	p0 =	sgt.u32 s15, $0x1;
	s15 =	simm.s32 $0x80;
	_ =	strace $0x80000047  }
0xa: {  	s6 =	sor.u32 s5, s6;
	s11 =	ssub.s32 $0x2, s5;
	s13 =	smul.u32 $0x50000, s5  }
0xb: {  	s10 =	sshrl.u32 s9, $0x3;
	s12 =	smul.u32 $0x4E0, s6;
	s20 =	sshrl.u32 s11, $0x1  }
0xc: {  	s22 =	sshll.u32 s6, $0x4;
	s0 =	sadd.s32 s10, s0;
	s14 =	ssub.s32 s11, s20  }
0xd: {  	s10 =	sor.u32 $0x9C00, s22;
	s24 =	sadd.s32 s9, s13;
	s9 =	sadd.s32 s9, s1  }
0xe: {  	s21 =	sadd.s32 s7, s12;
	s23 =	sadd.s32 s8, s12;
	s25 =	sadd.s32 s7, s10  }
.Ltmp0:
0xf: {  	s26 =	sadd.s32 s8, s10;
	[dreg:$0x4] =	wrdreg s21;
	(pc) =	sbr.rel .LBB2_1-.Ltmp0, $4  }
0x10: {  	s11 =	sshrl.u32 s24, $0x3;
	s10 =	sadd.s32 $0x1E800, s0;
	[dreg:$0x5] =	wrdreg s23  }
0x11: {  	s12 =	smax.u32 s14, $0x1;
	s14 =	simm.s32 $0x7;
	[dreg:$0x6] =	wrdreg s25  }
0x12: {  	s0 =	simm.s32 $0x0;
	[dreg:$0x7] =	wrdreg s26;
	s11 =	sadd.s32 s2, s11  }
0x13: {  	s23 =	simm.s32 $0x8F00;
	s25 =	simm.s32 $0x9F00;
	s26 =	simm.s32 $0x8  }
.LBB2_4:
0x14: {  	_ =	swait.ge [sflag:s31], $0x1000  }
0x15: {  	[sflag:s31] =	ssyncset.done $0x0  }
0x16: {  	[sflag:s31] =	ssyncadd.s32 $0xFFFFF000  }
0x17: {  	[spmem:s1] =	stream.indirect.scatter.add.f32 [tilespmem:s25], [sflag:$0x8], $0x20, s20, s15, $0xb8;
	[tilespmem:$0xFF00] =	vst v63  }
0x18: {  	_ =	swait.ge [sflag:s26], $0x1000  }
0x19: {  	s5 =	simm.s32 @!p0 $0x80;
	[sflag:s26] =	ssyncset.done $0x0  }
0x1a: {  	s6 =	simm.s32 @!p0 $0x2700;
	s7 =	simm.s32 @!p0 $0x4F00;
	[sflag:s26] =	ssyncadd.s32 $0xFFFFF000  }
0x1b: {  	[tilespmem:s7], [sflag:$0x1] =	stream.indirect.gather @!p0 [hbm4b:s4+s5], $0x20, s6, s5, $0xb8;
	[tilespmem:$0xFF00] =	vst v63  }
0x1c: {  	s6 =	simm.s32 @!p0 $0x1  }
0x1d: {  	_ =	swait.ge @!p0 [sflag:s6], $0x1000  }
0x1e: {  	[sflag:s6] =	ssyncset.done @!p0 $0x0  }
0x1f: {  	[sflag:s6] =	ssyncadd.s32 @!p0 $0xFFFFF000;
	s6 =	simm.s32 @!p0 $0x4E80  }
0x20: {  	[spmem:s1] =	stream.indirect.scatter.add.f32 @!p0 [tilespmem:s7], [sflag:$0x8], $0x20, s6, s5, $0xb8;
	[tilespmem:$0xFF00] =	vst v63  }
0x21: {  	s5 =	simm.s32 @!p0 $0x8  }
0x22: {  	_ =	swait.ge @!p0 [sflag:s5], $0x1000  }
0x23: {  	s0 =	sadd.s32 $0x1, s0;
	[sflag:s5] =	ssyncset.done @!p0 $0x0  }
0x24: {  	p1 =	sne.s32 s0, s12;
	[sflag:s5] =	ssyncadd.s32 @!p0 $0xFFFFF000  }
.Ltmp1:
0x25: {  	[bflag:$0x0] =	sbarrier.arrive $0xFFFF;
	(pc) =	sbr.rel @!p1 .LBB2_5-.Ltmp1, $4  }
0x26: {  	[hbm:s11], [sflag:s2] =	dma.local [spmem:s13], $0xA00  }
0x27: {  	_ =	swait.ge [sflag:s26], $0xA00  }
0x28: {  	[sflag:s26] =	ssyncset.done $0x0  }
0x29: {  	[sflag:s26] =	ssyncadd.s32 $0xFFFFF600  }
.LBB2_1:
0x2a: {  	s2 =	rddreg [dreg:$0x4]  }
0x2b: {  	[tilespmem:s3], [sflag:$0x7] =	stream.linear.gather [hbm4b:s2+s3], $0x2700, $0x38;
	[tilespmem:$0xFF00] =	vst v63  }
0x2c: {  	s8 =	rddreg [dreg:$0x5];
	s5 =	simm.s32 $0x2780  }
0x2d: {  	[tilespmem:s5], [sflag:$0x7] =	stream.linear.gather [hbm4b:s8+s3], $0x2700, $0x38;
	[tilespmem:$0xFF00] =	vst v63  }
0x2e: {  	s13 =	simm.s32 @!p0 $0x2700;
	s2 =	simm.s32 @!p0 $0x0;
	s5 =	rddreg [dreg:$0x6]  }
0x2f: {  	[tilespmem:s13], [sflag:$0x7] =	stream.linear.gather @!p0 [hbm4b:s5+s2], $0x80, $0x38;
	[tilespmem:$0xFF00] =	vst v63  }
0x30: {  	s13 =	simm.s32 @!p0 $0x4E80;
	s5 =	rddreg [dreg:$0x7]  }
0x31: {  	[tilespmem:s13], [sflag:$0x7] =	stream.linear.gather @!p0 [hbm4b:s5+s2], $0x80, $0x38;
	[tilespmem:$0xFF00] =	vst v63  }
0x32: {  	s2 =	simm.s32 @!p0 $0x7  }
0x33: {  	_ =	swait.ge @!p0 [sflag:s2], $0x80  }
0x34: {  	[sflag:s2] =	ssyncset.done @!p0 $0x0  }
0x35: {  	[sflag:s2] =	ssyncadd.s32 @!p0 $0xFFFFFF80  }
0x36: {  	_ =	swait.ge @!p0 [sflag:s2], $0x80  }
0x37: {  	[sflag:s2] =	ssyncset.done @!p0 $0x0  }
0x38: {  	[sflag:s2] =	ssyncadd.s32 @!p0 $0xFFFFFF80  }
0x39: {  	_ =	swait.ge [sflag:s14], $0x2700  }
0x3a: {  	[sflag:s14] =	ssyncset.done $0x0  }
0x3b: {  	[sflag:s14] =	ssyncadd.s32 $0xFFFFD900  }
0x3c: {  	_ =	swait.ge [sflag:s14], $0x2700  }
0x3d: {  	[sflag:s14] =	ssyncset.done $0x0  }
0x3e: {  	[sflag:s14] =	ssyncadd.s32 $0xFFFFD900  }
0x3f: {  	[tilespmem:s16], [sflag:$0x1] =	stream.indirect.gather [hbm4b:s4+s15], $0x20, s3, s15, $0xb8;
	[tilespmem:$0xFF00] =	vst v63  }
0x40: {  	s13 =	simm.s32 $0x5F00  }
0x41: {  	[tilespmem:s13], [sflag:$0x2] =	stream.indirect.gather [hbm4b:s4+s15], $0x20, s15, s15, $0xb8;
	[tilespmem:$0xFF00] =	vst v63  }
0x42: {  	s17 =	simm.s32 $0x100  }
0x43: {  	[tilespmem:s19], [sflag:$0x3] =	stream.indirect.gather [hbm4b:s4+s15], $0x20, s17, s15, $0xb8;
	[tilespmem:$0xFF00] =	vst v63  }
0x44: {  	s18 =	simm.s32 $0x180;
	s20 =	simm.s32 $0x7F00;
	s24 =	stileid.u32  }
0x45: {  	[tilespmem:s20], [sflag:$0x4] =	stream.indirect.gather [hbm4b:s4+s15], $0x20, s18, s15, $0xb8;
	[tilespmem:$0xFF00] =	vst v63  }
0x46: {  	s21 =	simm.s32 $0x200;
	s2 =	sshll.u32 s24, $0x6  }
0x47: {  	[tilespmem:s23], [sflag:$0x5] =	stream.indirect.gather [hbm4b:s4+s15], $0x20, s21, s15, $0xb8;
	[tilespmem:$0xFF00] =	vst v63  }
0x48: {  	s22 =	simm.s32 $0x280;
	s2 =	sor.u32 $0x1C08, s2;
	s13 =	sshrl.u32 s9, $0x3  }
0x49: {  	[tilespmem:s25], [sflag:$0x6] =	stream.indirect.gather [hbm4b:s4+s15], $0x20, s22, s15, $0xb8;
	[tilespmem:$0xFF00] =	vst v63  }
0x4a: {  	[spmem:s13], [sflag:s2] =	dma.local [hbm:s10], $0xA00  }
0x4b: {  	_ =	swait.ge [sflag:s26], $0xA00  }
0x4c: {  	[sflag:s26] =	ssyncset.done $0x0  }
0x4d: {  	[sflag:s26] =	ssyncadd.s32 $0xFFFFF600  }
0x4e: {  	s17 =	simm.s32 $0x0;
	[bflag:$0x0] =	sbarrier.arrive $0xFFFF  }
.LBB2_2:
0x4f: {  	_ =	swait.ge [sflag:s28], $0x1000  }
0x50: {  	s18 =	sshra.s32 s17, $0x2;
	[sflag:s28] =	ssyncset.done $0x0  }
0x51: {  	s20 =	sadd.s32 $0x2780, s18;
	[sflag:s28] =	ssyncadd.s32 $0xFFFFF000  }
0x52: {  	[spmem:s1] =	stream.indirect.scatter.add.f32 [tilespmem:s16], [sflag:$0x8], $0x20, s20, s15, $0xb8;
	[tilespmem:$0xFF00] =	vst v63  }
0x53: {  	_ =	swait.ge [sflag:s26], $0x1000  }
0x54: {  	p1 =	seq.s32 s17, $0x9000;
	[sflag:s26] =	ssyncset.done $0x0  }
0x55: {  	s20 =	simm.s32 @p1 $0x2;
	[sflag:s26] =	ssyncadd.s32 $0xFFFFF000  }
0x56: {  	_ =	swait.ge @p1 [sflag:s20], $0x1000  }
0x57: {  	[sflag:s20] =	ssyncset.done @p1 $0x0  }
0x58: {  	[sflag:s20] =	ssyncadd.s32 @p1 $0xFFFFF000;
	s20 =	sshra.s32 @p1 s17, $0x2  }
0x59: {  	s22 =	simm.s32 @p1 $0x80;
	s24 =	simm.s32 @p1 $0x5F00;
	s21 =	sadd.s32 @p1 $0x2800, s20  }
0x5a: {  	[spmem:s1] =	stream.indirect.scatter.add.f32 @p1 [tilespmem:s24], [sflag:$0x8], $0x20, s21, s22, $0xb8;
	[tilespmem:$0xFF00] =	vst v63  }
0x5b: {  	s21 =	simm.s32 @p1 $0x8  }
0x5c: {  	_ =	swait.ge @p1 [sflag:s21], $0x1000  }
0x5d: {  	s6 =	simm.s32 @!p1 $0x80;
	s24 =	sshra.s32 @!p1 s17, $0x2;
	[sflag:s21] =	ssyncset.done @p1 $0x0  }
0x5e: {  	s7 =	simm.s32 @!p1 $0x4F00;
	s5 =	sadd.s32 @!p1 $0x300, s24;
	[sflag:s21] =	ssyncadd.s32 @p1 $0xFFFFF000  }
0x5f: {  	[tilespmem:s7], [sflag:$0x1] =	stream.indirect.gather @!p1 [hbm4b:s4+s6], $0x20, s5, s6, $0xb8;
	[tilespmem:$0xFF00] =	vst v63  }
0x60: {  	s5 =	simm.s32 @!p1 $0x2  }
0x61: {  	_ =	swait.ge @!p1 [sflag:s5], $0x1000  }
0x62: {  	[sflag:s5] =	ssyncset.done @!p1 $0x0  }
0x63: {  	s7 =	simm.s32 @!p1 $0x5F00;
	[sflag:s5] =	ssyncadd.s32 @!p1 $0xFFFFF000;
	s5 =	sadd.s32 @!p1 $0x2800, s24  }
0x64: {  	[spmem:s1] =	stream.indirect.scatter.add.f32 @!p1 [tilespmem:s7], [sflag:$0x8], $0x20, s5, s6, $0xb8;
	[tilespmem:$0xFF00] =	vst v63  }
0x65: {  	s5 =	simm.s32 @!p1 $0x8  }
0x66: {  	_ =	swait.ge @!p1 [sflag:s5], $0x1000  }
0x67: {  	[sflag:s5] =	ssyncset.done @!p1 $0x0  }
0x68: {  	s8 =	sadd.s32 @!p1 $0x380, s24;
	[sflag:s5] =	ssyncadd.s32 @!p1 $0xFFFFF000  }
0x69: {  	[tilespmem:s7], [sflag:$0x2] =	stream.indirect.gather @!p1 [hbm4b:s4+s6], $0x20, s8, s6, $0xb8;
	[tilespmem:$0xFF00] =	vst v63  }
0x6a: {  	_ =	swait.ge [sflag:s29], $0x1000  }
0x6b: {  	[sflag:s29] =	ssyncset.done $0x0  }
0x6c: {  	s8 =	sadd.s32 $0x2880, s18;
	[sflag:s29] =	ssyncadd.s32 $0xFFFFF000  }
0x6d: {  	[spmem:s1] =	stream.indirect.scatter.add.f32 [tilespmem:s19], [sflag:$0x8], $0x20, s8, s15, $0xb8;
	[tilespmem:$0xFF00] =	vst v63  }
0x6e: {  	_ =	swait.ge [sflag:s26], $0x1000  }
0x6f: {  	[sflag:s26] =	ssyncset.done $0x0  }
0x70: {  	s7 =	simm.s32 @p1 $0x4;
	[sflag:s26] =	ssyncadd.s32 $0xFFFFF000  }
0x71: {  	_ =	swait.ge @p1 [sflag:s7], $0x1000  }
0x72: {  	[sflag:s7] =	ssyncset.done @p1 $0x0  }
0x73: {  	s8 =	simm.s32 @p1 $0x7F00;
	[sflag:s7] =	ssyncadd.s32 @p1 $0xFFFFF000;
	s7 =	sadd.s32 @p1 $0x2900, s20  }
0x74: {  	[spmem:s1] =	stream.indirect.scatter.add.f32 @p1 [tilespmem:s8], [sflag:$0x8], $0x20, s7, s22, $0xb8;
	[tilespmem:$0xFF00] =	vst v63  }
0x75: {  	_ =	swait.ge @p1 [sflag:s21], $0x1000  }
0x76: {  	[sflag:s21] =	ssyncset.done @p1 $0x0  }
0x77: {  	s7 =	sadd.s32 @!p1 $0x400, s24;
	s8 =	simm.s32 @!p1 $0x6F00;
	[sflag:s21] =	ssyncadd.s32 @p1 $0xFFFFF000  }
0x78: {  	[tilespmem:s8], [sflag:$0x3] =	stream.indirect.gather @!p1 [hbm4b:s4+s6], $0x20, s7, s6, $0xb8;
	[tilespmem:$0xFF00] =	vst v63  }
0x79: {  	s7 =	simm.s32 @!p1 $0x4  }
0x7a: {  	_ =	swait.ge @!p1 [sflag:s7], $0x1000  }
0x7b: {  	[sflag:s7] =	ssyncset.done @!p1 $0x0  }
0x7c: {  	s8 =	simm.s32 @!p1 $0x7F00;
	[sflag:s7] =	ssyncadd.s32 @!p1 $0xFFFFF000;
	s7 =	sadd.s32 @!p1 $0x2900, s24  }
0x7d: {  	[spmem:s1] =	stream.indirect.scatter.add.f32 @!p1 [tilespmem:s8], [sflag:$0x8], $0x20, s7, s6, $0xb8;
	[tilespmem:$0xFF00] =	vst v63  }
0x7e: {  	_ =	swait.ge @!p1 [sflag:s5], $0x1000  }
0x7f: {  	[sflag:s5] =	ssyncset.done @!p1 $0x0  }
0x80: {  	[sflag:s5] =	ssyncadd.s32 @!p1 $0xFFFFF000;
	s5 =	sadd.s32 @!p1 $0x480, s24  }
0x81: {  	[tilespmem:s8], [sflag:$0x4] =	stream.indirect.gather @!p1 [hbm4b:s4+s6], $0x20, s5, s6, $0xb8;
	[tilespmem:$0xFF00] =	vst v63  }
0x82: {  	_ =	swait.ge [sflag:s30], $0x1000  }
0x83: {  	[sflag:s30] =	ssyncset.done $0x0  }
.Ltmp2:
0x84: {  	s24 =	sadd.s32 $0x2980, s18;
	[sflag:s30] =	ssyncadd.s32 $0xFFFFF000;
	(pc) =	sbr.rel @p1 .LBB2_4-.Ltmp2, $4  }
0x85: {  	[spmem:s1] =	stream.indirect.scatter.add.f32 [tilespmem:s23], [sflag:$0x8], $0x20, s24, s15, $0xb8;
	[tilespmem:$0xFF00] =	vst v63  }
0x86: {  	_ =	swait.ge [sflag:s26], $0x1000  }
0x87: {  	[sflag:s26] =	ssyncset.done $0x0  }
0x88: {  	s20 =	sadd.s32 $0x2A00, s18;
	[sflag:s26] =	ssyncadd.s32 $0xFFFFF000  }
0x89: {  	s5 =	sadd.s32 $0x500, s18  }
0x8a: {  	[tilespmem:s23], [sflag:$0x5] =	stream.indirect.gather [hbm4b:s4+s15], $0x20, s5, s15, $0xb8;
	[tilespmem:$0xFF00] =	vst v63  }
0x8b: {  	_ =	swait.ge [sflag:s31], $0x1000  }
0x8c: {  	[sflag:s31] =	ssyncset.done $0x0  }
0x8d: {  	[sflag:s31] =	ssyncadd.s32 $0xFFFFF000  }
0x8e: {  	[spmem:s1] =	stream.indirect.scatter.add.f32 [tilespmem:s25], [sflag:$0x8], $0x20, s20, s15, $0xb8;
	[tilespmem:$0xFF00] =	vst v63  }
.Ltmp3:
0x8f: {  	_ = 	snop;
	(pc) =	sbr.rel .LBB2_2-.Ltmp3, $4  }
0x90: {  	_ =	swait.ge [sflag:s26], $0x1000  }
0x91: {  	[sflag:s26] =	ssyncset.done $0x0  }
0x92: {  	s24 =	sadd.s32 $0x580, s18;
	s17 =	sadd.s32 $0xC00, s17;
	[sflag:s26] =	ssyncadd.s32 $0xFFFFF000  }
0x93: {  	[tilespmem:s25], [sflag:$0x6] =	stream.indirect.gather [hbm4b:s4+s15], $0x20, s24, s15, $0xb8;
	[tilespmem:$0xFF00] =	vst v63  }
.LBB2_5:
0x94: {  	_ =	sfence.sel $0x180000  }
0x95: {  	[bflag:$0x0] =	sbarrier.arrive $0xFFFF  }
0x96: {  	_ =	strace $0x90000047  }
0x97: {  	s0 =	stileid.u32;
	[bflag:$0x2] =	sbarrier.arrive $0xFFFF  }
0x98: {  	p0 =	sne.s32 s0, $0x0;
	s0 =	rddreg [dreg:$0x3]  }
0x99: {  	s0 =	sadd.s32 @!p0 $0x100000, s0  }
0x9a: {  	[sflag:s0] =	ssyncadd.tile.s32 @!p0 $0x1;
	_ =	shalt  }
.Lfunc_end2:
_tile_overlayer_lowered:
.L_overlay_start_2:
0x9b: {  	(tag) =	ssettag $0x2  }
0x9c: {  	s0 =	rddreg [dreg:$0x0];
	s2 =	stileid.u32  }
0x9d: {  	s1 =	rddreg [dreg:$0x1];
	p0 =	sne.s32 s2, $0x0  }
0x9e: {  	s3 =	rddreg [dreg:$0x2];
	[bflag:$0x3] =	sbarrier.arrive $0xFFFF;
	s2 =	simm.s32 @!p0 $0x1C08  }
0x9f: {  	[timem:s3], [sflag:s2] =	dma.local @!p0 [hbm:s0], s1  }
0xa0: {  	s0 =	simm.s32 @!p0 $0x8  }
0xa1: {  	_ =	swait.ge @!p0 [sflag:s0], s1  }
0xa2: {  	s1 =	ssub.s32 @!p0 $0x0, s1;
	[sflag:s0] =	ssyncset.done @!p0 $0x0  }
0xa3: {  	[sflag:s0] =	ssyncadd.s32 @!p0 s1  }
0xa4: {  	[bflag:$0x3] =	sbarrier.arrive $0xFFFF  }
0xa5: {  	_ =	shalt  }

</sc_bundles>
